<compile_context>
chip_gen: v7x
topology: tpu7x:2x2x1
jax: 0.10.2.dev20260603
libtpu: 0.0.44.dev20260713+nightly
codegen_flags: <defaults>
</compile_context>

<pallas_src>
import functools

import jax
import jax.numpy as jnp
import numpy as np
from jax import lax
from jax.experimental import pallas as pl
from jax.experimental.pallas import tpu as pltpu
from jax.experimental.pallas import tpu_sc as plsc

PS = 5
K_TOP = 10

NUM_CORES = 2
NUM_SUBCORES = 16
NUM_TILES = NUM_CORES * NUM_SUBCORES
LANES = 16


def _make_sc_call(HD, T, C, H, W, Q):
    assert C == LANES
    n_rows = HD * T * H * W
    q_per_tile = Q // NUM_TILES
    meta_row = 3 * LANES
    n_idx = 256
    pp = PS * PS

    mesh = plsc.VectorSubcoreMesh(
        core_axis_name="c", subcore_axis_name="s",
        num_cores=NUM_CORES, num_subcores=NUM_SUBCORES)

    @functools.partial(
        pl.kernel,
        out_type=jax.ShapeDtypeStruct((Q * pp, HD * C), jnp.float32),
        mesh=mesh,
        compiler_params=pltpu.CompilerParams(
            use_tc_tiling_on_sc=False, needs_layout_passes=False),
        scratch_types=[
            pltpu.VMEM((q_per_tile * HD * meta_row,), jnp.int32),
            pltpu.VMEM((q_per_tile * HD, LANES), jnp.float32),
            pltpu.VMEM((n_idx,), jnp.int32),
            pltpu.VMEM((n_idx,), jnp.int32),
            pltpu.VMEM((128,), jnp.int32),
            pltpu.VMEM((128,), jnp.int32),
            pltpu.VMEM((n_idx, LANES), jnp.float32),
            pltpu.VMEM((pp, HD * C), jnp.float32),
            pltpu.SemaphoreType.DMA,
        ],
    )
    def sc_call(table_hbm, meta_hbm, w_hbm, patk_hbm, pato_hbm, out_hbm,
                meta_v, w_v, patk_v, pato_v, idx0_v, idx1_v, rows_v,
                out_v, sem):
        wid = lax.axis_index("s") * NUM_CORES + lax.axis_index("c")
        pair0 = wid * (q_per_tile * HD)

        pltpu.sync_copy(
            meta_hbm.at[pl.ds(pair0 * meta_row, q_per_tile * HD * meta_row)],
            meta_v)
        pltpu.sync_copy(w_hbm.at[pl.ds(pair0, q_per_tile * HD)], w_v)
        pltpu.sync_copy(patk_hbm, patk_v)
        pltpu.sync_copy(pato_hbm, pato_v)

        def hd_step(hd, q_loc):
            row = q_loc * HD + hd
            mbase = jnp.full((LANES,), row * meta_row, jnp.int32)
            hd_off = hd * (T * H * W)
            for n in range(n_idx // LANES):
                kv = patk_v[pl.ds(n * LANES, LANES)]
                ov = pato_v[pl.ds(n * LANES, LANES)]
                tg = plsc.load_gather(meta_v, [kv + mbase])
                ig = plsc.load_gather(meta_v, [kv + mbase + LANES])
                jg = plsc.load_gather(meta_v, [kv + mbase + 2 * LANES])
                iv = (tg * H + ig) * W + jg + hd_off + ov
                if n < 8:
                    idx0_v[pl.ds(n * LANES, LANES)] = iv
                else:
                    idx1_v[pl.ds((n - 8) * LANES, LANES)] = iv
            c1 = pltpu.async_copy(
                table_hbm.at[idx0_v], rows_v.at[pl.ds(0, 128)], sem)
            c2 = pltpu.async_copy(
                table_hbm.at[idx1_v], rows_v.at[pl.ds(128, 128)], sem)
            c1.wait()
            c2.wait()
            accs = [jnp.zeros((LANES,), jnp.float32) for _ in range(pp)]
            wv = w_v[row, :]
            for k in range(K_TOP):
                ws = jnp.full((LANES,), wv[k], jnp.float32)
                for m in range(pp):
                    accs[m] = accs[m] + ws * rows_v[k * pp + m, :]
            for m in range(pp):
                out_v[m, pl.ds(hd * C, C)] = accs[m]
            return q_loc

        def q_step(p, carry):
            lax.fori_loop(0, HD, hd_step, p)
            q_glob = wid * q_per_tile + p
            pltpu.sync_copy(out_v, out_hbm.at[pl.ds(q_glob * pp, pp)])
            return carry

        lax.fori_loop(0, q_per_tile, q_step, 0)

    return sc_call


def kernel(vid, dists, inds):
    B, HD, T, C, H, W = vid.shape
    Q = dists.shape[2]
    pp = PS * PS

    table = jnp.transpose(vid[0], (0, 1, 3, 4, 2)).reshape(HD * T * H * W, C)

    w = dists[0, :, :, :K_TOP]
    tij = inds[0, :, :, :K_TOP, :]
    w = jnp.transpose(w, (1, 0, 2))
    tij = jnp.transpose(tij, (1, 0, 2, 3))
    w_pad = jnp.pad(w, ((0, 0), (0, 0), (0, LANES - K_TOP)))
    w_pad = w_pad.reshape(Q * HD, LANES)
    tij_pad = jnp.pad(tij, ((0, 0), (0, 0), (0, LANES - K_TOP), (0, 0)))
    meta = jnp.transpose(tij_pad, (0, 1, 3, 2)).reshape(Q * HD * 3 * LANES)

    n = np.arange(256)
    valid = n < K_TOP * pp
    k_pat = np.where(valid, n // pp, 0).astype(np.int32)
    m = np.where(valid, n % pp, 0)
    off_pat = ((m // PS) * W + (m % PS)).astype(np.int32)

    sc_call = _make_sc_call(HD, T, C, H, W, Q)
    out = sc_call(table, meta, w_pad,
                  jnp.asarray(k_pat), jnp.asarray(off_pat))
    return out.reshape(Q * pp, 1, HD * C)

# --- scband reference (transcript-rebuilt; emitter-appended) ---
"""Pipeline reference for scband-wp-sum-agg-28295244546187 (READ-ONLY COPY).

The authoritative reference and input builder live on the scoring server;
editing this copy changes nothing except your own understanding.
"""

import jax, jax.numpy as jnp
import numpy as np

PS = 5        # patch size used by the wpsum callable
K_TOP = 10    # self.k
T_FRAMES = 4

def setup_inputs(seed: int = 0) -> dict:
    key = jax.random.key(seed)
    k1, k2, k3 = jax.random.split(key, 3)
    vid = jax.random.normal(k1, (1, 8, 4, 16, 64, 64), dtype=jnp.float32)
    dists = jax.random.uniform(k2, (1, 8, 1024, 20), dtype=jnp.float32)
    inds = jax.random.randint(k3, (1, 8, 1024, 20, 3), 0, 60, dtype=jnp.int32)
    # first coord is a frame index -> keep it in [0, T)
    inds = inds.at[..., 0].set(inds[..., 0] % T_FRAMES)
    return {"vid": vid, "dists": dists, "inds": inds}

def _wpsum(vid, dists, inds, ps):
    # vid: [B, HD, T, C, H, W]; dists: [B, HD, Q, K]; inds: [B, HD, Q, K, 3] (t, i, j)
    B, HD, T, C, H, W = vid.shape
    Q, K = dists.shape[2], dists.shape[3]
    t = inds[..., 0]
    i = inds[..., 1]
    j = inds[..., 2]
    d = jnp.arange(ps)
    ii = jnp.clip(i[..., None, None] + d[:, None], 0, H - 1)   # [B,HD,Q,K,ps,1]
    jj = jnp.clip(j[..., None, None] + d[None, :], 0, W - 1)   # [B,HD,Q,K,1,ps]
    b_idx = jnp.arange(B).reshape(B, 1, 1, 1, 1, 1)
    h_idx = jnp.arange(HD).reshape(1, HD, 1, 1, 1, 1)
    t_b = t[..., None, None]                                    # [B,HD,Q,K,1,1]
    vid2 = jnp.transpose(vid, (0, 1, 2, 4, 5, 3))               # [B,HD,T,H,W,C]
    pat = vid2[b_idx, h_idx, t_b, ii, jj]                       # [B,HD,Q,K,ps,ps,C]
    w = dists[..., None, None, None]                            # [B,HD,Q,K,1,1,1]
    out = jnp.sum(w * pat, axis=3)                              # [B,HD,Q,ps,ps,C]
    out = jnp.transpose(out, (0, 1, 2, 5, 3, 4))                # [B,HD,Q,C,ps,ps]
    return out

def reference(vid, dists, inds):
    k = K_TOP
    dists = dists[..., :k]
    inds = inds[..., :k, :]
    patches = _wpsum(vid, dists, inds, PS)   # [B,HD,Q,C,ps,ps]
    ntotal = dists.shape[-2]
    B, HD, Qn, C, ph, pw = patches.shape
    o = ntotal
    n = Qn // o
    # rearrange 'b h (o n) c ph pw -> (b o ph pw) n (h c)'
    p = patches.reshape(B, HD, o, n, C, ph, pw)
    p = jnp.transpose(p, (0, 2, 5, 6, 3, 1, 4))  # b, o, ph, pw, n, h, c
    p = p.reshape(B * o * ph * pw, n, HD * C)
    return p

if __name__ == "__main__":
    import jax
    _d = setup_inputs()
    print(jax.jit(kernel)(*tuple(_d.values())))

</pallas_src>

<mosaic_0001>
#map = affine_map<(d0, d1) -> (0, 0)>
#map1 = affine_map<(d0, d1) -> (0)>
module attributes {stable_mosaic.version = 14 : i64} {
  func.func @sc_call(%arg0: i32, %arg1: i32, %arg2: memref<131072x16xf32, #tpu.memory_space<hbm>>, %arg3: memref<393216xi32, #tpu.memory_space<hbm>>, %arg4: memref<8192x16xf32, #tpu.memory_space<hbm>>, %arg5: memref<256xi32, #tpu.memory_space<hbm>>, %arg6: memref<256xi32, #tpu.memory_space<hbm>>, %arg7: memref<25600x128xf32, #tpu.memory_space<hbm>>, %arg8: memref<12288xi32, #tpu.memory_space<vmem>>, %arg9: memref<256x16xf32, #tpu.memory_space<vmem>>, %arg10: memref<256xi32, #tpu.memory_space<vmem>>, %arg11: memref<256xi32, #tpu.memory_space<vmem>>, %arg12: memref<128xi32, #tpu.memory_space<vmem>>, %arg13: memref<128xi32, #tpu.memory_space<vmem>>, %arg14: memref<256x16xf32, #tpu.memory_space<vmem>>, %arg15: memref<25x128xf32, #tpu.memory_space<vmem>>, %arg16: memref<!tpu.dma_semaphore, #tpu.memory_space<semaphore_mem>>) attributes {dimension_semantics = [#tpu.dimension_semantics<core_parallel>, #tpu.dimension_semantics<subcore_parallel>], iteration_bounds = array<i64: 2, 16>, scalar_prefetch = 0 : i64, scratch_operands = 9 : i64, tpu.core_type = #tpu.core_type<sc_vector_subcore>, window_params = [{transform_indices = #map}, {transform_indices = #map1}, {transform_indices = #map}, {transform_indices = #map1}, {transform_indices = #map1}, {transform_indices = #map}]} {
    %mul3A = arith.constant 2 : i32
    %mul3A_0 = arith.muli %arg1, %mul3A : i32
    %add3A = arith.addi %mul3A_0, %arg0 : i32
    %mul3A_1 = arith.constant 256 : i32
    %mul3A_2 = arith.muli %add3A, %mul3A_1 : i32
    %mul3A_3 = arith.constant 48 : i32
    %mul3A_4 = arith.muli %mul3A_2, %mul3A_3 : i32
    "tpu.region"() ({
      %run_scoped3A = tpu.sem_alloc : memref<!tpu.dma_semaphore, #tpu.memory_space<semaphore_mem>>
      %dma_start3A = tpu.memref_slice %arg3[%mul3A_4] : memref<393216xi32, #tpu.memory_space<hbm>> -> memref<12288xi32, #tpu.memory_space<hbm>>
      %dma_start3A_10 = tpu.memref_slice %arg3[%mul3A_4] : memref<393216xi32, #tpu.memory_space<hbm>> -> memref<12288xi32, #tpu.memory_space<hbm>>
      tpu.enqueue_dma source(%dma_start3A_10 : memref<12288xi32, #tpu.memory_space<hbm>>) target(%arg8 : memref<12288xi32, #tpu.memory_space<vmem>>) target_semaphore(%run_scoped3A : memref<!tpu.dma_semaphore, #tpu.memory_space<semaphore_mem>>)
      %dma_wait3A = tpu.memref_slice %arg3[%mul3A_4] : memref<393216xi32, #tpu.memory_space<hbm>> -> memref<12288xi32, #tpu.memory_space<hbm>>
      %dma_wait3A_11 = tpu.memref_slice %arg3[%mul3A_4] : memref<393216xi32, #tpu.memory_space<hbm>> -> memref<12288xi32, #tpu.memory_space<hbm>>
      tpu.wait_dma2 semaphore(%run_scoped3A : memref<!tpu.dma_semaphore, #tpu.memory_space<semaphore_mem>>) src(%dma_wait3A_11 : memref<12288xi32, #tpu.memory_space<hbm>>) dst(%arg8 : memref<12288xi32, #tpu.memory_space<vmem>>)
      tpu.yield
    }) : () -> ()
    "tpu.region"() ({
      %run_scoped3A = tpu.sem_alloc : memref<!tpu.dma_semaphore, #tpu.memory_space<semaphore_mem>>
      %dma_start3A = arith.constant 0 : i32
      %dma_start3A_10 = tpu.memref_slice %arg4[%mul3A_2, %dma_start3A] : memref<8192x16xf32, #tpu.memory_space<hbm>> -> memref<256x16xf32, #tpu.memory_space<hbm>>
      %dma_start3A_11 = arith.constant 0 : i32
      %dma_start3A_12 = tpu.memref_slice %arg4[%mul3A_2, %dma_start3A_11] : memref<8192x16xf32, #tpu.memory_space<hbm>> -> memref<256x16xf32, #tpu.memory_space<hbm>>
      tpu.enqueue_dma source(%dma_start3A_12 : memref<256x16xf32, #tpu.memory_space<hbm>>) target(%arg9 : memref<256x16xf32, #tpu.memory_space<vmem>>) target_semaphore(%run_scoped3A : memref<!tpu.dma_semaphore, #tpu.memory_space<semaphore_mem>>)
      %dma_wait3A = arith.constant 0 : i32
      %dma_wait3A_13 = tpu.memref_slice %arg4[%mul3A_2, %dma_wait3A] : memref<8192x16xf32, #tpu.memory_space<hbm>> -> memref<256x16xf32, #tpu.memory_space<hbm>>
      %dma_wait3A_14 = arith.constant 0 : i32
      %dma_wait3A_15 = tpu.memref_slice %arg4[%mul3A_2, %dma_wait3A_14] : memref<8192x16xf32, #tpu.memory_space<hbm>> -> memref<256x16xf32, #tpu.memory_space<hbm>>
      tpu.wait_dma2 semaphore(%run_scoped3A : memref<!tpu.dma_semaphore, #tpu.memory_space<semaphore_mem>>) src(%dma_wait3A_15 : memref<256x16xf32, #tpu.memory_space<hbm>>) dst(%arg9 : memref<256x16xf32, #tpu.memory_space<vmem>>)
      tpu.yield
    }) : () -> ()
    "tpu.region"() ({
      %run_scoped3A = tpu.sem_alloc : memref<!tpu.dma_semaphore, #tpu.memory_space<semaphore_mem>>
      tpu.enqueue_dma source(%arg5 : memref<256xi32, #tpu.memory_space<hbm>>) target(%arg10 : memref<256xi32, #tpu.memory_space<vmem>>) target_semaphore(%run_scoped3A : memref<!tpu.dma_semaphore, #tpu.memory_space<semaphore_mem>>)
      tpu.wait_dma2 semaphore(%run_scoped3A : memref<!tpu.dma_semaphore, #tpu.memory_space<semaphore_mem>>) src(%arg5 : memref<256xi32, #tpu.memory_space<hbm>>) dst(%arg10 : memref<256xi32, #tpu.memory_space<vmem>>)
      tpu.yield
    }) : () -> ()
    "tpu.region"() ({
      %run_scoped3A = tpu.sem_alloc : memref<!tpu.dma_semaphore, #tpu.memory_space<semaphore_mem>>
      tpu.enqueue_dma source(%arg6 : memref<256xi32, #tpu.memory_space<hbm>>) target(%arg11 : memref<256xi32, #tpu.memory_space<vmem>>) target_semaphore(%run_scoped3A : memref<!tpu.dma_semaphore, #tpu.memory_space<semaphore_mem>>)
      tpu.wait_dma2 semaphore(%run_scoped3A : memref<!tpu.dma_semaphore, #tpu.memory_space<semaphore_mem>>) src(%arg6 : memref<256xi32, #tpu.memory_space<hbm>>) dst(%arg11 : memref<256xi32, #tpu.memory_space<vmem>>)
      tpu.yield
    }) : () -> ()
    %scan3A = arith.constant 0 : i32
    %scan3A_5 = arith.constant 0 : i32
    %scan3A_6 = arith.constant 32 : i32
    %scan3A_7 = arith.addi %scan3A_5, %scan3A_6 : i32
    %scan3A_8 = arith.constant 1 : i32
    scf.for %scan3A_10 = %scan3A_5 to %scan3A_7 step %scan3A_8  : i32 {
      %scan3A_11 = arith.constant 0 : i32
      %scan3A_12 = arith.constant 8 : i32
      %scan3A_13 = arith.addi %scan3A_11, %scan3A_12 : i32
      %scan3A_14 = arith.constant 1 : i32
      scf.for %scan3A_21 = %scan3A_11 to %scan3A_13 step %scan3A_14  : i32 {
        %mul3A_22 = arith.constant 8 : i32
        %mul3A_23 = arith.muli %scan3A_10, %mul3A_22 : i32
        %add3A_24 = arith.addi %mul3A_23, %scan3A_21 : i32
        %mul3A_25 = arith.constant 48 : i32
        %mul3A_26 = arith.muli %add3A_24, %mul3A_25 : i32
        %broadcast_in_dim3A = vector.broadcast %mul3A_26 : i32 to vector<16xi32>
        %mul3A_27 = arith.constant 16384 : i32
        %mul3A_28 = arith.muli %scan3A_21, %mul3A_27 : i32
        %get3A = arith.constant 0 : index
        %get3A_29 = tpu.vector_load %arg10[%get3A] {strides = array<i32>} : memref<256xi32, #tpu.memory_space<vmem>>, vector<16xi32>,
        %get3A_30 = arith.constant 0 : index
        %get3A_31 = tpu.vector_load %arg11[%get3A_30] {strides = array<i32>} : memref<256xi32, #tpu.memory_space<vmem>>, vector<16xi32>,
        %add3A_32 = arith.addi %get3A_29, %broadcast_in_dim3A : vector<16xi32>
        %gather3A = tpu.vector_load_idx %arg8[%add3A_32] : memref<12288xi32, #tpu.memory_space<vmem>>[vector<16xi32>], vector<16xi32>,
        %add3A_33 = arith.addi %get3A_29, %broadcast_in_dim3A : vector<16xi32>
        %add3A_34 = arith.constant 16 : i32
        %add3A_35 = vector.broadcast %add3A_34 : i32 to vector<16xi32>
        %add3A_36 = arith.addi %add3A_33, %add3A_35 : vector<16xi32>
        %gather3A_37 = tpu.vector_load_idx %arg8[%add3A_36] : memref<12288xi32, #tpu.memory_space<vmem>>[vector<16xi32>], vector<16xi32>,
        %add3A_38 = arith.addi %get3A_29, %broadcast_in_dim3A : vector<16xi32>
        %add3A_39 = arith.constant 32 : i32
        %add3A_40 = vector.broadcast %add3A_39 : i32 to vector<16xi32>
        %add3A_41 = arith.addi %add3A_38, %add3A_40 : vector<16xi32>
        %gather3A_42 = tpu.vector_load_idx %arg8[%add3A_41] : memref<12288xi32, #tpu.memory_space<vmem>>[vector<16xi32>], vector<16xi32>,
        %mul3A_43 = arith.constant 64 : i32
        %mul3A_44 = vector.broadcast %mul3A_43 : i32 to vector<16xi32>
        %mul3A_45 = arith.muli %gather3A, %mul3A_44 : vector<16xi32>
        %add3A_46 = arith.addi %mul3A_45, %gather3A_37 : vector<16xi32>
        %mul3A_47 = arith.constant 64 : i32
        %mul3A_48 = vector.broadcast %mul3A_47 : i32 to vector<16xi32>
        %mul3A_49 = arith.muli %add3A_46, %mul3A_48 : vector<16xi32>
        %add3A_50 = arith.addi %mul3A_49, %gather3A_42 : vector<16xi32>
        %add3A_51 = vector.broadcast %mul3A_28 : i32 to vector<16xi32>
        %add3A_52 = arith.addi %add3A_50, %add3A_51 : vector<16xi32>
        %add3A_53 = arith.addi %add3A_52, %get3A_31 : vector<16xi32>
        %swap3A = arith.constant 0 : index
        %swap3A_54 = tpu.vector_load %arg12[%swap3A] {strides = array<i32>} : memref<128xi32, #tpu.memory_space<vmem>>, vector<16xi32>,
        tpu.vector_store %arg12[%swap3A], %add3A_53 {strides = array<i32>} : memref<128xi32, #tpu.memory_space<vmem>>, vector<16xi32>,
        %get3A_55 = arith.constant 16 : index
        %get3A_56 = tpu.vector_load %arg10[%get3A_55] {strides = array<i32>} : memref<256xi32, #tpu.memory_space<vmem>>, vector<16xi32>,
        %get3A_57 = arith.constant 16 : index
        %get3A_58 = tpu.vector_load %arg11[%get3A_57] {strides = array<i32>} : memref<256xi32, #tpu.memory_space<vmem>>, vector<16xi32>,
        %add3A_59 = arith.addi %get3A_56, %broadcast_in_dim3A : vector<16xi32>
        %gather3A_60 = tpu.vector_load_idx %arg8[%add3A_59] : memref<12288xi32, #tpu.memory_space<vmem>>[vector<16xi32>], vector<16xi32>,
        %add3A_61 = arith.addi %get3A_56, %broadcast_in_dim3A : vector<16xi32>
        %add3A_62 = arith.constant 16 : i32
        %add3A_63 = vector.broadcast %add3A_62 : i32 to vector<16xi32>
        %add3A_64 = arith.addi %add3A_61, %add3A_63 : vector<16xi32>
        %gather3A_65 = tpu.vector_load_idx %arg8[%add3A_64] : memref<12288xi32, #tpu.memory_space<vmem>>[vector<16xi32>], vector<16xi32>,
        %add3A_66 = arith.addi %get3A_56, %broadcast_in_dim3A : vector<16xi32>
        %add3A_67 = arith.constant 32 : i32
        %add3A_68 = vector.broadcast %add3A_67 : i32 to vector<16xi32>
        %add3A_69 = arith.addi %add3A_66, %add3A_68 : vector<16xi32>
        %gather3A_70 = tpu.vector_load_idx %arg8[%add3A_69] : memref<12288xi32, #tpu.memory_space<vmem>>[vector<16xi32>], vector<16xi32>,
        %mul3A_71 = arith.constant 64 : i32
        %mul3A_72 = vector.broadcast %mul3A_71 : i32 to vector<16xi32>
        %mul3A_73 = arith.muli %gather3A_60, %mul3A_72 : vector<16xi32>
        %add3A_74 = arith.addi %mul3A_73, %gather3A_65 : vector<16xi32>
        %mul3A_75 = arith.constant 64 : i32
        %mul3A_76 = vector.broadcast %mul3A_75 : i32 to vector<16xi32>
        %mul3A_77 = arith.muli %add3A_74, %mul3A_76 : vector<16xi32>
        %add3A_78 = arith.addi %mul3A_77, %gather3A_70 : vector<16xi32>
        %add3A_79 = vector.broadcast %mul3A_28 : i32 to vector<16xi32>
        %add3A_80 = arith.addi %add3A_78, %add3A_79 : vector<16xi32>
        %add3A_81 = arith.addi %add3A_80, %get3A_58 : vector<16xi32>
        %swap3A_82 = arith.constant 16 : index
        %swap3A_83 = tpu.vector_load %arg12[%swap3A_82] {strides = array<i32>} : memref<128xi32, #tpu.memory_space<vmem>>, vector<16xi32>,
        tpu.vector_store %arg12[%swap3A_82], %add3A_81 {strides = array<i32>} : memref<128xi32, #tpu.memory_space<vmem>>, vector<16xi32>,
        %get3A_84 = arith.constant 32 : index
        %get3A_85 = tpu.vector_load %arg10[%get3A_84] {strides = array<i32>} : memref<256xi32, #tpu.memory_space<vmem>>, vector<16xi32>,
        %get3A_86 = arith.constant 32 : index
        %get3A_87 = tpu.vector_load %arg11[%get3A_86] {strides = array<i32>} : memref<256xi32, #tpu.memory_space<vmem>>, vector<16xi32>,
        %add3A_88 = arith.addi %get3A_85, %broadcast_in_dim3A : vector<16xi32>
        %gather3A_89 = tpu.vector_load_idx %arg8[%add3A_88] : memref<12288xi32, #tpu.memory_space<vmem>>[vector<16xi32>], vector<16xi32>,
        %add3A_90 = arith.addi %get3A_85, %broadcast_in_dim3A : vector<16xi32>
        %add3A_91 = arith.constant 16 : i32
        %add3A_92 = vector.broadcast %add3A_91 : i32 to vector<16xi32>
        %add3A_93 = arith.addi %add3A_90, %add3A_92 : vector<16xi32>
        %gather3A_94 = tpu.vector_load_idx %arg8[%add3A_93] : memref<12288xi32, #tpu.memory_space<vmem>>[vector<16xi32>], vector<16xi32>,
        %add3A_95 = arith.addi %get3A_85, %broadcast_in_dim3A : vector<16xi32>
        %add3A_96 = arith.constant 32 : i32
        %add3A_97 = vector.broadcast %add3A_96 : i32 to vector<16xi32>
        %add3A_98 = arith.addi %add3A_95, %add3A_97 : vector<16xi32>
        %gather3A_99 = tpu.vector_load_idx %arg8[%add3A_98] : memref<12288xi32, #tpu.memory_space<vmem>>[vector<16xi32>], vector<16xi32>,
        %mul3A_100 = arith.constant 64 : i32
        %mul3A_101 = vector.broadcast %mul3A_100 : i32 to vector<16xi32>
        %mul3A_102 = arith.muli %gather3A_89, %mul3A_101 : vector<16xi32>
        %add3A_103 = arith.addi %mul3A_102, %gather3A_94 : vector<16xi32>
        %mul3A_104 = arith.constant 64 : i32
        %mul3A_105 = vector.broadcast %mul3A_104 : i32 to vector<16xi32>
        %mul3A_106 = arith.muli %add3A_103, %mul3A_105 : vector<16xi32>
        %add3A_107 = arith.addi %mul3A_106, %gather3A_99 : vector<16xi32>
        %add3A_108 = vector.broadcast %mul3A_28 : i32 to vector<16xi32>
        %add3A_109 = arith.addi %add3A_107, %add3A_108 : vector<16xi32>
        %add3A_110 = arith.addi %add3A_109, %get3A_87 : vector<16xi32>
        %swap3A_111 = arith.constant 32 : index
        %swap3A_112 = tpu.vector_load %arg12[%swap3A_111] {strides = array<i32>} : memref<128xi32, #tpu.memory_space<vmem>>, vector<16xi32>,
        tpu.vector_store %arg12[%swap3A_111], %add3A_110 {strides = array<i32>} : memref<128xi32, #tpu.memory_space<vmem>>, vector<16xi32>,
        %get3A_113 = arith.constant 48 : index
        %get3A_114 = tpu.vector_load %arg10[%get3A_113] {strides = array<i32>} : memref<256xi32, #tpu.memory_space<vmem>>, vector<16xi32>,
        %get3A_115 = arith.constant 48 : index
        %get3A_116 = tpu.vector_load %arg11[%get3A_115] {strides = array<i32>} : memref<256xi32, #tpu.memory_space<vmem>>, vector<16xi32>,
        %add3A_117 = arith.addi %get3A_114, %broadcast_in_dim3A : vector<16xi32>
        %gather3A_118 = tpu.vector_load_idx %arg8[%add3A_117] : memref<12288xi32, #tpu.memory_space<vmem>>[vector<16xi32>], vector<16xi32>,
        %add3A_119 = arith.addi %get3A_114, %broadcast_in_dim3A : vector<16xi32>
        %add3A_120 = arith.constant 16 : i32
        %add3A_121 = vector.broadcast %add3A_120 : i32 to vector<16xi32>
        %add3A_122 = arith.addi %add3A_119, %add3A_121 : vector<16xi32>
        %gather3A_123 = tpu.vector_load_idx %arg8[%add3A_122] : memref<12288xi32, #tpu.memory_space<vmem>>[vector<16xi32>], vector<16xi32>,
        %add3A_124 = arith.addi %get3A_114, %broadcast_in_dim3A : vector<16xi32>
        %add3A_125 = arith.constant 32 : i32
        %add3A_126 = vector.broadcast %add3A_125 : i32 to vector<16xi32>
        %add3A_127 = arith.addi %add3A_124, %add3A_126 : vector<16xi32>
        %gather3A_128 = tpu.vector_load_idx %arg8[%add3A_127] : memref<12288xi32, #tpu.memory_space<vmem>>[vector<16xi32>], vector<16xi32>,
        %mul3A_129 = arith.constant 64 : i32
        %mul3A_130 = vector.broadcast %mul3A_129 : i32 to vector<16xi32>
        %mul3A_131 = arith.muli %gather3A_118, %mul3A_130 : vector<16xi32>
        %add3A_132 = arith.addi %mul3A_131, %gather3A_123 : vector<16xi32>
        %mul3A_133 = arith.constant 64 : i32
        %mul3A_134 = vector.broadcast %mul3A_133 : i32 to vector<16xi32>
        %mul3A_135 = arith.muli %add3A_132, %mul3A_134 : vector<16xi32>
        %add3A_136 = arith.addi %mul3A_135, %gather3A_128 : vector<16xi32>
        %add3A_137 = vector.broadcast %mul3A_28 : i32 to vector<16xi32>
        %add3A_138 = arith.addi %add3A_136, %add3A_137 : vector<16xi32>
        %add3A_139 = arith.addi %add3A_138, %get3A_116 : vector<16xi32>
        %swap3A_140 = arith.constant 48 : index
        %swap3A_141 = tpu.vector_load %arg12[%swap3A_140] {strides = array<i32>} : memref<128xi32, #tpu.memory_space<vmem>>, vector<16xi32>,
        tpu.vector_store %arg12[%swap3A_140], %add3A_139 {strides = array<i32>} : memref<128xi32, #tpu.memory_space<vmem>>, vector<16xi32>,
        %get3A_142 = arith.constant 64 : index
        %get3A_143 = tpu.vector_load %arg10[%get3A_142] {strides = array<i32>} : memref<256xi32, #tpu.memory_space<vmem>>, vector<16xi32>,
        %get3A_144 = arith.constant 64 : index
        %get3A_145 = tpu.vector_load %arg11[%get3A_144] {strides = array<i32>} : memref<256xi32, #tpu.memory_space<vmem>>, vector<16xi32>,
        %add3A_146 = arith.addi %get3A_143, %broadcast_in_dim3A : vector<16xi32>
        %gather3A_147 = tpu.vector_load_idx %arg8[%add3A_146] : memref<12288xi32, #tpu.memory_space<vmem>>[vector<16xi32>], vector<16xi32>,
        %add3A_148 = arith.addi %get3A_143, %broadcast_in_dim3A : vector<16xi32>
        %add3A_149 = arith.constant 16 : i32
        %add3A_150 = vector.broadcast %add3A_149 : i32 to vector<16xi32>
        %add3A_151 = arith.addi %add3A_148, %add3A_150 : vector<16xi32>
        %gather3A_152 = tpu.vector_load_idx %arg8[%add3A_151] : memref<12288xi32, #tpu.memory_space<vmem>>[vector<16xi32>], vector<16xi32>,
        %add3A_153 = arith.addi %get3A_143, %broadcast_in_dim3A : vector<16xi32>
        %add3A_154 = arith.constant 32 : i32
        %add3A_155 = vector.broadcast %add3A_154 : i32 to vector<16xi32>
        %add3A_156 = arith.addi %add3A_153, %add3A_155 : vector<16xi32>
        %gather3A_157 = tpu.vector_load_idx %arg8[%add3A_156] : memref<12288xi32, #tpu.memory_space<vmem>>[vector<16xi32>], vector<16xi32>,
        %mul3A_158 = arith.constant 64 : i32
        %mul3A_159 = vector.broadcast %mul3A_158 : i32 to vector<16xi32>
        %mul3A_160 = arith.muli %gather3A_147, %mul3A_159 : vector<16xi32>
        %add3A_161 = arith.addi %mul3A_160, %gather3A_152 : vector<16xi32>
        %mul3A_162 = arith.constant 64 : i32
        %mul3A_163 = vector.broadcast %mul3A_162 : i32 to vector<16xi32>
        %mul3A_164 = arith.muli %add3A_161, %mul3A_163 : vector<16xi32>
        %add3A_165 = arith.addi %mul3A_164, %gather3A_157 : vector<16xi32>
        %add3A_166 = vector.broadcast %mul3A_28 : i32 to vector<16xi32>
        %add3A_167 = arith.addi %add3A_165, %add3A_166 : vector<16xi32>
        %add3A_168 = arith.addi %add3A_167, %get3A_145 : vector<16xi32>
        %swap3A_169 = arith.constant 64 : index
        %swap3A_170 = tpu.vector_load %arg12[%swap3A_169] {strides = array<i32>} : memref<128xi32, #tpu.memory_space<vmem>>, vector<16xi32>,
        tpu.vector_store %arg12[%swap3A_169], %add3A_168 {strides = array<i32>} : memref<128xi32, #tpu.memory_space<vmem>>, vector<16xi32>,
        %get3A_171 = arith.constant 80 : index
        %get3A_172 = tpu.vector_load %arg10[%get3A_171] {strides = array<i32>} : memref<256xi32, #tpu.memory_space<vmem>>, vector<16xi32>,
        %get3A_173 = arith.constant 80 : index
        %get3A_174 = tpu.vector_load %arg11[%get3A_173] {strides = array<i32>} : memref<256xi32, #tpu.memory_space<vmem>>, vector<16xi32>,
        %add3A_175 = arith.addi %get3A_172, %broadcast_in_dim3A : vector<16xi32>
        %gather3A_176 = tpu.vector_load_idx %arg8[%add3A_175] : memref<12288xi32, #tpu.memory_space<vmem>>[vector<16xi32>], vector<16xi32>,
        %add3A_177 = arith.addi %get3A_172, %broadcast_in_dim3A : vector<16xi32>
        %add3A_178 = arith.constant 16 : i32
        %add3A_179 = vector.broadcast %add3A_178 : i32 to vector<16xi32>
        %add3A_180 = arith.addi %add3A_177, %add3A_179 : vector<16xi32>
        %gather3A_181 = tpu.vector_load_idx %arg8[%add3A_180] : memref<12288xi32, #tpu.memory_space<vmem>>[vector<16xi32>], vector<16xi32>,
        %add3A_182 = arith.addi %get3A_172, %broadcast_in_dim3A : vector<16xi32>
        %add3A_183 = arith.constant 32 : i32
        %add3A_184 = vector.broadcast %add3A_183 : i32 to vector<16xi32>
        %add3A_185 = arith.addi %add3A_182, %add3A_184 : vector<16xi32>
        %gather3A_186 = tpu.vector_load_idx %arg8[%add3A_185] : memref<12288xi32, #tpu.memory_space<vmem>>[vector<16xi32>], vector<16xi32>,
        %mul3A_187 = arith.constant 64 : i32
        %mul3A_188 = vector.broadcast %mul3A_187 : i32 to vector<16xi32>
        %mul3A_189 = arith.muli %gather3A_176, %mul3A_188 : vector<16xi32>
        %add3A_190 = arith.addi %mul3A_189, %gather3A_181 : vector<16xi32>
        %mul3A_191 = arith.constant 64 : i32
        %mul3A_192 = vector.broadcast %mul3A_191 : i32 to vector<16xi32>
        %mul3A_193 = arith.muli %add3A_190, %mul3A_192 : vector<16xi32>
        %add3A_194 = arith.addi %mul3A_193, %gather3A_186 : vector<16xi32>
        %add3A_195 = vector.broadcast %mul3A_28 : i32 to vector<16xi32>
        %add3A_196 = arith.addi %add3A_194, %add3A_195 : vector<16xi32>
        %add3A_197 = arith.addi %add3A_196, %get3A_174 : vector<16xi32>
        %swap3A_198 = arith.constant 80 : index
        %swap3A_199 = tpu.vector_load %arg12[%swap3A_198] {strides = array<i32>} : memref<128xi32, #tpu.memory_space<vmem>>, vector<16xi32>,
        tpu.vector_store %arg12[%swap3A_198], %add3A_197 {strides = array<i32>} : memref<128xi32, #tpu.memory_space<vmem>>, vector<16xi32>,
        %get3A_200 = arith.constant 96 : index
        %get3A_201 = tpu.vector_load %arg10[%get3A_200] {strides = array<i32>} : memref<256xi32, #tpu.memory_space<vmem>>, vector<16xi32>,
        %get3A_202 = arith.constant 96 : index
        %get3A_203 = tpu.vector_load %arg11[%get3A_202] {strides = array<i32>} : memref<256xi32, #tpu.memory_space<vmem>>, vector<16xi32>,
        %add3A_204 = arith.addi %get3A_201, %broadcast_in_dim3A : vector<16xi32>
        %gather3A_205 = tpu.vector_load_idx %arg8[%add3A_204] : memref<12288xi32, #tpu.memory_space<vmem>>[vector<16xi32>], vector<16xi32>,
        %add3A_206 = arith.addi %get3A_201, %broadcast_in_dim3A : vector<16xi32>
        %add3A_207 = arith.constant 16 : i32
        %add3A_208 = vector.broadcast %add3A_207 : i32 to vector<16xi32>
        %add3A_209 = arith.addi %add3A_206, %add3A_208 : vector<16xi32>
        %gather3A_210 = tpu.vector_load_idx %arg8[%add3A_209] : memref<12288xi32, #tpu.memory_space<vmem>>[vector<16xi32>], vector<16xi32>,
        %add3A_211 = arith.addi %get3A_201, %broadcast_in_dim3A : vector<16xi32>
        %add3A_212 = arith.constant 32 : i32
        %add3A_213 = vector.broadcast %add3A_212 : i32 to vector<16xi32>
        %add3A_214 = arith.addi %add3A_211, %add3A_213 : vector<16xi32>
        %gather3A_215 = tpu.vector_load_idx %arg8[%add3A_214] : memref<12288xi32, #tpu.memory_space<vmem>>[vector<16xi32>], vector<16xi32>,
        %mul3A_216 = arith.constant 64 : i32
        %mul3A_217 = vector.broadcast %mul3A_216 : i32 to vector<16xi32>
        %mul3A_218 = arith.muli %gather3A_205, %mul3A_217 : vector<16xi32>
        %add3A_219 = arith.addi %mul3A_218, %gather3A_210 : vector<16xi32>
        %mul3A_220 = arith.constant 64 : i32
        %mul3A_221 = vector.broadcast %mul3A_220 : i32 to vector<16xi32>
        %mul3A_222 = arith.muli %add3A_219, %mul3A_221 : vector<16xi32>
        %add3A_223 = arith.addi %mul3A_222, %gather3A_215 : vector<16xi32>
        %add3A_224 = vector.broadcast %mul3A_28 : i32 to vector<16xi32>
        %add3A_225 = arith.addi %add3A_223, %add3A_224 : vector<16xi32>
        %add3A_226 = arith.addi %add3A_225, %get3A_203 : vector<16xi32>
        %swap3A_227 = arith.constant 96 : index
        %swap3A_228 = tpu.vector_load %arg12[%swap3A_227] {strides = array<i32>} : memref<128xi32, #tpu.memory_space<vmem>>, vector<16xi32>,
        tpu.vector_store %arg12[%swap3A_227], %add3A_226 {strides = array<i32>} : memref<128xi32, #tpu.memory_space<vmem>>, vector<16xi32>,
        %get3A_229 = arith.constant 112 : index
        %get3A_230 = tpu.vector_load %arg10[%get3A_229] {strides = array<i32>} : memref<256xi32, #tpu.memory_space<vmem>>, vector<16xi32>,
        %get3A_231 = arith.constant 112 : index
        %get3A_232 = tpu.vector_load %arg11[%get3A_231] {strides = array<i32>} : memref<256xi32, #tpu.memory_space<vmem>>, vector<16xi32>,
        %add3A_233 = arith.addi %get3A_230, %broadcast_in_dim3A : vector<16xi32>
        %gather3A_234 = tpu.vector_load_idx %arg8[%add3A_233] : memref<12288xi32, #tpu.memory_space<vmem>>[vector<16xi32>], vector<16xi32>,
        %add3A_235 = arith.addi %get3A_230, %broadcast_in_dim3A : vector<16xi32>
        %add3A_236 = arith.constant 16 : i32
        %add3A_237 = vector.broadcast %add3A_236 : i32 to vector<16xi32>
        %add3A_238 = arith.addi %add3A_235, %add3A_237 : vector<16xi32>
        %gather3A_239 = tpu.vector_load_idx %arg8[%add3A_238] : memref<12288xi32, #tpu.memory_space<vmem>>[vector<16xi32>], vector<16xi32>,
        %add3A_240 = arith.addi %get3A_230, %broadcast_in_dim3A : vector<16xi32>
        %add3A_241 = arith.constant 32 : i32
        %add3A_242 = vector.broadcast %add3A_241 : i32 to vector<16xi32>
        %add3A_243 = arith.addi %add3A_240, %add3A_242 : vector<16xi32>
        %gather3A_244 = tpu.vector_load_idx %arg8[%add3A_243] : memref<12288xi32, #tpu.memory_space<vmem>>[vector<16xi32>], vector<16xi32>,
        %mul3A_245 = arith.constant 64 : i32
        %mul3A_246 = vector.broadcast %mul3A_245 : i32 to vector<16xi32>
        %mul3A_247 = arith.muli %gather3A_234, %mul3A_246 : vector<16xi32>
        %add3A_248 = arith.addi %mul3A_247, %gather3A_239 : vector<16xi32>
        %mul3A_249 = arith.constant 64 : i32
        %mul3A_250 = vector.broadcast %mul3A_249 : i32 to vector<16xi32>
        %mul3A_251 = arith.muli %add3A_248, %mul3A_250 : vector<16xi32>
        %add3A_252 = arith.addi %mul3A_251, %gather3A_244 : vector<16xi32>
        %add3A_253 = vector.broadcast %mul3A_28 : i32 to vector<16xi32>
        %add3A_254 = arith.addi %add3A_252, %add3A_253 : vector<16xi32>
        %add3A_255 = arith.addi %add3A_254, %get3A_232 : vector<16xi32>
        %swap3A_256 = arith.constant 112 : index
        %swap3A_257 = tpu.vector_load %arg12[%swap3A_256] {strides = array<i32>} : memref<128xi32, #tpu.memory_space<vmem>>, vector<16xi32>,
        tpu.vector_store %arg12[%swap3A_256], %add3A_255 {strides = array<i32>} : memref<128xi32, #tpu.memory_space<vmem>>, vector<16xi32>,
        %get3A_258 = arith.constant 128 : index
        %get3A_259 = tpu.vector_load %arg10[%get3A_258] {strides = array<i32>} : memref<256xi32, #tpu.memory_space<vmem>>, vector<16xi32>,
        %get3A_260 = arith.constant 128 : index
        %get3A_261 = tpu.vector_load %arg11[%get3A_260] {strides = array<i32>} : memref<256xi32, #tpu.memory_space<vmem>>, vector<16xi32>,
        %add3A_262 = arith.addi %get3A_259, %broadcast_in_dim3A : vector<16xi32>
        %gather3A_263 = tpu.vector_load_idx %arg8[%add3A_262] : memref<12288xi32, #tpu.memory_space<vmem>>[vector<16xi32>], vector<16xi32>,
        %add3A_264 = arith.addi %get3A_259, %broadcast_in_dim3A : vector<16xi32>
        %add3A_265 = arith.constant 16 : i32
        %add3A_266 = vector.broadcast %add3A_265 : i32 to vector<16xi32>
        %add3A_267 = arith.addi %add3A_264, %add3A_266 : vector<16xi32>
        %gather3A_268 = tpu.vector_load_idx %arg8[%add3A_267] : memref<12288xi32, #tpu.memory_space<vmem>>[vector<16xi32>], vector<16xi32>,
        %add3A_269 = arith.addi %get3A_259, %broadcast_in_dim3A : vector<16xi32>
        %add3A_270 = arith.constant 32 : i32
        %add3A_271 = vector.broadcast %add3A_270 : i32 to vector<16xi32>
        %add3A_272 = arith.addi %add3A_269, %add3A_271 : vector<16xi32>
        %gather3A_273 = tpu.vector_load_idx %arg8[%add3A_272] : memref<12288xi32, #tpu.memory_space<vmem>>[vector<16xi32>], vector<16xi32>,
        %mul3A_274 = arith.constant 64 : i32
        %mul3A_275 = vector.broadcast %mul3A_274 : i32 to vector<16xi32>
        %mul3A_276 = arith.muli %gather3A_263, %mul3A_275 : vector<16xi32>
        %add3A_277 = arith.addi %mul3A_276, %gather3A_268 : vector<16xi32>
        %mul3A_278 = arith.constant 64 : i32
        %mul3A_279 = vector.broadcast %mul3A_278 : i32 to vector<16xi32>
        %mul3A_280 = arith.muli %add3A_277, %mul3A_279 : vector<16xi32>
        %add3A_281 = arith.addi %mul3A_280, %gather3A_273 : vector<16xi32>
        %add3A_282 = vector.broadcast %mul3A_28 : i32 to vector<16xi32>
        %add3A_283 = arith.addi %add3A_281, %add3A_282 : vector<16xi32>
        %add3A_284 = arith.addi %add3A_283, %get3A_261 : vector<16xi32>
        %swap3A_285 = arith.constant 0 : index
        %swap3A_286 = tpu.vector_load %arg13[%swap3A_285] {strides = array<i32>} : memref<128xi32, #tpu.memory_space<vmem>>, vector<16xi32>,
        tpu.vector_store %arg13[%swap3A_285], %add3A_284 {strides = array<i32>} : memref<128xi32, #tpu.memory_space<vmem>>, vector<16xi32>,
        %get3A_287 = arith.constant 144 : index
        %get3A_288 = tpu.vector_load %arg10[%get3A_287] {strides = array<i32>} : memref<256xi32, #tpu.memory_space<vmem>>, vector<16xi32>,
        %get3A_289 = arith.constant 144 : index
        %get3A_290 = tpu.vector_load %arg11[%get3A_289] {strides = array<i32>} : memref<256xi32, #tpu.memory_space<vmem>>, vector<16xi32>,
        %add3A_291 = arith.addi %get3A_288, %broadcast_in_dim3A : vector<16xi32>
        %gather3A_292 = tpu.vector_load_idx %arg8[%add3A_291] : memref<12288xi32, #tpu.memory_space<vmem>>[vector<16xi32>], vector<16xi32>,
        %add3A_293 = arith.addi %get3A_288, %broadcast_in_dim3A : vector<16xi32>
        %add3A_294 = arith.constant 16 : i32
        %add3A_295 = vector.broadcast %add3A_294 : i32 to vector<16xi32>
        %add3A_296 = arith.addi %add3A_293, %add3A_295 : vector<16xi32>
        %gather3A_297 = tpu.vector_load_idx %arg8[%add3A_296] : memref<12288xi32, #tpu.memory_space<vmem>>[vector<16xi32>], vector<16xi32>,
        %add3A_298 = arith.addi %get3A_288, %broadcast_in_dim3A : vector<16xi32>
        %add3A_299 = arith.constant 32 : i32
        %add3A_300 = vector.broadcast %add3A_299 : i32 to vector<16xi32>
        %add3A_301 = arith.addi %add3A_298, %add3A_300 : vector<16xi32>
        %gather3A_302 = tpu.vector_load_idx %arg8[%add3A_301] : memref<12288xi32, #tpu.memory_space<vmem>>[vector<16xi32>], vector<16xi32>,
        %mul3A_303 = arith.constant 64 : i32
        %mul3A_304 = vector.broadcast %mul3A_303 : i32 to vector<16xi32>
        %mul3A_305 = arith.muli %gather3A_292, %mul3A_304 : vector<16xi32>
        %add3A_306 = arith.addi %mul3A_305, %gather3A_297 : vector<16xi32>
        %mul3A_307 = arith.constant 64 : i32
        %mul3A_308 = vector.broadcast %mul3A_307 : i32 to vector<16xi32>
        %mul3A_309 = arith.muli %add3A_306, %mul3A_308 : vector<16xi32>
        %add3A_310 = arith.addi %mul3A_309, %gather3A_302 : vector<16xi32>
        %add3A_311 = vector.broadcast %mul3A_28 : i32 to vector<16xi32>
        %add3A_312 = arith.addi %add3A_310, %add3A_311 : vector<16xi32>
        %add3A_313 = arith.addi %add3A_312, %get3A_290 : vector<16xi32>
        %swap3A_314 = arith.constant 16 : index
        %swap3A_315 = tpu.vector_load %arg13[%swap3A_314] {strides = array<i32>} : memref<128xi32, #tpu.memory_space<vmem>>, vector<16xi32>,
        tpu.vector_store %arg13[%swap3A_314], %add3A_313 {strides = array<i32>} : memref<128xi32, #tpu.memory_space<vmem>>, vector<16xi32>,
        %get3A_316 = arith.constant 160 : index
        %get3A_317 = tpu.vector_load %arg10[%get3A_316] {strides = array<i32>} : memref<256xi32, #tpu.memory_space<vmem>>, vector<16xi32>,
        %get3A_318 = arith.constant 160 : index
        %get3A_319 = tpu.vector_load %arg11[%get3A_318] {strides = array<i32>} : memref<256xi32, #tpu.memory_space<vmem>>, vector<16xi32>,
        %add3A_320 = arith.addi %get3A_317, %broadcast_in_dim3A : vector<16xi32>
        %gather3A_321 = tpu.vector_load_idx %arg8[%add3A_320] : memref<12288xi32, #tpu.memory_space<vmem>>[vector<16xi32>], vector<16xi32>,
        %add3A_322 = arith.addi %get3A_317, %broadcast_in_dim3A : vector<16xi32>
        %add3A_323 = arith.constant 16 : i32
        %add3A_324 = vector.broadcast %add3A_323 : i32 to vector<16xi32>
        %add3A_325 = arith.addi %add3A_322, %add3A_324 : vector<16xi32>
        %gather3A_326 = tpu.vector_load_idx %arg8[%add3A_325] : memref<12288xi32, #tpu.memory_space<vmem>>[vector<16xi32>], vector<16xi32>,
        %add3A_327 = arith.addi %get3A_317, %broadcast_in_dim3A : vector<16xi32>
        %add3A_328 = arith.constant 32 : i32
        %add3A_329 = vector.broadcast %add3A_328 : i32 to vector<16xi32>
        %add3A_330 = arith.addi %add3A_327, %add3A_329 : vector<16xi32>
        %gather3A_331 = tpu.vector_load_idx %arg8[%add3A_330] : memref<12288xi32, #tpu.memory_space<vmem>>[vector<16xi32>], vector<16xi32>,
        %mul3A_332 = arith.constant 64 : i32
        %mul3A_333 = vector.broadcast %mul3A_332 : i32 to vector<16xi32>
        %mul3A_334 = arith.muli %gather3A_321, %mul3A_333 : vector<16xi32>
        %add3A_335 = arith.addi %mul3A_334, %gather3A_326 : vector<16xi32>
        %mul3A_336 = arith.constant 64 : i32
        %mul3A_337 = vector.broadcast %mul3A_336 : i32 to vector<16xi32>
        %mul3A_338 = arith.muli %add3A_335, %mul3A_337 : vector<16xi32>
        %add3A_339 = arith.addi %mul3A_338, %gather3A_331 : vector<16xi32>
        %add3A_340 = vector.broadcast %mul3A_28 : i32 to vector<16xi32>
        %add3A_341 = arith.addi %add3A_339, %add3A_340 : vector<16xi32>
        %add3A_342 = arith.addi %add3A_341, %get3A_319 : vector<16xi32>
        %swap3A_343 = arith.constant 32 : index
        %swap3A_344 = tpu.vector_load %arg13[%swap3A_343] {strides = array<i32>} : memref<128xi32, #tpu.memory_space<vmem>>, vector<16xi32>,
        tpu.vector_store %arg13[%swap3A_343], %add3A_342 {strides = array<i32>} : memref<128xi32, #tpu.memory_space<vmem>>, vector<16xi32>,
        %get3A_345 = arith.constant 176 : index
        %get3A_346 = tpu.vector_load %arg10[%get3A_345] {strides = array<i32>} : memref<256xi32, #tpu.memory_space<vmem>>, vector<16xi32>,
        %get3A_347 = arith.constant 176 : index
        %get3A_348 = tpu.vector_load %arg11[%get3A_347] {strides = array<i32>} : memref<256xi32, #tpu.memory_space<vmem>>, vector<16xi32>,
        %add3A_349 = arith.addi %get3A_346, %broadcast_in_dim3A : vector<16xi32>
        %gather3A_350 = tpu.vector_load_idx %arg8[%add3A_349] : memref<12288xi32, #tpu.memory_space<vmem>>[vector<16xi32>], vector<16xi32>,
        %add3A_351 = arith.addi %get3A_346, %broadcast_in_dim3A : vector<16xi32>
        %add3A_352 = arith.constant 16 : i32
        %add3A_353 = vector.broadcast %add3A_352 : i32 to vector<16xi32>
        %add3A_354 = arith.addi %add3A_351, %add3A_353 : vector<16xi32>
        %gather3A_355 = tpu.vector_load_idx %arg8[%add3A_354] : memref<12288xi32, #tpu.memory_space<vmem>>[vector<16xi32>], vector<16xi32>,
        %add3A_356 = arith.addi %get3A_346, %broadcast_in_dim3A : vector<16xi32>
        %add3A_357 = arith.constant 32 : i32
        %add3A_358 = vector.broadcast %add3A_357 : i32 to vector<16xi32>
        %add3A_359 = arith.addi %add3A_356, %add3A_358 : vector<16xi32>
        %gather3A_360 = tpu.vector_load_idx %arg8[%add3A_359] : memref<12288xi32, #tpu.memory_space<vmem>>[vector<16xi32>], vector<16xi32>,
        %mul3A_361 = arith.constant 64 : i32
        %mul3A_362 = vector.broadcast %mul3A_361 : i32 to vector<16xi32>
        %mul3A_363 = arith.muli %gather3A_350, %mul3A_362 : vector<16xi32>
        %add3A_364 = arith.addi %mul3A_363, %gather3A_355 : vector<16xi32>
        %mul3A_365 = arith.constant 64 : i32
        %mul3A_366 = vector.broadcast %mul3A_365 : i32 to vector<16xi32>
        %mul3A_367 = arith.muli %add3A_364, %mul3A_366 : vector<16xi32>
        %add3A_368 = arith.addi %mul3A_367, %gather3A_360 : vector<16xi32>
        %add3A_369 = vector.broadcast %mul3A_28 : i32 to vector<16xi32>
        %add3A_370 = arith.addi %add3A_368, %add3A_369 : vector<16xi32>
        %add3A_371 = arith.addi %add3A_370, %get3A_348 : vector<16xi32>
        %swap3A_372 = arith.constant 48 : index
        %swap3A_373 = tpu.vector_load %arg13[%swap3A_372] {strides = array<i32>} : memref<128xi32, #tpu.memory_space<vmem>>, vector<16xi32>,
        tpu.vector_store %arg13[%swap3A_372], %add3A_371 {strides = array<i32>} : memref<128xi32, #tpu.memory_space<vmem>>, vector<16xi32>,
        %get3A_374 = arith.constant 192 : index
        %get3A_375 = tpu.vector_load %arg10[%get3A_374] {strides = array<i32>} : memref<256xi32, #tpu.memory_space<vmem>>, vector<16xi32>,
        %get3A_376 = arith.constant 192 : index
        %get3A_377 = tpu.vector_load %arg11[%get3A_376] {strides = array<i32>} : memref<256xi32, #tpu.memory_space<vmem>>, vector<16xi32>,
        %add3A_378 = arith.addi %get3A_375, %broadcast_in_dim3A : vector<16xi32>
        %gather3A_379 = tpu.vector_load_idx %arg8[%add3A_378] : memref<12288xi32, #tpu.memory_space<vmem>>[vector<16xi32>], vector<16xi32>,
        %add3A_380 = arith.addi %get3A_375, %broadcast_in_dim3A : vector<16xi32>
        %add3A_381 = arith.constant 16 : i32
        %add3A_382 = vector.broadcast %add3A_381 : i32 to vector<16xi32>
        %add3A_383 = arith.addi %add3A_380, %add3A_382 : vector<16xi32>
        %gather3A_384 = tpu.vector_load_idx %arg8[%add3A_383] : memref<12288xi32, #tpu.memory_space<vmem>>[vector<16xi32>], vector<16xi32>,
        %add3A_385 = arith.addi %get3A_375, %broadcast_in_dim3A : vector<16xi32>
        %add3A_386 = arith.constant 32 : i32
        %add3A_387 = vector.broadcast %add3A_386 : i32 to vector<16xi32>
        %add3A_388 = arith.addi %add3A_385, %add3A_387 : vector<16xi32>
        %gather3A_389 = tpu.vector_load_idx %arg8[%add3A_388] : memref<12288xi32, #tpu.memory_space<vmem>>[vector<16xi32>], vector<16xi32>,
        %mul3A_390 = arith.constant 64 : i32
        %mul3A_391 = vector.broadcast %mul3A_390 : i32 to vector<16xi32>
        %mul3A_392 = arith.muli %gather3A_379, %mul3A_391 : vector<16xi32>
        %add3A_393 = arith.addi %mul3A_392, %gather3A_384 : vector<16xi32>
        %mul3A_394 = arith.constant 64 : i32
        %mul3A_395 = vector.broadcast %mul3A_394 : i32 to vector<16xi32>
        %mul3A_396 = arith.muli %add3A_393, %mul3A_395 : vector<16xi32>
        %add3A_397 = arith.addi %mul3A_396, %gather3A_389 : vector<16xi32>
        %add3A_398 = vector.broadcast %mul3A_28 : i32 to vector<16xi32>
        %add3A_399 = arith.addi %add3A_397, %add3A_398 : vector<16xi32>
        %add3A_400 = arith.addi %add3A_399, %get3A_377 : vector<16xi32>
        %swap3A_401 = arith.constant 64 : index
        %swap3A_402 = tpu.vector_load %arg13[%swap3A_401] {strides = array<i32>} : memref<128xi32, #tpu.memory_space<vmem>>, vector<16xi32>,
        tpu.vector_store %arg13[%swap3A_401], %add3A_400 {strides = array<i32>} : memref<128xi32, #tpu.memory_space<vmem>>, vector<16xi32>,
        %get3A_403 = arith.constant 208 : index
        %get3A_404 = tpu.vector_load %arg10[%get3A_403] {strides = array<i32>} : memref<256xi32, #tpu.memory_space<vmem>>, vector<16xi32>,
        %get3A_405 = arith.constant 208 : index
        %get3A_406 = tpu.vector_load %arg11[%get3A_405] {strides = array<i32>} : memref<256xi32, #tpu.memory_space<vmem>>, vector<16xi32>,
        %add3A_407 = arith.addi %get3A_404, %broadcast_in_dim3A : vector<16xi32>
        %gather3A_408 = tpu.vector_load_idx %arg8[%add3A_407] : memref<12288xi32, #tpu.memory_space<vmem>>[vector<16xi32>], vector<16xi32>,
        %add3A_409 = arith.addi %get3A_404, %broadcast_in_dim3A : vector<16xi32>
        %add3A_410 = arith.constant 16 : i32
        %add3A_411 = vector.broadcast %add3A_410 : i32 to vector<16xi32>
        %add3A_412 = arith.addi %add3A_409, %add3A_411 : vector<16xi32>
        %gather3A_413 = tpu.vector_load_idx %arg8[%add3A_412] : memref<12288xi32, #tpu.memory_space<vmem>>[vector<16xi32>], vector<16xi32>,
        %add3A_414 = arith.addi %get3A_404, %broadcast_in_dim3A : vector<16xi32>
        %add3A_415 = arith.constant 32 : i32
        %add3A_416 = vector.broadcast %add3A_415 : i32 to vector<16xi32>
        %add3A_417 = arith.addi %add3A_414, %add3A_416 : vector<16xi32>
        %gather3A_418 = tpu.vector_load_idx %arg8[%add3A_417] : memref<12288xi32, #tpu.memory_space<vmem>>[vector<16xi32>], vector<16xi32>,
        %mul3A_419 = arith.constant 64 : i32
        %mul3A_420 = vector.broadcast %mul3A_419 : i32 to vector<16xi32>
        %mul3A_421 = arith.muli %gather3A_408, %mul3A_420 : vector<16xi32>
        %add3A_422 = arith.addi %mul3A_421, %gather3A_413 : vector<16xi32>
        %mul3A_423 = arith.constant 64 : i32
        %mul3A_424 = vector.broadcast %mul3A_423 : i32 to vector<16xi32>
        %mul3A_425 = arith.muli %add3A_422, %mul3A_424 : vector<16xi32>
        %add3A_426 = arith.addi %mul3A_425, %gather3A_418 : vector<16xi32>
        %add3A_427 = vector.broadcast %mul3A_28 : i32 to vector<16xi32>
        %add3A_428 = arith.addi %add3A_426, %add3A_427 : vector<16xi32>
        %add3A_429 = arith.addi %add3A_428, %get3A_406 : vector<16xi32>
        %swap3A_430 = arith.constant 80 : index
        %swap3A_431 = tpu.vector_load %arg13[%swap3A_430] {strides = array<i32>} : memref<128xi32, #tpu.memory_space<vmem>>, vector<16xi32>,
        tpu.vector_store %arg13[%swap3A_430], %add3A_429 {strides = array<i32>} : memref<128xi32, #tpu.memory_space<vmem>>, vector<16xi32>,
        %get3A_432 = arith.constant 224 : index
        %get3A_433 = tpu.vector_load %arg10[%get3A_432] {strides = array<i32>} : memref<256xi32, #tpu.memory_space<vmem>>, vector<16xi32>,
        %get3A_434 = arith.constant 224 : index
        %get3A_435 = tpu.vector_load %arg11[%get3A_434] {strides = array<i32>} : memref<256xi32, #tpu.memory_space<vmem>>, vector<16xi32>,
        %add3A_436 = arith.addi %get3A_433, %broadcast_in_dim3A : vector<16xi32>
        %gather3A_437 = tpu.vector_load_idx %arg8[%add3A_436] : memref<12288xi32, #tpu.memory_space<vmem>>[vector<16xi32>], vector<16xi32>,
        %add3A_438 = arith.addi %get3A_433, %broadcast_in_dim3A : vector<16xi32>
        %add3A_439 = arith.constant 16 : i32
        %add3A_440 = vector.broadcast %add3A_439 : i32 to vector<16xi32>
        %add3A_441 = arith.addi %add3A_438, %add3A_440 : vector<16xi32>
        %gather3A_442 = tpu.vector_load_idx %arg8[%add3A_441] : memref<12288xi32, #tpu.memory_space<vmem>>[vector<16xi32>], vector<16xi32>,
        %add3A_443 = arith.addi %get3A_433, %broadcast_in_dim3A : vector<16xi32>
        %add3A_444 = arith.constant 32 : i32
        %add3A_445 = vector.broadcast %add3A_444 : i32 to vector<16xi32>
        %add3A_446 = arith.addi %add3A_443, %add3A_445 : vector<16xi32>
        %gather3A_447 = tpu.vector_load_idx %arg8[%add3A_446] : memref<12288xi32, #tpu.memory_space<vmem>>[vector<16xi32>], vector<16xi32>,
        %mul3A_448 = arith.constant 64 : i32
        %mul3A_449 = vector.broadcast %mul3A_448 : i32 to vector<16xi32>
        %mul3A_450 = arith.muli %gather3A_437, %mul3A_449 : vector<16xi32>
        %add3A_451 = arith.addi %mul3A_450, %gather3A_442 : vector<16xi32>
        %mul3A_452 = arith.constant 64 : i32
        %mul3A_453 = vector.broadcast %mul3A_452 : i32 to vector<16xi32>
        %mul3A_454 = arith.muli %add3A_451, %mul3A_453 : vector<16xi32>
        %add3A_455 = arith.addi %mul3A_454, %gather3A_447 : vector<16xi32>
        %add3A_456 = vector.broadcast %mul3A_28 : i32 to vector<16xi32>
        %add3A_457 = arith.addi %add3A_455, %add3A_456 : vector<16xi32>
        %add3A_458 = arith.addi %add3A_457, %get3A_435 : vector<16xi32>
        %swap3A_459 = arith.constant 96 : index
        %swap3A_460 = tpu.vector_load %arg13[%swap3A_459] {strides = array<i32>} : memref<128xi32, #tpu.memory_space<vmem>>, vector<16xi32>,
        tpu.vector_store %arg13[%swap3A_459], %add3A_458 {strides = array<i32>} : memref<128xi32, #tpu.memory_space<vmem>>, vector<16xi32>,
        %get3A_461 = arith.constant 240 : index
        %get3A_462 = tpu.vector_load %arg10[%get3A_461] {strides = array<i32>} : memref<256xi32, #tpu.memory_space<vmem>>, vector<16xi32>,
        %get3A_463 = arith.constant 240 : index
        %get3A_464 = tpu.vector_load %arg11[%get3A_463] {strides = array<i32>} : memref<256xi32, #tpu.memory_space<vmem>>, vector<16xi32>,
        %add3A_465 = arith.addi %get3A_462, %broadcast_in_dim3A : vector<16xi32>
        %gather3A_466 = tpu.vector_load_idx %arg8[%add3A_465] : memref<12288xi32, #tpu.memory_space<vmem>>[vector<16xi32>], vector<16xi32>,
        %add3A_467 = arith.addi %get3A_462, %broadcast_in_dim3A : vector<16xi32>
        %add3A_468 = arith.constant 16 : i32
        %add3A_469 = vector.broadcast %add3A_468 : i32 to vector<16xi32>
        %add3A_470 = arith.addi %add3A_467, %add3A_469 : vector<16xi32>
        %gather3A_471 = tpu.vector_load_idx %arg8[%add3A_470] : memref<12288xi32, #tpu.memory_space<vmem>>[vector<16xi32>], vector<16xi32>,
        %add3A_472 = arith.addi %get3A_462, %broadcast_in_dim3A : vector<16xi32>
        %add3A_473 = arith.constant 32 : i32
        %add3A_474 = vector.broadcast %add3A_473 : i32 to vector<16xi32>
        %add3A_475 = arith.addi %add3A_472, %add3A_474 : vector<16xi32>
        %gather3A_476 = tpu.vector_load_idx %arg8[%add3A_475] : memref<12288xi32, #tpu.memory_space<vmem>>[vector<16xi32>], vector<16xi32>,
        %mul3A_477 = arith.constant 64 : i32
        %mul3A_478 = vector.broadcast %mul3A_477 : i32 to vector<16xi32>
        %mul3A_479 = arith.muli %gather3A_466, %mul3A_478 : vector<16xi32>
        %add3A_480 = arith.addi %mul3A_479, %gather3A_471 : vector<16xi32>
        %mul3A_481 = arith.constant 64 : i32
        %mul3A_482 = vector.broadcast %mul3A_481 : i32 to vector<16xi32>
        %mul3A_483 = arith.muli %add3A_480, %mul3A_482 : vector<16xi32>
        %add3A_484 = arith.addi %mul3A_483, %gather3A_476 : vector<16xi32>
        %add3A_485 = vector.broadcast %mul3A_28 : i32 to vector<16xi32>
        %add3A_486 = arith.addi %add3A_484, %add3A_485 : vector<16xi32>
        %add3A_487 = arith.addi %add3A_486, %get3A_464 : vector<16xi32>
        %swap3A_488 = arith.constant 112 : index
        %swap3A_489 = tpu.vector_load %arg13[%swap3A_488] {strides = array<i32>} : memref<128xi32, #tpu.memory_space<vmem>>, vector<16xi32>,
        tpu.vector_store %arg13[%swap3A_488], %add3A_487 {strides = array<i32>} : memref<128xi32, #tpu.memory_space<vmem>>, vector<16xi32>,
        %dma_start3A = arith.constant 0 : i32
        %dma_start3A_490 = arith.constant 0 : i32
        %dma_start3A_491 = tpu.memref_slice %arg14[%dma_start3A, %dma_start3A_490] : memref<256x16xf32, #tpu.memory_space<vmem>> -> memref<128x16xf32, #tpu.memory_space<vmem>>
        %dma_start3A_492 = arith.constant 0 : i32
        %dma_start3A_493 = arith.constant 0 : i32
        %dma_start3A_494 = tpu.memref_slice %arg2[%dma_start3A_492, %dma_start3A_493] : memref<131072x16xf32, #tpu.memory_space<hbm>> -> memref<131072x16xf32, #tpu.memory_space<hbm>>
        tpu.enqueue_indirect_dma source(%dma_start3A_494 : memref<131072x16xf32, #tpu.memory_space<hbm>>) target(%dma_start3A_491 : memref<128x16xf32, #tpu.memory_space<vmem>>) offsets(%arg12 : memref<128xi32, #tpu.memory_space<vmem>>) semaphore(%arg16 : memref<!tpu.dma_semaphore, #tpu.memory_space<semaphore_mem>>)
        %dma_start3A_495 = arith.constant 128 : i32
        %dma_start3A_496 = arith.constant 0 : i32
        %dma_start3A_497 = tpu.memref_slice %arg14[%dma_start3A_495, %dma_start3A_496] : memref<256x16xf32, #tpu.memory_space<vmem>> -> memref<128x16xf32, #tpu.memory_space<vmem>>
        %dma_start3A_498 = arith.constant 0 : i32
        %dma_start3A_499 = arith.constant 0 : i32
        %dma_start3A_500 = tpu.memref_slice %arg2[%dma_start3A_498, %dma_start3A_499] : memref<131072x16xf32, #tpu.memory_space<hbm>> -> memref<131072x16xf32, #tpu.memory_space<hbm>>
        tpu.enqueue_indirect_dma source(%dma_start3A_500 : memref<131072x16xf32, #tpu.memory_space<hbm>>) target(%dma_start3A_497 : memref<128x16xf32, #tpu.memory_space<vmem>>) offsets(%arg13 : memref<128xi32, #tpu.memory_space<vmem>>) semaphore(%arg16 : memref<!tpu.dma_semaphore, #tpu.memory_space<semaphore_mem>>)
        %dma_wait3A = arith.constant 0 : i32
        %dma_wait3A_501 = arith.constant 0 : i32
        %dma_wait3A_502 = tpu.memref_slice %arg14[%dma_wait3A, %dma_wait3A_501] : memref<256x16xf32, #tpu.memory_space<vmem>> -> memref<128x16xf32, #tpu.memory_space<vmem>>
        %dma_wait3A_503 = arith.constant 0 : i32
        %dma_wait3A_504 = arith.constant 0 : i32
        %dma_wait3A_505 = tpu.memref_slice %arg2[%dma_wait3A_503, %dma_wait3A_504] : memref<131072x16xf32, #tpu.memory_space<hbm>> -> memref<131072x16xf32, #tpu.memory_space<hbm>>
        tpu.wait_indirect_dma semaphore(%arg16 : memref<!tpu.dma_semaphore, #tpu.memory_space<semaphore_mem>>) src(%dma_wait3A_505 : memref<131072x16xf32, #tpu.memory_space<hbm>>) dst(%dma_wait3A_502 : memref<128x16xf32, #tpu.memory_space<vmem>>)
        %dma_wait3A_506 = arith.constant 128 : i32
        %dma_wait3A_507 = arith.constant 0 : i32
        %dma_wait3A_508 = tpu.memref_slice %arg14[%dma_wait3A_506, %dma_wait3A_507] : memref<256x16xf32, #tpu.memory_space<vmem>> -> memref<128x16xf32, #tpu.memory_space<vmem>>
        %dma_wait3A_509 = arith.constant 0 : i32
        %dma_wait3A_510 = arith.constant 0 : i32
        %dma_wait3A_511 = tpu.memref_slice %arg2[%dma_wait3A_509, %dma_wait3A_510] : memref<131072x16xf32, #tpu.memory_space<hbm>> -> memref<131072x16xf32, #tpu.memory_space<hbm>>
        tpu.wait_indirect_dma semaphore(%arg16 : memref<!tpu.dma_semaphore, #tpu.memory_space<semaphore_mem>>) src(%dma_wait3A_511 : memref<131072x16xf32, #tpu.memory_space<hbm>>) dst(%dma_wait3A_508 : memref<128x16xf32, #tpu.memory_space<vmem>>)
        %broadcast_in_dim3A_512 = arith.constant 0.000000e+00 : f32
        %broadcast_in_dim3A_513 = vector.broadcast %broadcast_in_dim3A_512 : f32 to vector<16xf32>
        %broadcast_in_dim3A_514 = arith.constant 0.000000e+00 : f32
        %broadcast_in_dim3A_515 = vector.broadcast %broadcast_in_dim3A_514 : f32 to vector<16xf32>
        %broadcast_in_dim3A_516 = arith.constant 0.000000e+00 : f32
        %broadcast_in_dim3A_517 = vector.broadcast %broadcast_in_dim3A_516 : f32 to vector<16xf32>
        %broadcast_in_dim3A_518 = arith.constant 0.000000e+00 : f32
        %broadcast_in_dim3A_519 = vector.broadcast %broadcast_in_dim3A_518 : f32 to vector<16xf32>
        %broadcast_in_dim3A_520 = arith.constant 0.000000e+00 : f32
        %broadcast_in_dim3A_521 = vector.broadcast %broadcast_in_dim3A_520 : f32 to vector<16xf32>
        %broadcast_in_dim3A_522 = arith.constant 0.000000e+00 : f32
        %broadcast_in_dim3A_523 = vector.broadcast %broadcast_in_dim3A_522 : f32 to vector<16xf32>
        %broadcast_in_dim3A_524 = arith.constant 0.000000e+00 : f32
        %broadcast_in_dim3A_525 = vector.broadcast %broadcast_in_dim3A_524 : f32 to vector<16xf32>
        %broadcast_in_dim3A_526 = arith.constant 0.000000e+00 : f32
        %broadcast_in_dim3A_527 = vector.broadcast %broadcast_in_dim3A_526 : f32 to vector<16xf32>
        %broadcast_in_dim3A_528 = arith.constant 0.000000e+00 : f32
        %broadcast_in_dim3A_529 = vector.broadcast %broadcast_in_dim3A_528 : f32 to vector<16xf32>
        %broadcast_in_dim3A_530 = arith.constant 0.000000e+00 : f32
        %broadcast_in_dim3A_531 = vector.broadcast %broadcast_in_dim3A_530 : f32 to vector<16xf32>
        %broadcast_in_dim3A_532 = arith.constant 0.000000e+00 : f32
        %broadcast_in_dim3A_533 = vector.broadcast %broadcast_in_dim3A_532 : f32 to vector<16xf32>
        %broadcast_in_dim3A_534 = arith.constant 0.000000e+00 : f32
        %broadcast_in_dim3A_535 = vector.broadcast %broadcast_in_dim3A_534 : f32 to vector<16xf32>
        %broadcast_in_dim3A_536 = arith.constant 0.000000e+00 : f32
        %broadcast_in_dim3A_537 = vector.broadcast %broadcast_in_dim3A_536 : f32 to vector<16xf32>
        %broadcast_in_dim3A_538 = arith.constant 0.000000e+00 : f32
        %broadcast_in_dim3A_539 = vector.broadcast %broadcast_in_dim3A_538 : f32 to vector<16xf32>
        %broadcast_in_dim3A_540 = arith.constant 0.000000e+00 : f32
        %broadcast_in_dim3A_541 = vector.broadcast %broadcast_in_dim3A_540 : f32 to vector<16xf32>
        %broadcast_in_dim3A_542 = arith.constant 0.000000e+00 : f32
        %broadcast_in_dim3A_543 = vector.broadcast %broadcast_in_dim3A_542 : f32 to vector<16xf32>
        %broadcast_in_dim3A_544 = arith.constant 0.000000e+00 : f32
        %broadcast_in_dim3A_545 = vector.broadcast %broadcast_in_dim3A_544 : f32 to vector<16xf32>
        %broadcast_in_dim3A_546 = arith.constant 0.000000e+00 : f32
        %broadcast_in_dim3A_547 = vector.broadcast %broadcast_in_dim3A_546 : f32 to vector<16xf32>
        %broadcast_in_dim3A_548 = arith.constant 0.000000e+00 : f32
        %broadcast_in_dim3A_549 = vector.broadcast %broadcast_in_dim3A_548 : f32 to vector<16xf32>
        %broadcast_in_dim3A_550 = arith.constant 0.000000e+00 : f32
        %broadcast_in_dim3A_551 = vector.broadcast %broadcast_in_dim3A_550 : f32 to vector<16xf32>
        %broadcast_in_dim3A_552 = arith.constant 0.000000e+00 : f32
        %broadcast_in_dim3A_553 = vector.broadcast %broadcast_in_dim3A_552 : f32 to vector<16xf32>
        %broadcast_in_dim3A_554 = arith.constant 0.000000e+00 : f32
        %broadcast_in_dim3A_555 = vector.broadcast %broadcast_in_dim3A_554 : f32 to vector<16xf32>
        %broadcast_in_dim3A_556 = arith.constant 0.000000e+00 : f32
        %broadcast_in_dim3A_557 = vector.broadcast %broadcast_in_dim3A_556 : f32 to vector<16xf32>
        %broadcast_in_dim3A_558 = arith.constant 0.000000e+00 : f32
        %broadcast_in_dim3A_559 = vector.broadcast %broadcast_in_dim3A_558 : f32 to vector<16xf32>
        %broadcast_in_dim3A_560 = arith.constant 0.000000e+00 : f32
        %broadcast_in_dim3A_561 = vector.broadcast %broadcast_in_dim3A_560 : f32 to vector<16xf32>
        %get3A_562 = arith.index_cast %add3A_24 : i32 to index
        %get3A_563 = arith.constant 0 : index
        %get3A_564 = tpu.vector_load %arg9[%get3A_562, %get3A_563] {strides = array<i32>} : memref<256x16xf32, #tpu.memory_space<vmem>>, vector<16xf32>,
        %slice3A = vector.extract_strided_slice %get3A_564 {offsets = [0], sizes = [1], strides = [1]} : vector<16xf32> to vector<1xf32>
        %squeeze3A = vector.extract %slice3A[0] : f32 from vector<1xf32>
        %broadcast_in_dim3A_565 = vector.broadcast %squeeze3A : f32 to vector<16xf32>
        %get3A_566 = arith.constant 0 : i32
        %get3A_567 = arith.index_cast %get3A_566 : i32 to index
        %get3A_568 = arith.constant 0 : index
        %get3A_569 = tpu.vector_load %arg14[%get3A_567, %get3A_568] {strides = array<i32>} : memref<256x16xf32, #tpu.memory_space<vmem>>, vector<16xf32>,
        %mul3A_570 = arith.mulf %broadcast_in_dim3A_565, %get3A_569 : vector<16xf32>
        %add3A_571 = arith.addf %broadcast_in_dim3A_513, %mul3A_570 : vector<16xf32>
        %get3A_572 = arith.constant 1 : i32
        %get3A_573 = arith.index_cast %get3A_572 : i32 to index
        %get3A_574 = arith.constant 0 : index
        %get3A_575 = tpu.vector_load %arg14[%get3A_573, %get3A_574] {strides = array<i32>} : memref<256x16xf32, #tpu.memory_space<vmem>>, vector<16xf32>,
        %mul3A_576 = arith.mulf %broadcast_in_dim3A_565, %get3A_575 : vector<16xf32>
        %add3A_577 = arith.addf %broadcast_in_dim3A_515, %mul3A_576 : vector<16xf32>
        %get3A_578 = arith.constant 2 : i32
        %get3A_579 = arith.index_cast %get3A_578 : i32 to index
        %get3A_580 = arith.constant 0 : index
        %get3A_581 = tpu.vector_load %arg14[%get3A_579, %get3A_580] {strides = array<i32>} : memref<256x16xf32, #tpu.memory_space<vmem>>, vector<16xf32>,
        %mul3A_582 = arith.mulf %broadcast_in_dim3A_565, %get3A_581 : vector<16xf32>
        %add3A_583 = arith.addf %broadcast_in_dim3A_517, %mul3A_582 : vector<16xf32>
        %get3A_584 = arith.constant 3 : i32
        %get3A_585 = arith.index_cast %get3A_584 : i32 to index
        %get3A_586 = arith.constant 0 : index
        %get3A_587 = tpu.vector_load %arg14[%get3A_585, %get3A_586] {strides = array<i32>} : memref<256x16xf32, #tpu.memory_space<vmem>>, vector<16xf32>,
        %mul3A_588 = arith.mulf %broadcast_in_dim3A_565, %get3A_587 : vector<16xf32>
        %add3A_589 = arith.addf %broadcast_in_dim3A_519, %mul3A_588 : vector<16xf32>
        %get3A_590 = arith.constant 4 : i32
        %get3A_591 = arith.index_cast %get3A_590 : i32 to index
        %get3A_592 = arith.constant 0 : index
        %get3A_593 = tpu.vector_load %arg14[%get3A_591, %get3A_592] {strides = array<i32>} : memref<256x16xf32, #tpu.memory_space<vmem>>, vector<16xf32>,
        %mul3A_594 = arith.mulf %broadcast_in_dim3A_565, %get3A_593 : vector<16xf32>
        %add3A_595 = arith.addf %broadcast_in_dim3A_521, %mul3A_594 : vector<16xf32>
        %get3A_596 = arith.constant 5 : i32
        %get3A_597 = arith.index_cast %get3A_596 : i32 to index
        %get3A_598 = arith.constant 0 : index
        %get3A_599 = tpu.vector_load %arg14[%get3A_597, %get3A_598] {strides = array<i32>} : memref<256x16xf32, #tpu.memory_space<vmem>>, vector<16xf32>,
        %mul3A_600 = arith.mulf %broadcast_in_dim3A_565, %get3A_599 : vector<16xf32>
        %add3A_601 = arith.addf %broadcast_in_dim3A_523, %mul3A_600 : vector<16xf32>
        %get3A_602 = arith.constant 6 : i32
        %get3A_603 = arith.index_cast %get3A_602 : i32 to index
        %get3A_604 = arith.constant 0 : index
        %get3A_605 = tpu.vector_load %arg14[%get3A_603, %get3A_604] {strides = array<i32>} : memref<256x16xf32, #tpu.memory_space<vmem>>, vector<16xf32>,
        %mul3A_606 = arith.mulf %broadcast_in_dim3A_565, %get3A_605 : vector<16xf32>
        %add3A_607 = arith.addf %broadcast_in_dim3A_525, %mul3A_606 : vector<16xf32>
        %get3A_608 = arith.constant 7 : i32
        %get3A_609 = arith.index_cast %get3A_608 : i32 to index
        %get3A_610 = arith.constant 0 : index
        %get3A_611 = tpu.vector_load %arg14[%get3A_609, %get3A_610] {strides = array<i32>} : memref<256x16xf32, #tpu.memory_space<vmem>>, vector<16xf32>,
        %mul3A_612 = arith.mulf %broadcast_in_dim3A_565, %get3A_611 : vector<16xf32>
        %add3A_613 = arith.addf %broadcast_in_dim3A_527, %mul3A_612 : vector<16xf32>
        %get3A_614 = arith.constant 8 : i32
        %get3A_615 = arith.index_cast %get3A_614 : i32 to index
        %get3A_616 = arith.constant 0 : index
        %get3A_617 = tpu.vector_load %arg14[%get3A_615, %get3A_616] {strides = array<i32>} : memref<256x16xf32, #tpu.memory_space<vmem>>, vector<16xf32>,
        %mul3A_618 = arith.mulf %broadcast_in_dim3A_565, %get3A_617 : vector<16xf32>
        %add3A_619 = arith.addf %broadcast_in_dim3A_529, %mul3A_618 : vector<16xf32>
        %get3A_620 = arith.constant 9 : i32
        %get3A_621 = arith.index_cast %get3A_620 : i32 to index
        %get3A_622 = arith.constant 0 : index
        %get3A_623 = tpu.vector_load %arg14[%get3A_621, %get3A_622] {strides = array<i32>} : memref<256x16xf32, #tpu.memory_space<vmem>>, vector<16xf32>,
        %mul3A_624 = arith.mulf %broadcast_in_dim3A_565, %get3A_623 : vector<16xf32>
        %add3A_625 = arith.addf %broadcast_in_dim3A_531, %mul3A_624 : vector<16xf32>
        %get3A_626 = arith.constant 10 : i32
        %get3A_627 = arith.index_cast %get3A_626 : i32 to index
        %get3A_628 = arith.constant 0 : index
        %get3A_629 = tpu.vector_load %arg14[%get3A_627, %get3A_628] {strides = array<i32>} : memref<256x16xf32, #tpu.memory_space<vmem>>, vector<16xf32>,
        %mul3A_630 = arith.mulf %broadcast_in_dim3A_565, %get3A_629 : vector<16xf32>
        %add3A_631 = arith.addf %broadcast_in_dim3A_533, %mul3A_630 : vector<16xf32>
        %get3A_632 = arith.constant 11 : i32
        %get3A_633 = arith.index_cast %get3A_632 : i32 to index
        %get3A_634 = arith.constant 0 : index
        %get3A_635 = tpu.vector_load %arg14[%get3A_633, %get3A_634] {strides = array<i32>} : memref<256x16xf32, #tpu.memory_space<vmem>>, vector<16xf32>,
        %mul3A_636 = arith.mulf %broadcast_in_dim3A_565, %get3A_635 : vector<16xf32>
        %add3A_637 = arith.addf %broadcast_in_dim3A_535, %mul3A_636 : vector<16xf32>
        %get3A_638 = arith.constant 12 : i32
        %get3A_639 = arith.index_cast %get3A_638 : i32 to index
        %get3A_640 = arith.constant 0 : index
        %get3A_641 = tpu.vector_load %arg14[%get3A_639, %get3A_640] {strides = array<i32>} : memref<256x16xf32, #tpu.memory_space<vmem>>, vector<16xf32>,
        %mul3A_642 = arith.mulf %broadcast_in_dim3A_565, %get3A_641 : vector<16xf32>
        %add3A_643 = arith.addf %broadcast_in_dim3A_537, %mul3A_642 : vector<16xf32>
        %get3A_644 = arith.constant 13 : i32
        %get3A_645 = arith.index_cast %get3A_644 : i32 to index
        %get3A_646 = arith.constant 0 : index
        %get3A_647 = tpu.vector_load %arg14[%get3A_645, %get3A_646] {strides = array<i32>} : memref<256x16xf32, #tpu.memory_space<vmem>>, vector<16xf32>,
        %mul3A_648 = arith.mulf %broadcast_in_dim3A_565, %get3A_647 : vector<16xf32>
        %add3A_649 = arith.addf %broadcast_in_dim3A_539, %mul3A_648 : vector<16xf32>
        %get3A_650 = arith.constant 14 : i32
        %get3A_651 = arith.index_cast %get3A_650 : i32 to index
        %get3A_652 = arith.constant 0 : index
        %get3A_653 = tpu.vector_load %arg14[%get3A_651, %get3A_652] {strides = array<i32>} : memref<256x16xf32, #tpu.memory_space<vmem>>, vector<16xf32>,
        %mul3A_654 = arith.mulf %broadcast_in_dim3A_565, %get3A_653 : vector<16xf32>
        %add3A_655 = arith.addf %broadcast_in_dim3A_541, %mul3A_654 : vector<16xf32>
        %get3A_656 = arith.constant 15 : i32
        %get3A_657 = arith.index_cast %get3A_656 : i32 to index
        %get3A_658 = arith.constant 0 : index
        %get3A_659 = tpu.vector_load %arg14[%get3A_657, %get3A_658] {strides = array<i32>} : memref<256x16xf32, #tpu.memory_space<vmem>>, vector<16xf32>,
        %mul3A_660 = arith.mulf %broadcast_in_dim3A_565, %get3A_659 : vector<16xf32>
        %add3A_661 = arith.addf %broadcast_in_dim3A_543, %mul3A_660 : vector<16xf32>
        %get3A_662 = arith.constant 16 : i32
        %get3A_663 = arith.index_cast %get3A_662 : i32 to index
        %get3A_664 = arith.constant 0 : index
        %get3A_665 = tpu.vector_load %arg14[%get3A_663, %get3A_664] {strides = array<i32>} : memref<256x16xf32, #tpu.memory_space<vmem>>, vector<16xf32>,
        %mul3A_666 = arith.mulf %broadcast_in_dim3A_565, %get3A_665 : vector<16xf32>
        %add3A_667 = arith.addf %broadcast_in_dim3A_545, %mul3A_666 : vector<16xf32>
        %get3A_668 = arith.constant 17 : i32
        %get3A_669 = arith.index_cast %get3A_668 : i32 to index
        %get3A_670 = arith.constant 0 : index
        %get3A_671 = tpu.vector_load %arg14[%get3A_669, %get3A_670] {strides = array<i32>} : memref<256x16xf32, #tpu.memory_space<vmem>>, vector<16xf32>,
        %mul3A_672 = arith.mulf %broadcast_in_dim3A_565, %get3A_671 : vector<16xf32>
        %add3A_673 = arith.addf %broadcast_in_dim3A_547, %mul3A_672 : vector<16xf32>
        %get3A_674 = arith.constant 18 : i32
        %get3A_675 = arith.index_cast %get3A_674 : i32 to index
        %get3A_676 = arith.constant 0 : index
        %get3A_677 = tpu.vector_load %arg14[%get3A_675, %get3A_676] {strides = array<i32>} : memref<256x16xf32, #tpu.memory_space<vmem>>, vector<16xf32>,
        %mul3A_678 = arith.mulf %broadcast_in_dim3A_565, %get3A_677 : vector<16xf32>
        %add3A_679 = arith.addf %broadcast_in_dim3A_549, %mul3A_678 : vector<16xf32>
        %get3A_680 = arith.constant 19 : i32
        %get3A_681 = arith.index_cast %get3A_680 : i32 to index
        %get3A_682 = arith.constant 0 : index
        %get3A_683 = tpu.vector_load %arg14[%get3A_681, %get3A_682] {strides = array<i32>} : memref<256x16xf32, #tpu.memory_space<vmem>>, vector<16xf32>,
        %mul3A_684 = arith.mulf %broadcast_in_dim3A_565, %get3A_683 : vector<16xf32>
        %add3A_685 = arith.addf %broadcast_in_dim3A_551, %mul3A_684 : vector<16xf32>
        %get3A_686 = arith.constant 20 : i32
        %get3A_687 = arith.index_cast %get3A_686 : i32 to index
        %get3A_688 = arith.constant 0 : index
        %get3A_689 = tpu.vector_load %arg14[%get3A_687, %get3A_688] {strides = array<i32>} : memref<256x16xf32, #tpu.memory_space<vmem>>, vector<16xf32>,
        %mul3A_690 = arith.mulf %broadcast_in_dim3A_565, %get3A_689 : vector<16xf32>
        %add3A_691 = arith.addf %broadcast_in_dim3A_553, %mul3A_690 : vector<16xf32>
        %get3A_692 = arith.constant 21 : i32
        %get3A_693 = arith.index_cast %get3A_692 : i32 to index
        %get3A_694 = arith.constant 0 : index
        %get3A_695 = tpu.vector_load %arg14[%get3A_693, %get3A_694] {strides = array<i32>} : memref<256x16xf32, #tpu.memory_space<vmem>>, vector<16xf32>,
        %mul3A_696 = arith.mulf %broadcast_in_dim3A_565, %get3A_695 : vector<16xf32>
        %add3A_697 = arith.addf %broadcast_in_dim3A_555, %mul3A_696 : vector<16xf32>
        %get3A_698 = arith.constant 22 : i32
        %get3A_699 = arith.index_cast %get3A_698 : i32 to index
        %get3A_700 = arith.constant 0 : index
        %get3A_701 = tpu.vector_load %arg14[%get3A_699, %get3A_700] {strides = array<i32>} : memref<256x16xf32, #tpu.memory_space<vmem>>, vector<16xf32>,
        %mul3A_702 = arith.mulf %broadcast_in_dim3A_565, %get3A_701 : vector<16xf32>
        %add3A_703 = arith.addf %broadcast_in_dim3A_557, %mul3A_702 : vector<16xf32>
        %get3A_704 = arith.constant 23 : i32
        %get3A_705 = arith.index_cast %get3A_704 : i32 to index
        %get3A_706 = arith.constant 0 : index
        %get3A_707 = tpu.vector_load %arg14[%get3A_705, %get3A_706] {strides = array<i32>} : memref<256x16xf32, #tpu.memory_space<vmem>>, vector<16xf32>,
        %mul3A_708 = arith.mulf %broadcast_in_dim3A_565, %get3A_707 : vector<16xf32>
        %add3A_709 = arith.addf %broadcast_in_dim3A_559, %mul3A_708 : vector<16xf32>
        %get3A_710 = arith.constant 24 : i32
        %get3A_711 = arith.index_cast %get3A_710 : i32 to index
        %get3A_712 = arith.constant 0 : index
        %get3A_713 = tpu.vector_load %arg14[%get3A_711, %get3A_712] {strides = array<i32>} : memref<256x16xf32, #tpu.memory_space<vmem>>, vector<16xf32>,
        %mul3A_714 = arith.mulf %broadcast_in_dim3A_565, %get3A_713 : vector<16xf32>
        %add3A_715 = arith.addf %broadcast_in_dim3A_561, %mul3A_714 : vector<16xf32>
        %slice3A_716 = vector.extract_strided_slice %get3A_564 {offsets = [1], sizes = [1], strides = [1]} : vector<16xf32> to vector<1xf32>
        %squeeze3A_717 = vector.extract %slice3A_716[0] : f32 from vector<1xf32>
        %broadcast_in_dim3A_718 = vector.broadcast %squeeze3A_717 : f32 to vector<16xf32>
        %get3A_719 = arith.constant 25 : i32
        %get3A_720 = arith.index_cast %get3A_719 : i32 to index
        %get3A_721 = arith.constant 0 : index
        %get3A_722 = tpu.vector_load %arg14[%get3A_720, %get3A_721] {strides = array<i32>} : memref<256x16xf32, #tpu.memory_space<vmem>>, vector<16xf32>,
        %mul3A_723 = arith.mulf %broadcast_in_dim3A_718, %get3A_722 : vector<16xf32>
        %add3A_724 = arith.addf %add3A_571, %mul3A_723 : vector<16xf32>
        %get3A_725 = arith.constant 26 : i32
        %get3A_726 = arith.index_cast %get3A_725 : i32 to index
        %get3A_727 = arith.constant 0 : index
        %get3A_728 = tpu.vector_load %arg14[%get3A_726, %get3A_727] {strides = array<i32>} : memref<256x16xf32, #tpu.memory_space<vmem>>, vector<16xf32>,
        %mul3A_729 = arith.mulf %broadcast_in_dim3A_718, %get3A_728 : vector<16xf32>
        %add3A_730 = arith.addf %add3A_577, %mul3A_729 : vector<16xf32>
        %get3A_731 = arith.constant 27 : i32
        %get3A_732 = arith.index_cast %get3A_731 : i32 to index
        %get3A_733 = arith.constant 0 : index
        %get3A_734 = tpu.vector_load %arg14[%get3A_732, %get3A_733] {strides = array<i32>} : memref<256x16xf32, #tpu.memory_space<vmem>>, vector<16xf32>,
        %mul3A_735 = arith.mulf %broadcast_in_dim3A_718, %get3A_734 : vector<16xf32>
        %add3A_736 = arith.addf %add3A_583, %mul3A_735 : vector<16xf32>
        %get3A_737 = arith.constant 28 : i32
        %get3A_738 = arith.index_cast %get3A_737 : i32 to index
        %get3A_739 = arith.constant 0 : index
        %get3A_740 = tpu.vector_load %arg14[%get3A_738, %get3A_739] {strides = array<i32>} : memref<256x16xf32, #tpu.memory_space<vmem>>, vector<16xf32>,
        %mul3A_741 = arith.mulf %broadcast_in_dim3A_718, %get3A_740 : vector<16xf32>
        %add3A_742 = arith.addf %add3A_589, %mul3A_741 : vector<16xf32>
        %get3A_743 = arith.constant 29 : i32
        %get3A_744 = arith.index_cast %get3A_743 : i32 to index
        %get3A_745 = arith.constant 0 : index
        %get3A_746 = tpu.vector_load %arg14[%get3A_744, %get3A_745] {strides = array<i32>} : memref<256x16xf32, #tpu.memory_space<vmem>>, vector<16xf32>,
        %mul3A_747 = arith.mulf %broadcast_in_dim3A_718, %get3A_746 : vector<16xf32>
        %add3A_748 = arith.addf %add3A_595, %mul3A_747 : vector<16xf32>
        %get3A_749 = arith.constant 30 : i32
        %get3A_750 = arith.index_cast %get3A_749 : i32 to index
        %get3A_751 = arith.constant 0 : index
        %get3A_752 = tpu.vector_load %arg14[%get3A_750, %get3A_751] {strides = array<i32>} : memref<256x16xf32, #tpu.memory_space<vmem>>, vector<16xf32>,
        %mul3A_753 = arith.mulf %broadcast_in_dim3A_718, %get3A_752 : vector<16xf32>
        %add3A_754 = arith.addf %add3A_601, %mul3A_753 : vector<16xf32>
        %get3A_755 = arith.constant 31 : i32
        %get3A_756 = arith.index_cast %get3A_755 : i32 to index
        %get3A_757 = arith.constant 0 : index
        %get3A_758 = tpu.vector_load %arg14[%get3A_756, %get3A_757] {strides = array<i32>} : memref<256x16xf32, #tpu.memory_space<vmem>>, vector<16xf32>,
        %mul3A_759 = arith.mulf %broadcast_in_dim3A_718, %get3A_758 : vector<16xf32>
        %add3A_760 = arith.addf %add3A_607, %mul3A_759 : vector<16xf32>
        %get3A_761 = arith.constant 32 : i32
        %get3A_762 = arith.index_cast %get3A_761 : i32 to index
        %get3A_763 = arith.constant 0 : index
        %get3A_764 = tpu.vector_load %arg14[%get3A_762, %get3A_763] {strides = array<i32>} : memref<256x16xf32, #tpu.memory_space<vmem>>, vector<16xf32>,
        %mul3A_765 = arith.mulf %broadcast_in_dim3A_718, %get3A_764 : vector<16xf32>
        %add3A_766 = arith.addf %add3A_613, %mul3A_765 : vector<16xf32>
        %get3A_767 = arith.constant 33 : i32
        %get3A_768 = arith.index_cast %get3A_767 : i32 to index
        %get3A_769 = arith.constant 0 : index
        %get3A_770 = tpu.vector_load %arg14[%get3A_768, %get3A_769] {strides = array<i32>} : memref<256x16xf32, #tpu.memory_space<vmem>>, vector<16xf32>,
        %mul3A_771 = arith.mulf %broadcast_in_dim3A_718, %get3A_770 : vector<16xf32>
        %add3A_772 = arith.addf %add3A_619, %mul3A_771 : vector<16xf32>
        %get3A_773 = arith.constant 34 : i32
        %get3A_774 = arith.index_cast %get3A_773 : i32 to index
        %get3A_775 = arith.constant 0 : index
        %get3A_776 = tpu.vector_load %arg14[%get3A_774, %get3A_775] {strides = array<i32>} : memref<256x16xf32, #tpu.memory_space<vmem>>, vector<16xf32>,
        %mul3A_777 = arith.mulf %broadcast_in_dim3A_718, %get3A_776 : vector<16xf32>
        %add3A_778 = arith.addf %add3A_625, %mul3A_777 : vector<16xf32>
        %get3A_779 = arith.constant 35 : i32
        %get3A_780 = arith.index_cast %get3A_779 : i32 to index
        %get3A_781 = arith.constant 0 : index
        %get3A_782 = tpu.vector_load %arg14[%get3A_780, %get3A_781] {strides = array<i32>} : memref<256x16xf32, #tpu.memory_space<vmem>>, vector<16xf32>,
        %mul3A_783 = arith.mulf %broadcast_in_dim3A_718, %get3A_782 : vector<16xf32>
        %add3A_784 = arith.addf %add3A_631, %mul3A_783 : vector<16xf32>
        %get3A_785 = arith.constant 36 : i32
        %get3A_786 = arith.index_cast %get3A_785 : i32 to index
        %get3A_787 = arith.constant 0 : index
        %get3A_788 = tpu.vector_load %arg14[%get3A_786, %get3A_787] {strides = array<i32>} : memref<256x16xf32, #tpu.memory_space<vmem>>, vector<16xf32>,
        %mul3A_789 = arith.mulf %broadcast_in_dim3A_718, %get3A_788 : vector<16xf32>
        %add3A_790 = arith.addf %add3A_637, %mul3A_789 : vector<16xf32>
        %get3A_791 = arith.constant 37 : i32
        %get3A_792 = arith.index_cast %get3A_791 : i32 to index
        %get3A_793 = arith.constant 0 : index
        %get3A_794 = tpu.vector_load %arg14[%get3A_792, %get3A_793] {strides = array<i32>} : memref<256x16xf32, #tpu.memory_space<vmem>>, vector<16xf32>,
        %mul3A_795 = arith.mulf %broadcast_in_dim3A_718, %get3A_794 : vector<16xf32>
        %add3A_796 = arith.addf %add3A_643, %mul3A_795 : vector<16xf32>
        %get3A_797 = arith.constant 38 : i32
        %get3A_798 = arith.index_cast %get3A_797 : i32 to index
        %get3A_799 = arith.constant 0 : index
        %get3A_800 = tpu.vector_load %arg14[%get3A_798, %get3A_799] {strides = array<i32>} : memref<256x16xf32, #tpu.memory_space<vmem>>, vector<16xf32>,
        %mul3A_801 = arith.mulf %broadcast_in_dim3A_718, %get3A_800 : vector<16xf32>
        %add3A_802 = arith.addf %add3A_649, %mul3A_801 : vector<16xf32>
        %get3A_803 = arith.constant 39 : i32
        %get3A_804 = arith.index_cast %get3A_803 : i32 to index
        %get3A_805 = arith.constant 0 : index
        %get3A_806 = tpu.vector_load %arg14[%get3A_804, %get3A_805] {strides = array<i32>} : memref<256x16xf32, #tpu.memory_space<vmem>>, vector<16xf32>,
        %mul3A_807 = arith.mulf %broadcast_in_dim3A_718, %get3A_806 : vector<16xf32>
        %add3A_808 = arith.addf %add3A_655, %mul3A_807 : vector<16xf32>
        %get3A_809 = arith.constant 40 : i32
        %get3A_810 = arith.index_cast %get3A_809 : i32 to index
        %get3A_811 = arith.constant 0 : index
        %get3A_812 = tpu.vector_load %arg14[%get3A_810, %get3A_811] {strides = array<i32>} : memref<256x16xf32, #tpu.memory_space<vmem>>, vector<16xf32>,
        %mul3A_813 = arith.mulf %broadcast_in_dim3A_718, %get3A_812 : vector<16xf32>
        %add3A_814 = arith.addf %add3A_661, %mul3A_813 : vector<16xf32>
        %get3A_815 = arith.constant 41 : i32
        %get3A_816 = arith.index_cast %get3A_815 : i32 to index
        %get3A_817 = arith.constant 0 : index
        %get3A_818 = tpu.vector_load %arg14[%get3A_816, %get3A_817] {strides = array<i32>} : memref<256x16xf32, #tpu.memory_space<vmem>>, vector<16xf32>,
        %mul3A_819 = arith.mulf %broadcast_in_dim3A_718, %get3A_818 : vector<16xf32>
        %add3A_820 = arith.addf %add3A_667, %mul3A_819 : vector<16xf32>
        %get3A_821 = arith.constant 42 : i32
        %get3A_822 = arith.index_cast %get3A_821 : i32 to index
        %get3A_823 = arith.constant 0 : index
        %get3A_824 = tpu.vector_load %arg14[%get3A_822, %get3A_823] {strides = array<i32>} : memref<256x16xf32, #tpu.memory_space<vmem>>, vector<16xf32>,
        %mul3A_825 = arith.mulf %broadcast_in_dim3A_718, %get3A_824 : vector<16xf32>
        %add3A_826 = arith.addf %add3A_673, %mul3A_825 : vector<16xf32>
        %get3A_827 = arith.constant 43 : i32
        %get3A_828 = arith.index_cast %get3A_827 : i32 to index
        %get3A_829 = arith.constant 0 : index
        %get3A_830 = tpu.vector_load %arg14[%get3A_828, %get3A_829] {strides = array<i32>} : memref<256x16xf32, #tpu.memory_space<vmem>>, vector<16xf32>,
        %mul3A_831 = arith.mulf %broadcast_in_dim3A_718, %get3A_830 : vector<16xf32>
        %add3A_832 = arith.addf %add3A_679, %mul3A_831 : vector<16xf32>
        %get3A_833 = arith.constant 44 : i32
        %get3A_834 = arith.index_cast %get3A_833 : i32 to index
        %get3A_835 = arith.constant 0 : index
        %get3A_836 = tpu.vector_load %arg14[%get3A_834, %get3A_835] {strides = array<i32>} : memref<256x16xf32, #tpu.memory_space<vmem>>, vector<16xf32>,
        %mul3A_837 = arith.mulf %broadcast_in_dim3A_718, %get3A_836 : vector<16xf32>
        %add3A_838 = arith.addf %add3A_685, %mul3A_837 : vector<16xf32>
        %get3A_839 = arith.constant 45 : i32
        %get3A_840 = arith.index_cast %get3A_839 : i32 to index
        %get3A_841 = arith.constant 0 : index
        %get3A_842 = tpu.vector_load %arg14[%get3A_840, %get3A_841] {strides = array<i32>} : memref<256x16xf32, #tpu.memory_space<vmem>>, vector<16xf32>,
        %mul3A_843 = arith.mulf %broadcast_in_dim3A_718, %get3A_842 : vector<16xf32>
        %add3A_844 = arith.addf %add3A_691, %mul3A_843 : vector<16xf32>
        %get3A_845 = arith.constant 46 : i32
        %get3A_846 = arith.index_cast %get3A_845 : i32 to index
        %get3A_847 = arith.constant 0 : index
        %get3A_848 = tpu.vector_load %arg14[%get3A_846, %get3A_847] {strides = array<i32>} : memref<256x16xf32, #tpu.memory_space<vmem>>, vector<16xf32>,
        %mul3A_849 = arith.mulf %broadcast_in_dim3A_718, %get3A_848 : vector<16xf32>
        %add3A_850 = arith.addf %add3A_697, %mul3A_849 : vector<16xf32>
        %get3A_851 = arith.constant 47 : i32
        %get3A_852 = arith.index_cast %get3A_851 : i32 to index
        %get3A_853 = arith.constant 0 : index
        %get3A_854 = tpu.vector_load %arg14[%get3A_852, %get3A_853] {strides = array<i32>} : memref<256x16xf32, #tpu.memory_space<vmem>>, vector<16xf32>,
        %mul3A_855 = arith.mulf %broadcast_in_dim3A_718, %get3A_854 : vector<16xf32>
        %add3A_856 = arith.addf %add3A_703, %mul3A_855 : vector<16xf32>
        %get3A_857 = arith.constant 48 : i32
        %get3A_858 = arith.index_cast %get3A_857 : i32 to index
        %get3A_859 = arith.constant 0 : index
        %get3A_860 = tpu.vector_load %arg14[%get3A_858, %get3A_859] {strides = array<i32>} : memref<256x16xf32, #tpu.memory_space<vmem>>, vector<16xf32>,
        %mul3A_861 = arith.mulf %broadcast_in_dim3A_718, %get3A_860 : vector<16xf32>
        %add3A_862 = arith.addf %add3A_709, %mul3A_861 : vector<16xf32>
        %get3A_863 = arith.constant 49 : i32
        %get3A_864 = arith.index_cast %get3A_863 : i32 to index
        %get3A_865 = arith.constant 0 : index
        %get3A_866 = tpu.vector_load %arg14[%get3A_864, %get3A_865] {strides = array<i32>} : memref<256x16xf32, #tpu.memory_space<vmem>>, vector<16xf32>,
        %mul3A_867 = arith.mulf %broadcast_in_dim3A_718, %get3A_866 : vector<16xf32>
        %add3A_868 = arith.addf %add3A_715, %mul3A_867 : vector<16xf32>
        %slice3A_869 = vector.extract_strided_slice %get3A_564 {offsets = [2], sizes = [1], strides = [1]} : vector<16xf32> to vector<1xf32>
        %squeeze3A_870 = vector.extract %slice3A_869[0] : f32 from vector<1xf32>
        %broadcast_in_dim3A_871 = vector.broadcast %squeeze3A_870 : f32 to vector<16xf32>
        %get3A_872 = arith.constant 50 : i32
        %get3A_873 = arith.index_cast %get3A_872 : i32 to index
        %get3A_874 = arith.constant 0 : index
        %get3A_875 = tpu.vector_load %arg14[%get3A_873, %get3A_874] {strides = array<i32>} : memref<256x16xf32, #tpu.memory_space<vmem>>, vector<16xf32>,
        %mul3A_876 = arith.mulf %broadcast_in_dim3A_871, %get3A_875 : vector<16xf32>
        %add3A_877 = arith.addf %add3A_724, %mul3A_876 : vector<16xf32>
        %get3A_878 = arith.constant 51 : i32
        %get3A_879 = arith.index_cast %get3A_878 : i32 to index
        %get3A_880 = arith.constant 0 : index
        %get3A_881 = tpu.vector_load %arg14[%get3A_879, %get3A_880] {strides = array<i32>} : memref<256x16xf32, #tpu.memory_space<vmem>>, vector<16xf32>,
        %mul3A_882 = arith.mulf %broadcast_in_dim3A_871, %get3A_881 : vector<16xf32>
        %add3A_883 = arith.addf %add3A_730, %mul3A_882 : vector<16xf32>
        %get3A_884 = arith.constant 52 : i32
        %get3A_885 = arith.index_cast %get3A_884 : i32 to index
        %get3A_886 = arith.constant 0 : index
        %get3A_887 = tpu.vector_load %arg14[%get3A_885, %get3A_886] {strides = array<i32>} : memref<256x16xf32, #tpu.memory_space<vmem>>, vector<16xf32>,
        %mul3A_888 = arith.mulf %broadcast_in_dim3A_871, %get3A_887 : vector<16xf32>
        %add3A_889 = arith.addf %add3A_736, %mul3A_888 : vector<16xf32>
        %get3A_890 = arith.constant 53 : i32
        %get3A_891 = arith.index_cast %get3A_890 : i32 to index
        %get3A_892 = arith.constant 0 : index
        %get3A_893 = tpu.vector_load %arg14[%get3A_891, %get3A_892] {strides = array<i32>} : memref<256x16xf32, #tpu.memory_space<vmem>>, vector<16xf32>,
        %mul3A_894 = arith.mulf %broadcast_in_dim3A_871, %get3A_893 : vector<16xf32>
        %add3A_895 = arith.addf %add3A_742, %mul3A_894 : vector<16xf32>
        %get3A_896 = arith.constant 54 : i32
        %get3A_897 = arith.index_cast %get3A_896 : i32 to index
        %get3A_898 = arith.constant 0 : index
        %get3A_899 = tpu.vector_load %arg14[%get3A_897, %get3A_898] {strides = array<i32>} : memref<256x16xf32, #tpu.memory_space<vmem>>, vector<16xf32>,
        %mul3A_900 = arith.mulf %broadcast_in_dim3A_871, %get3A_899 : vector<16xf32>
        %add3A_901 = arith.addf %add3A_748, %mul3A_900 : vector<16xf32>
        %get3A_902 = arith.constant 55 : i32
        %get3A_903 = arith.index_cast %get3A_902 : i32 to index
        %get3A_904 = arith.constant 0 : index
        %get3A_905 = tpu.vector_load %arg14[%get3A_903, %get3A_904] {strides = array<i32>} : memref<256x16xf32, #tpu.memory_space<vmem>>, vector<16xf32>,
        %mul3A_906 = arith.mulf %broadcast_in_dim3A_871, %get3A_905 : vector<16xf32>
        %add3A_907 = arith.addf %add3A_754, %mul3A_906 : vector<16xf32>
        %get3A_908 = arith.constant 56 : i32
        %get3A_909 = arith.index_cast %get3A_908 : i32 to index
        %get3A_910 = arith.constant 0 : index
        %get3A_911 = tpu.vector_load %arg14[%get3A_909, %get3A_910] {strides = array<i32>} : memref<256x16xf32, #tpu.memory_space<vmem>>, vector<16xf32>,
        %mul3A_912 = arith.mulf %broadcast_in_dim3A_871, %get3A_911 : vector<16xf32>
        %add3A_913 = arith.addf %add3A_760, %mul3A_912 : vector<16xf32>
        %get3A_914 = arith.constant 57 : i32
        %get3A_915 = arith.index_cast %get3A_914 : i32 to index
        %get3A_916 = arith.constant 0 : index
        %get3A_917 = tpu.vector_load %arg14[%get3A_915, %get3A_916] {strides = array<i32>} : memref<256x16xf32, #tpu.memory_space<vmem>>, vector<16xf32>,
        %mul3A_918 = arith.mulf %broadcast_in_dim3A_871, %get3A_917 : vector<16xf32>
        %add3A_919 = arith.addf %add3A_766, %mul3A_918 : vector<16xf32>
        %get3A_920 = arith.constant 58 : i32
        %get3A_921 = arith.index_cast %get3A_920 : i32 to index
        %get3A_922 = arith.constant 0 : index
        %get3A_923 = tpu.vector_load %arg14[%get3A_921, %get3A_922] {strides = array<i32>} : memref<256x16xf32, #tpu.memory_space<vmem>>, vector<16xf32>,
        %mul3A_924 = arith.mulf %broadcast_in_dim3A_871, %get3A_923 : vector<16xf32>
        %add3A_925 = arith.addf %add3A_772, %mul3A_924 : vector<16xf32>
        %get3A_926 = arith.constant 59 : i32
        %get3A_927 = arith.index_cast %get3A_926 : i32 to index
        %get3A_928 = arith.constant 0 : index
        %get3A_929 = tpu.vector_load %arg14[%get3A_927, %get3A_928] {strides = array<i32>} : memref<256x16xf32, #tpu.memory_space<vmem>>, vector<16xf32>,
        %mul3A_930 = arith.mulf %broadcast_in_dim3A_871, %get3A_929 : vector<16xf32>
        %add3A_931 = arith.addf %add3A_778, %mul3A_930 : vector<16xf32>
        %get3A_932 = arith.constant 60 : i32
        %get3A_933 = arith.index_cast %get3A_932 : i32 to index
        %get3A_934 = arith.constant 0 : index
        %get3A_935 = tpu.vector_load %arg14[%get3A_933, %get3A_934] {strides = array<i32>} : memref<256x16xf32, #tpu.memory_space<vmem>>, vector<16xf32>,
        %mul3A_936 = arith.mulf %broadcast_in_dim3A_871, %get3A_935 : vector<16xf32>
        %add3A_937 = arith.addf %add3A_784, %mul3A_936 : vector<16xf32>
        %get3A_938 = arith.constant 61 : i32
        %get3A_939 = arith.index_cast %get3A_938 : i32 to index
        %get3A_940 = arith.constant 0 : index
        %get3A_941 = tpu.vector_load %arg14[%get3A_939, %get3A_940] {strides = array<i32>} : memref<256x16xf32, #tpu.memory_space<vmem>>, vector<16xf32>,
        %mul3A_942 = arith.mulf %broadcast_in_dim3A_871, %get3A_941 : vector<16xf32>
        %add3A_943 = arith.addf %add3A_790, %mul3A_942 : vector<16xf32>
        %get3A_944 = arith.constant 62 : i32
        %get3A_945 = arith.index_cast %get3A_944 : i32 to index
        %get3A_946 = arith.constant 0 : index
        %get3A_947 = tpu.vector_load %arg14[%get3A_945, %get3A_946] {strides = array<i32>} : memref<256x16xf32, #tpu.memory_space<vmem>>, vector<16xf32>,
        %mul3A_948 = arith.mulf %broadcast_in_dim3A_871, %get3A_947 : vector<16xf32>
        %add3A_949 = arith.addf %add3A_796, %mul3A_948 : vector<16xf32>
        %get3A_950 = arith.constant 63 : i32
        %get3A_951 = arith.index_cast %get3A_950 : i32 to index
        %get3A_952 = arith.constant 0 : index
        %get3A_953 = tpu.vector_load %arg14[%get3A_951, %get3A_952] {strides = array<i32>} : memref<256x16xf32, #tpu.memory_space<vmem>>, vector<16xf32>,
        %mul3A_954 = arith.mulf %broadcast_in_dim3A_871, %get3A_953 : vector<16xf32>
        %add3A_955 = arith.addf %add3A_802, %mul3A_954 : vector<16xf32>
        %get3A_956 = arith.constant 64 : i32
        %get3A_957 = arith.index_cast %get3A_956 : i32 to index
        %get3A_958 = arith.constant 0 : index
        %get3A_959 = tpu.vector_load %arg14[%get3A_957, %get3A_958] {strides = array<i32>} : memref<256x16xf32, #tpu.memory_space<vmem>>, vector<16xf32>,
        %mul3A_960 = arith.mulf %broadcast_in_dim3A_871, %get3A_959 : vector<16xf32>
        %add3A_961 = arith.addf %add3A_808, %mul3A_960 : vector<16xf32>
        %get3A_962 = arith.constant 65 : i32
        %get3A_963 = arith.index_cast %get3A_962 : i32 to index
        %get3A_964 = arith.constant 0 : index
        %get3A_965 = tpu.vector_load %arg14[%get3A_963, %get3A_964] {strides = array<i32>} : memref<256x16xf32, #tpu.memory_space<vmem>>, vector<16xf32>,
        %mul3A_966 = arith.mulf %broadcast_in_dim3A_871, %get3A_965 : vector<16xf32>
        %add3A_967 = arith.addf %add3A_814, %mul3A_966 : vector<16xf32>
        %get3A_968 = arith.constant 66 : i32
        %get3A_969 = arith.index_cast %get3A_968 : i32 to index
        %get3A_970 = arith.constant 0 : index
        %get3A_971 = tpu.vector_load %arg14[%get3A_969, %get3A_970] {strides = array<i32>} : memref<256x16xf32, #tpu.memory_space<vmem>>, vector<16xf32>,
        %mul3A_972 = arith.mulf %broadcast_in_dim3A_871, %get3A_971 : vector<16xf32>
        %add3A_973 = arith.addf %add3A_820, %mul3A_972 : vector<16xf32>
        %get3A_974 = arith.constant 67 : i32
        %get3A_975 = arith.index_cast %get3A_974 : i32 to index
        %get3A_976 = arith.constant 0 : index
        %get3A_977 = tpu.vector_load %arg14[%get3A_975, %get3A_976] {strides = array<i32>} : memref<256x16xf32, #tpu.memory_space<vmem>>, vector<16xf32>,
        %mul3A_978 = arith.mulf %broadcast_in_dim3A_871, %get3A_977 : vector<16xf32>
        %add3A_979 = arith.addf %add3A_826, %mul3A_978 : vector<16xf32>
        %get3A_980 = arith.constant 68 : i32
        %get3A_981 = arith.index_cast %get3A_980 : i32 to index
        %get3A_982 = arith.constant 0 : index
        %get3A_983 = tpu.vector_load %arg14[%get3A_981, %get3A_982] {strides = array<i32>} : memref<256x16xf32, #tpu.memory_space<vmem>>, vector<16xf32>,
        %mul3A_984 = arith.mulf %broadcast_in_dim3A_871, %get3A_983 : vector<16xf32>
        %add3A_985 = arith.addf %add3A_832, %mul3A_984 : vector<16xf32>
        %get3A_986 = arith.constant 69 : i32
        %get3A_987 = arith.index_cast %get3A_986 : i32 to index
        %get3A_988 = arith.constant 0 : index
        %get3A_989 = tpu.vector_load %arg14[%get3A_987, %get3A_988] {strides = array<i32>} : memref<256x16xf32, #tpu.memory_space<vmem>>, vector<16xf32>,
        %mul3A_990 = arith.mulf %broadcast_in_dim3A_871, %get3A_989 : vector<16xf32>
        %add3A_991 = arith.addf %add3A_838, %mul3A_990 : vector<16xf32>
        %get3A_992 = arith.constant 70 : i32
        %get3A_993 = arith.index_cast %get3A_992 : i32 to index
        %get3A_994 = arith.constant 0 : index
        %get3A_995 = tpu.vector_load %arg14[%get3A_993, %get3A_994] {strides = array<i32>} : memref<256x16xf32, #tpu.memory_space<vmem>>, vector<16xf32>,
        %mul3A_996 = arith.mulf %broadcast_in_dim3A_871, %get3A_995 : vector<16xf32>
        %add3A_997 = arith.addf %add3A_844, %mul3A_996 : vector<16xf32>
        %get3A_998 = arith.constant 71 : i32
        %get3A_999 = arith.index_cast %get3A_998 : i32 to index
        %get3A_1000 = arith.constant 0 : index
        %get3A_1001 = tpu.vector_load %arg14[%get3A_999, %get3A_1000] {strides = array<i32>} : memref<256x16xf32, #tpu.memory_space<vmem>>, vector<16xf32>,
        %mul3A_1002 = arith.mulf %broadcast_in_dim3A_871, %get3A_1001 : vector<16xf32>
        %add3A_1003 = arith.addf %add3A_850, %mul3A_1002 : vector<16xf32>
        %get3A_1004 = arith.constant 72 : i32
        %get3A_1005 = arith.index_cast %get3A_1004 : i32 to index
        %get3A_1006 = arith.constant 0 : index
        %get3A_1007 = tpu.vector_load %arg14[%get3A_1005, %get3A_1006] {strides = array<i32>} : memref<256x16xf32, #tpu.memory_space<vmem>>, vector<16xf32>,
        %mul3A_1008 = arith.mulf %broadcast_in_dim3A_871, %get3A_1007 : vector<16xf32>
        %add3A_1009 = arith.addf %add3A_856, %mul3A_1008 : vector<16xf32>
        %get3A_1010 = arith.constant 73 : i32
        %get3A_1011 = arith.index_cast %get3A_1010 : i32 to index
        %get3A_1012 = arith.constant 0 : index
        %get3A_1013 = tpu.vector_load %arg14[%get3A_1011, %get3A_1012] {strides = array<i32>} : memref<256x16xf32, #tpu.memory_space<vmem>>, vector<16xf32>,
        %mul3A_1014 = arith.mulf %broadcast_in_dim3A_871, %get3A_1013 : vector<16xf32>
        %add3A_1015 = arith.addf %add3A_862, %mul3A_1014 : vector<16xf32>
        %get3A_1016 = arith.constant 74 : i32
        %get3A_1017 = arith.index_cast %get3A_1016 : i32 to index
        %get3A_1018 = arith.constant 0 : index
        %get3A_1019 = tpu.vector_load %arg14[%get3A_1017, %get3A_1018] {strides = array<i32>} : memref<256x16xf32, #tpu.memory_space<vmem>>, vector<16xf32>,
        %mul3A_1020 = arith.mulf %broadcast_in_dim3A_871, %get3A_1019 : vector<16xf32>
        %add3A_1021 = arith.addf %add3A_868, %mul3A_1020 : vector<16xf32>
        %slice3A_1022 = vector.extract_strided_slice %get3A_564 {offsets = [3], sizes = [1], strides = [1]} : vector<16xf32> to vector<1xf32>
        %squeeze3A_1023 = vector.extract %slice3A_1022[0] : f32 from vector<1xf32>
        %broadcast_in_dim3A_1024 = vector.broadcast %squeeze3A_1023 : f32 to vector<16xf32>
        %get3A_1025 = arith.constant 75 : i32
        %get3A_1026 = arith.index_cast %get3A_1025 : i32 to index
        %get3A_1027 = arith.constant 0 : index
        %get3A_1028 = tpu.vector_load %arg14[%get3A_1026, %get3A_1027] {strides = array<i32>} : memref<256x16xf32, #tpu.memory_space<vmem>>, vector<16xf32>,
        %mul3A_1029 = arith.mulf %broadcast_in_dim3A_1024, %get3A_1028 : vector<16xf32>
        %add3A_1030 = arith.addf %add3A_877, %mul3A_1029 : vector<16xf32>
        %get3A_1031 = arith.constant 76 : i32
        %get3A_1032 = arith.index_cast %get3A_1031 : i32 to index
        %get3A_1033 = arith.constant 0 : index
        %get3A_1034 = tpu.vector_load %arg14[%get3A_1032, %get3A_1033] {strides = array<i32>} : memref<256x16xf32, #tpu.memory_space<vmem>>, vector<16xf32>,
        %mul3A_1035 = arith.mulf %broadcast_in_dim3A_1024, %get3A_1034 : vector<16xf32>
        %add3A_1036 = arith.addf %add3A_883, %mul3A_1035 : vector<16xf32>
        %get3A_1037 = arith.constant 77 : i32
        %get3A_1038 = arith.index_cast %get3A_1037 : i32 to index
        %get3A_1039 = arith.constant 0 : index
        %get3A_1040 = tpu.vector_load %arg14[%get3A_1038, %get3A_1039] {strides = array<i32>} : memref<256x16xf32, #tpu.memory_space<vmem>>, vector<16xf32>,
        %mul3A_1041 = arith.mulf %broadcast_in_dim3A_1024, %get3A_1040 : vector<16xf32>
        %add3A_1042 = arith.addf %add3A_889, %mul3A_1041 : vector<16xf32>
        %get3A_1043 = arith.constant 78 : i32
        %get3A_1044 = arith.index_cast %get3A_1043 : i32 to index
        %get3A_1045 = arith.constant 0 : index
        %get3A_1046 = tpu.vector_load %arg14[%get3A_1044, %get3A_1045] {strides = array<i32>} : memref<256x16xf32, #tpu.memory_space<vmem>>, vector<16xf32>,
        %mul3A_1047 = arith.mulf %broadcast_in_dim3A_1024, %get3A_1046 : vector<16xf32>
        %add3A_1048 = arith.addf %add3A_895, %mul3A_1047 : vector<16xf32>
        %get3A_1049 = arith.constant 79 : i32
        %get3A_1050 = arith.index_cast %get3A_1049 : i32 to index
        %get3A_1051 = arith.constant 0 : index
        %get3A_1052 = tpu.vector_load %arg14[%get3A_1050, %get3A_1051] {strides = array<i32>} : memref<256x16xf32, #tpu.memory_space<vmem>>, vector<16xf32>,
        %mul3A_1053 = arith.mulf %broadcast_in_dim3A_1024, %get3A_1052 : vector<16xf32>
        %add3A_1054 = arith.addf %add3A_901, %mul3A_1053 : vector<16xf32>
        %get3A_1055 = arith.constant 80 : i32
        %get3A_1056 = arith.index_cast %get3A_1055 : i32 to index
        %get3A_1057 = arith.constant 0 : index
        %get3A_1058 = tpu.vector_load %arg14[%get3A_1056, %get3A_1057] {strides = array<i32>} : memref<256x16xf32, #tpu.memory_space<vmem>>, vector<16xf32>,
        %mul3A_1059 = arith.mulf %broadcast_in_dim3A_1024, %get3A_1058 : vector<16xf32>
        %add3A_1060 = arith.addf %add3A_907, %mul3A_1059 : vector<16xf32>
        %get3A_1061 = arith.constant 81 : i32
        %get3A_1062 = arith.index_cast %get3A_1061 : i32 to index
        %get3A_1063 = arith.constant 0 : index
        %get3A_1064 = tpu.vector_load %arg14[%get3A_1062, %get3A_1063] {strides = array<i32>} : memref<256x16xf32, #tpu.memory_space<vmem>>, vector<16xf32>,
        %mul3A_1065 = arith.mulf %broadcast_in_dim3A_1024, %get3A_1064 : vector<16xf32>
        %add3A_1066 = arith.addf %add3A_913, %mul3A_1065 : vector<16xf32>
        %get3A_1067 = arith.constant 82 : i32
        %get3A_1068 = arith.index_cast %get3A_1067 : i32 to index
        %get3A_1069 = arith.constant 0 : index
        %get3A_1070 = tpu.vector_load %arg14[%get3A_1068, %get3A_1069] {strides = array<i32>} : memref<256x16xf32, #tpu.memory_space<vmem>>, vector<16xf32>,
        %mul3A_1071 = arith.mulf %broadcast_in_dim3A_1024, %get3A_1070 : vector<16xf32>
        %add3A_1072 = arith.addf %add3A_919, %mul3A_1071 : vector<16xf32>
        %get3A_1073 = arith.constant 83 : i32
        %get3A_1074 = arith.index_cast %get3A_1073 : i32 to index
        %get3A_1075 = arith.constant 0 : index
        %get3A_1076 = tpu.vector_load %arg14[%get3A_1074, %get3A_1075] {strides = array<i32>} : memref<256x16xf32, #tpu.memory_space<vmem>>, vector<16xf32>,
        %mul3A_1077 = arith.mulf %broadcast_in_dim3A_1024, %get3A_1076 : vector<16xf32>
        %add3A_1078 = arith.addf %add3A_925, %mul3A_1077 : vector<16xf32>
        %get3A_1079 = arith.constant 84 : i32
        %get3A_1080 = arith.index_cast %get3A_1079 : i32 to index
        %get3A_1081 = arith.constant 0 : index
        %get3A_1082 = tpu.vector_load %arg14[%get3A_1080, %get3A_1081] {strides = array<i32>} : memref<256x16xf32, #tpu.memory_space<vmem>>, vector<16xf32>,
        %mul3A_1083 = arith.mulf %broadcast_in_dim3A_1024, %get3A_1082 : vector<16xf32>
        %add3A_1084 = arith.addf %add3A_931, %mul3A_1083 : vector<16xf32>
        %get3A_1085 = arith.constant 85 : i32
        %get3A_1086 = arith.index_cast %get3A_1085 : i32 to index
        %get3A_1087 = arith.constant 0 : index
        %get3A_1088 = tpu.vector_load %arg14[%get3A_1086, %get3A_1087] {strides = array<i32>} : memref<256x16xf32, #tpu.memory_space<vmem>>, vector<16xf32>,
        %mul3A_1089 = arith.mulf %broadcast_in_dim3A_1024, %get3A_1088 : vector<16xf32>
        %add3A_1090 = arith.addf %add3A_937, %mul3A_1089 : vector<16xf32>
        %get3A_1091 = arith.constant 86 : i32
        %get3A_1092 = arith.index_cast %get3A_1091 : i32 to index
        %get3A_1093 = arith.constant 0 : index
        %get3A_1094 = tpu.vector_load %arg14[%get3A_1092, %get3A_1093] {strides = array<i32>} : memref<256x16xf32, #tpu.memory_space<vmem>>, vector<16xf32>,
        %mul3A_1095 = arith.mulf %broadcast_in_dim3A_1024, %get3A_1094 : vector<16xf32>
        %add3A_1096 = arith.addf %add3A_943, %mul3A_1095 : vector<16xf32>
        %get3A_1097 = arith.constant 87 : i32
        %get3A_1098 = arith.index_cast %get3A_1097 : i32 to index
        %get3A_1099 = arith.constant 0 : index
        %get3A_1100 = tpu.vector_load %arg14[%get3A_1098, %get3A_1099] {strides = array<i32>} : memref<256x16xf32, #tpu.memory_space<vmem>>, vector<16xf32>,
        %mul3A_1101 = arith.mulf %broadcast_in_dim3A_1024, %get3A_1100 : vector<16xf32>
        %add3A_1102 = arith.addf %add3A_949, %mul3A_1101 : vector<16xf32>
        %get3A_1103 = arith.constant 88 : i32
        %get3A_1104 = arith.index_cast %get3A_1103 : i32 to index
        %get3A_1105 = arith.constant 0 : index
        %get3A_1106 = tpu.vector_load %arg14[%get3A_1104, %get3A_1105] {strides = array<i32>} : memref<256x16xf32, #tpu.memory_space<vmem>>, vector<16xf32>,
        %mul3A_1107 = arith.mulf %broadcast_in_dim3A_1024, %get3A_1106 : vector<16xf32>
        %add3A_1108 = arith.addf %add3A_955, %mul3A_1107 : vector<16xf32>
        %get3A_1109 = arith.constant 89 : i32
        %get3A_1110 = arith.index_cast %get3A_1109 : i32 to index
        %get3A_1111 = arith.constant 0 : index
        %get3A_1112 = tpu.vector_load %arg14[%get3A_1110, %get3A_1111] {strides = array<i32>} : memref<256x16xf32, #tpu.memory_space<vmem>>, vector<16xf32>,
        %mul3A_1113 = arith.mulf %broadcast_in_dim3A_1024, %get3A_1112 : vector<16xf32>
        %add3A_1114 = arith.addf %add3A_961, %mul3A_1113 : vector<16xf32>
        %get3A_1115 = arith.constant 90 : i32
        %get3A_1116 = arith.index_cast %get3A_1115 : i32 to index
        %get3A_1117 = arith.constant 0 : index
        %get3A_1118 = tpu.vector_load %arg14[%get3A_1116, %get3A_1117] {strides = array<i32>} : memref<256x16xf32, #tpu.memory_space<vmem>>, vector<16xf32>,
        %mul3A_1119 = arith.mulf %broadcast_in_dim3A_1024, %get3A_1118 : vector<16xf32>
        %add3A_1120 = arith.addf %add3A_967, %mul3A_1119 : vector<16xf32>
        %get3A_1121 = arith.constant 91 : i32
        %get3A_1122 = arith.index_cast %get3A_1121 : i32 to index
        %get3A_1123 = arith.constant 0 : index
        %get3A_1124 = tpu.vector_load %arg14[%get3A_1122, %get3A_1123] {strides = array<i32>} : memref<256x16xf32, #tpu.memory_space<vmem>>, vector<16xf32>,
        %mul3A_1125 = arith.mulf %broadcast_in_dim3A_1024, %get3A_1124 : vector<16xf32>
        %add3A_1126 = arith.addf %add3A_973, %mul3A_1125 : vector<16xf32>
        %get3A_1127 = arith.constant 92 : i32
        %get3A_1128 = arith.index_cast %get3A_1127 : i32 to index
        %get3A_1129 = arith.constant 0 : index
        %get3A_1130 = tpu.vector_load %arg14[%get3A_1128, %get3A_1129] {strides = array<i32>} : memref<256x16xf32, #tpu.memory_space<vmem>>, vector<16xf32>,
        %mul3A_1131 = arith.mulf %broadcast_in_dim3A_1024, %get3A_1130 : vector<16xf32>
        %add3A_1132 = arith.addf %add3A_979, %mul3A_1131 : vector<16xf32>
        %get3A_1133 = arith.constant 93 : i32
        %get3A_1134 = arith.index_cast %get3A_1133 : i32 to index
        %get3A_1135 = arith.constant 0 : index
        %get3A_1136 = tpu.vector_load %arg14[%get3A_1134, %get3A_1135] {strides = array<i32>} : memref<256x16xf32, #tpu.memory_space<vmem>>, vector<16xf32>,
        %mul3A_1137 = arith.mulf %broadcast_in_dim3A_1024, %get3A_1136 : vector<16xf32>
        %add3A_1138 = arith.addf %add3A_985, %mul3A_1137 : vector<16xf32>
        %get3A_1139 = arith.constant 94 : i32
        %get3A_1140 = arith.index_cast %get3A_1139 : i32 to index
        %get3A_1141 = arith.constant 0 : index
        %get3A_1142 = tpu.vector_load %arg14[%get3A_1140, %get3A_1141] {strides = array<i32>} : memref<256x16xf32, #tpu.memory_space<vmem>>, vector<16xf32>,
        %mul3A_1143 = arith.mulf %broadcast_in_dim3A_1024, %get3A_1142 : vector<16xf32>
        %add3A_1144 = arith.addf %add3A_991, %mul3A_1143 : vector<16xf32>
        %get3A_1145 = arith.constant 95 : i32
        %get3A_1146 = arith.index_cast %get3A_1145 : i32 to index
        %get3A_1147 = arith.constant 0 : index
        %get3A_1148 = tpu.vector_load %arg14[%get3A_1146, %get3A_1147] {strides = array<i32>} : memref<256x16xf32, #tpu.memory_space<vmem>>, vector<16xf32>,
        %mul3A_1149 = arith.mulf %broadcast_in_dim3A_1024, %get3A_1148 : vector<16xf32>
        %add3A_1150 = arith.addf %add3A_997, %mul3A_1149 : vector<16xf32>
        %get3A_1151 = arith.constant 96 : i32
        %get3A_1152 = arith.index_cast %get3A_1151 : i32 to index
        %get3A_1153 = arith.constant 0 : index
        %get3A_1154 = tpu.vector_load %arg14[%get3A_1152, %get3A_1153] {strides = array<i32>} : memref<256x16xf32, #tpu.memory_space<vmem>>, vector<16xf32>,
        %mul3A_1155 = arith.mulf %broadcast_in_dim3A_1024, %get3A_1154 : vector<16xf32>
        %add3A_1156 = arith.addf %add3A_1003, %mul3A_1155 : vector<16xf32>
        %get3A_1157 = arith.constant 97 : i32
        %get3A_1158 = arith.index_cast %get3A_1157 : i32 to index
        %get3A_1159 = arith.constant 0 : index
        %get3A_1160 = tpu.vector_load %arg14[%get3A_1158, %get3A_1159] {strides = array<i32>} : memref<256x16xf32, #tpu.memory_space<vmem>>, vector<16xf32>,
        %mul3A_1161 = arith.mulf %broadcast_in_dim3A_1024, %get3A_1160 : vector<16xf32>
        %add3A_1162 = arith.addf %add3A_1009, %mul3A_1161 : vector<16xf32>
        %get3A_1163 = arith.constant 98 : i32
        %get3A_1164 = arith.index_cast %get3A_1163 : i32 to index
        %get3A_1165 = arith.constant 0 : index
        %get3A_1166 = tpu.vector_load %arg14[%get3A_1164, %get3A_1165] {strides = array<i32>} : memref<256x16xf32, #tpu.memory_space<vmem>>, vector<16xf32>,
        %mul3A_1167 = arith.mulf %broadcast_in_dim3A_1024, %get3A_1166 : vector<16xf32>
        %add3A_1168 = arith.addf %add3A_1015, %mul3A_1167 : vector<16xf32>
        %get3A_1169 = arith.constant 99 : i32
        %get3A_1170 = arith.index_cast %get3A_1169 : i32 to index
        %get3A_1171 = arith.constant 0 : index
        %get3A_1172 = tpu.vector_load %arg14[%get3A_1170, %get3A_1171] {strides = array<i32>} : memref<256x16xf32, #tpu.memory_space<vmem>>, vector<16xf32>,
        %mul3A_1173 = arith.mulf %broadcast_in_dim3A_1024, %get3A_1172 : vector<16xf32>
        %add3A_1174 = arith.addf %add3A_1021, %mul3A_1173 : vector<16xf32>
        %slice3A_1175 = vector.extract_strided_slice %get3A_564 {offsets = [4], sizes = [1], strides = [1]} : vector<16xf32> to vector<1xf32>
        %squeeze3A_1176 = vector.extract %slice3A_1175[0] : f32 from vector<1xf32>
        %broadcast_in_dim3A_1177 = vector.broadcast %squeeze3A_1176 : f32 to vector<16xf32>
        %get3A_1178 = arith.constant 100 : i32
        %get3A_1179 = arith.index_cast %get3A_1178 : i32 to index
        %get3A_1180 = arith.constant 0 : index
        %get3A_1181 = tpu.vector_load %arg14[%get3A_1179, %get3A_1180] {strides = array<i32>} : memref<256x16xf32, #tpu.memory_space<vmem>>, vector<16xf32>,
        %mul3A_1182 = arith.mulf %broadcast_in_dim3A_1177, %get3A_1181 : vector<16xf32>
        %add3A_1183 = arith.addf %add3A_1030, %mul3A_1182 : vector<16xf32>
        %get3A_1184 = arith.constant 101 : i32
        %get3A_1185 = arith.index_cast %get3A_1184 : i32 to index
        %get3A_1186 = arith.constant 0 : index
        %get3A_1187 = tpu.vector_load %arg14[%get3A_1185, %get3A_1186] {strides = array<i32>} : memref<256x16xf32, #tpu.memory_space<vmem>>, vector<16xf32>,
        %mul3A_1188 = arith.mulf %broadcast_in_dim3A_1177, %get3A_1187 : vector<16xf32>
        %add3A_1189 = arith.addf %add3A_1036, %mul3A_1188 : vector<16xf32>
        %get3A_1190 = arith.constant 102 : i32
        %get3A_1191 = arith.index_cast %get3A_1190 : i32 to index
        %get3A_1192 = arith.constant 0 : index
        %get3A_1193 = tpu.vector_load %arg14[%get3A_1191, %get3A_1192] {strides = array<i32>} : memref<256x16xf32, #tpu.memory_space<vmem>>, vector<16xf32>,
        %mul3A_1194 = arith.mulf %broadcast_in_dim3A_1177, %get3A_1193 : vector<16xf32>
        %add3A_1195 = arith.addf %add3A_1042, %mul3A_1194 : vector<16xf32>
        %get3A_1196 = arith.constant 103 : i32
        %get3A_1197 = arith.index_cast %get3A_1196 : i32 to index
        %get3A_1198 = arith.constant 0 : index
        %get3A_1199 = tpu.vector_load %arg14[%get3A_1197, %get3A_1198] {strides = array<i32>} : memref<256x16xf32, #tpu.memory_space<vmem>>, vector<16xf32>,
        %mul3A_1200 = arith.mulf %broadcast_in_dim3A_1177, %get3A_1199 : vector<16xf32>
        %add3A_1201 = arith.addf %add3A_1048, %mul3A_1200 : vector<16xf32>
        %get3A_1202 = arith.constant 104 : i32
        %get3A_1203 = arith.index_cast %get3A_1202 : i32 to index
        %get3A_1204 = arith.constant 0 : index
        %get3A_1205 = tpu.vector_load %arg14[%get3A_1203, %get3A_1204] {strides = array<i32>} : memref<256x16xf32, #tpu.memory_space<vmem>>, vector<16xf32>,
        %mul3A_1206 = arith.mulf %broadcast_in_dim3A_1177, %get3A_1205 : vector<16xf32>
        %add3A_1207 = arith.addf %add3A_1054, %mul3A_1206 : vector<16xf32>
        %get3A_1208 = arith.constant 105 : i32
        %get3A_1209 = arith.index_cast %get3A_1208 : i32 to index
        %get3A_1210 = arith.constant 0 : index
        %get3A_1211 = tpu.vector_load %arg14[%get3A_1209, %get3A_1210] {strides = array<i32>} : memref<256x16xf32, #tpu.memory_space<vmem>>, vector<16xf32>,
        %mul3A_1212 = arith.mulf %broadcast_in_dim3A_1177, %get3A_1211 : vector<16xf32>
        %add3A_1213 = arith.addf %add3A_1060, %mul3A_1212 : vector<16xf32>
        %get3A_1214 = arith.constant 106 : i32
        %get3A_1215 = arith.index_cast %get3A_1214 : i32 to index
        %get3A_1216 = arith.constant 0 : index
        %get3A_1217 = tpu.vector_load %arg14[%get3A_1215, %get3A_1216] {strides = array<i32>} : memref<256x16xf32, #tpu.memory_space<vmem>>, vector<16xf32>,
        %mul3A_1218 = arith.mulf %broadcast_in_dim3A_1177, %get3A_1217 : vector<16xf32>
        %add3A_1219 = arith.addf %add3A_1066, %mul3A_1218 : vector<16xf32>
        %get3A_1220 = arith.constant 107 : i32
        %get3A_1221 = arith.index_cast %get3A_1220 : i32 to index
        %get3A_1222 = arith.constant 0 : index
        %get3A_1223 = tpu.vector_load %arg14[%get3A_1221, %get3A_1222] {strides = array<i32>} : memref<256x16xf32, #tpu.memory_space<vmem>>, vector<16xf32>,
        %mul3A_1224 = arith.mulf %broadcast_in_dim3A_1177, %get3A_1223 : vector<16xf32>
        %add3A_1225 = arith.addf %add3A_1072, %mul3A_1224 : vector<16xf32>
        %get3A_1226 = arith.constant 108 : i32
        %get3A_1227 = arith.index_cast %get3A_1226 : i32 to index
        %get3A_1228 = arith.constant 0 : index
        %get3A_1229 = tpu.vector_load %arg14[%get3A_1227, %get3A_1228] {strides = array<i32>} : memref<256x16xf32, #tpu.memory_space<vmem>>, vector<16xf32>,
        %mul3A_1230 = arith.mulf %broadcast_in_dim3A_1177, %get3A_1229 : vector<16xf32>
        %add3A_1231 = arith.addf %add3A_1078, %mul3A_1230 : vector<16xf32>
        %get3A_1232 = arith.constant 109 : i32
        %get3A_1233 = arith.index_cast %get3A_1232 : i32 to index
        %get3A_1234 = arith.constant 0 : index
        %get3A_1235 = tpu.vector_load %arg14[%get3A_1233, %get3A_1234] {strides = array<i32>} : memref<256x16xf32, #tpu.memory_space<vmem>>, vector<16xf32>,
        %mul3A_1236 = arith.mulf %broadcast_in_dim3A_1177, %get3A_1235 : vector<16xf32>
        %add3A_1237 = arith.addf %add3A_1084, %mul3A_1236 : vector<16xf32>
        %get3A_1238 = arith.constant 110 : i32
        %get3A_1239 = arith.index_cast %get3A_1238 : i32 to index
        %get3A_1240 = arith.constant 0 : index
        %get3A_1241 = tpu.vector_load %arg14[%get3A_1239, %get3A_1240] {strides = array<i32>} : memref<256x16xf32, #tpu.memory_space<vmem>>, vector<16xf32>,
        %mul3A_1242 = arith.mulf %broadcast_in_dim3A_1177, %get3A_1241 : vector<16xf32>
        %add3A_1243 = arith.addf %add3A_1090, %mul3A_1242 : vector<16xf32>
        %get3A_1244 = arith.constant 111 : i32
        %get3A_1245 = arith.index_cast %get3A_1244 : i32 to index
        %get3A_1246 = arith.constant 0 : index
        %get3A_1247 = tpu.vector_load %arg14[%get3A_1245, %get3A_1246] {strides = array<i32>} : memref<256x16xf32, #tpu.memory_space<vmem>>, vector<16xf32>,
        %mul3A_1248 = arith.mulf %broadcast_in_dim3A_1177, %get3A_1247 : vector<16xf32>
        %add3A_1249 = arith.addf %add3A_1096, %mul3A_1248 : vector<16xf32>
        %get3A_1250 = arith.constant 112 : i32
        %get3A_1251 = arith.index_cast %get3A_1250 : i32 to index
        %get3A_1252 = arith.constant 0 : index
        %get3A_1253 = tpu.vector_load %arg14[%get3A_1251, %get3A_1252] {strides = array<i32>} : memref<256x16xf32, #tpu.memory_space<vmem>>, vector<16xf32>,
        %mul3A_1254 = arith.mulf %broadcast_in_dim3A_1177, %get3A_1253 : vector<16xf32>
        %add3A_1255 = arith.addf %add3A_1102, %mul3A_1254 : vector<16xf32>
        %get3A_1256 = arith.constant 113 : i32
        %get3A_1257 = arith.index_cast %get3A_1256 : i32 to index
        %get3A_1258 = arith.constant 0 : index
        %get3A_1259 = tpu.vector_load %arg14[%get3A_1257, %get3A_1258] {strides = array<i32>} : memref<256x16xf32, #tpu.memory_space<vmem>>, vector<16xf32>,
        %mul3A_1260 = arith.mulf %broadcast_in_dim3A_1177, %get3A_1259 : vector<16xf32>
        %add3A_1261 = arith.addf %add3A_1108, %mul3A_1260 : vector<16xf32>
        %get3A_1262 = arith.constant 114 : i32
        %get3A_1263 = arith.index_cast %get3A_1262 : i32 to index
        %get3A_1264 = arith.constant 0 : index
        %get3A_1265 = tpu.vector_load %arg14[%get3A_1263, %get3A_1264] {strides = array<i32>} : memref<256x16xf32, #tpu.memory_space<vmem>>, vector<16xf32>,
        %mul3A_1266 = arith.mulf %broadcast_in_dim3A_1177, %get3A_1265 : vector<16xf32>
        %add3A_1267 = arith.addf %add3A_1114, %mul3A_1266 : vector<16xf32>
        %get3A_1268 = arith.constant 115 : i32
        %get3A_1269 = arith.index_cast %get3A_1268 : i32 to index
        %get3A_1270 = arith.constant 0 : index
        %get3A_1271 = tpu.vector_load %arg14[%get3A_1269, %get3A_1270] {strides = array<i32>} : memref<256x16xf32, #tpu.memory_space<vmem>>, vector<16xf32>,
        %mul3A_1272 = arith.mulf %broadcast_in_dim3A_1177, %get3A_1271 : vector<16xf32>
        %add3A_1273 = arith.addf %add3A_1120, %mul3A_1272 : vector<16xf32>
        %get3A_1274 = arith.constant 116 : i32
        %get3A_1275 = arith.index_cast %get3A_1274 : i32 to index
        %get3A_1276 = arith.constant 0 : index
        %get3A_1277 = tpu.vector_load %arg14[%get3A_1275, %get3A_1276] {strides = array<i32>} : memref<256x16xf32, #tpu.memory_space<vmem>>, vector<16xf32>,
        %mul3A_1278 = arith.mulf %broadcast_in_dim3A_1177, %get3A_1277 : vector<16xf32>
        %add3A_1279 = arith.addf %add3A_1126, %mul3A_1278 : vector<16xf32>
        %get3A_1280 = arith.constant 117 : i32
        %get3A_1281 = arith.index_cast %get3A_1280 : i32 to index
        %get3A_1282 = arith.constant 0 : index
        %get3A_1283 = tpu.vector_load %arg14[%get3A_1281, %get3A_1282] {strides = array<i32>} : memref<256x16xf32, #tpu.memory_space<vmem>>, vector<16xf32>,
        %mul3A_1284 = arith.mulf %broadcast_in_dim3A_1177, %get3A_1283 : vector<16xf32>
        %add3A_1285 = arith.addf %add3A_1132, %mul3A_1284 : vector<16xf32>
        %get3A_1286 = arith.constant 118 : i32
        %get3A_1287 = arith.index_cast %get3A_1286 : i32 to index
        %get3A_1288 = arith.constant 0 : index
        %get3A_1289 = tpu.vector_load %arg14[%get3A_1287, %get3A_1288] {strides = array<i32>} : memref<256x16xf32, #tpu.memory_space<vmem>>, vector<16xf32>,
        %mul3A_1290 = arith.mulf %broadcast_in_dim3A_1177, %get3A_1289 : vector<16xf32>
        %add3A_1291 = arith.addf %add3A_1138, %mul3A_1290 : vector<16xf32>
        %get3A_1292 = arith.constant 119 : i32
        %get3A_1293 = arith.index_cast %get3A_1292 : i32 to index
        %get3A_1294 = arith.constant 0 : index
        %get3A_1295 = tpu.vector_load %arg14[%get3A_1293, %get3A_1294] {strides = array<i32>} : memref<256x16xf32, #tpu.memory_space<vmem>>, vector<16xf32>,
        %mul3A_1296 = arith.mulf %broadcast_in_dim3A_1177, %get3A_1295 : vector<16xf32>
        %add3A_1297 = arith.addf %add3A_1144, %mul3A_1296 : vector<16xf32>
        %get3A_1298 = arith.constant 120 : i32
        %get3A_1299 = arith.index_cast %get3A_1298 : i32 to index
        %get3A_1300 = arith.constant 0 : index
        %get3A_1301 = tpu.vector_load %arg14[%get3A_1299, %get3A_1300] {strides = array<i32>} : memref<256x16xf32, #tpu.memory_space<vmem>>, vector<16xf32>,
        %mul3A_1302 = arith.mulf %broadcast_in_dim3A_1177, %get3A_1301 : vector<16xf32>
        %add3A_1303 = arith.addf %add3A_1150, %mul3A_1302 : vector<16xf32>
        %get3A_1304 = arith.constant 121 : i32
        %get3A_1305 = arith.index_cast %get3A_1304 : i32 to index
        %get3A_1306 = arith.constant 0 : index
        %get3A_1307 = tpu.vector_load %arg14[%get3A_1305, %get3A_1306] {strides = array<i32>} : memref<256x16xf32, #tpu.memory_space<vmem>>, vector<16xf32>,
        %mul3A_1308 = arith.mulf %broadcast_in_dim3A_1177, %get3A_1307 : vector<16xf32>
        %add3A_1309 = arith.addf %add3A_1156, %mul3A_1308 : vector<16xf32>
        %get3A_1310 = arith.constant 122 : i32
        %get3A_1311 = arith.index_cast %get3A_1310 : i32 to index
        %get3A_1312 = arith.constant 0 : index
        %get3A_1313 = tpu.vector_load %arg14[%get3A_1311, %get3A_1312] {strides = array<i32>} : memref<256x16xf32, #tpu.memory_space<vmem>>, vector<16xf32>,
        %mul3A_1314 = arith.mulf %broadcast_in_dim3A_1177, %get3A_1313 : vector<16xf32>
        %add3A_1315 = arith.addf %add3A_1162, %mul3A_1314 : vector<16xf32>
        %get3A_1316 = arith.constant 123 : i32
        %get3A_1317 = arith.index_cast %get3A_1316 : i32 to index
        %get3A_1318 = arith.constant 0 : index
        %get3A_1319 = tpu.vector_load %arg14[%get3A_1317, %get3A_1318] {strides = array<i32>} : memref<256x16xf32, #tpu.memory_space<vmem>>, vector<16xf32>,
        %mul3A_1320 = arith.mulf %broadcast_in_dim3A_1177, %get3A_1319 : vector<16xf32>
        %add3A_1321 = arith.addf %add3A_1168, %mul3A_1320 : vector<16xf32>
        %get3A_1322 = arith.constant 124 : i32
        %get3A_1323 = arith.index_cast %get3A_1322 : i32 to index
        %get3A_1324 = arith.constant 0 : index
        %get3A_1325 = tpu.vector_load %arg14[%get3A_1323, %get3A_1324] {strides = array<i32>} : memref<256x16xf32, #tpu.memory_space<vmem>>, vector<16xf32>,
        %mul3A_1326 = arith.mulf %broadcast_in_dim3A_1177, %get3A_1325 : vector<16xf32>
        %add3A_1327 = arith.addf %add3A_1174, %mul3A_1326 : vector<16xf32>
        %slice3A_1328 = vector.extract_strided_slice %get3A_564 {offsets = [5], sizes = [1], strides = [1]} : vector<16xf32> to vector<1xf32>
        %squeeze3A_1329 = vector.extract %slice3A_1328[0] : f32 from vector<1xf32>
        %broadcast_in_dim3A_1330 = vector.broadcast %squeeze3A_1329 : f32 to vector<16xf32>
        %get3A_1331 = arith.constant 125 : i32
        %get3A_1332 = arith.index_cast %get3A_1331 : i32 to index
        %get3A_1333 = arith.constant 0 : index
        %get3A_1334 = tpu.vector_load %arg14[%get3A_1332, %get3A_1333] {strides = array<i32>} : memref<256x16xf32, #tpu.memory_space<vmem>>, vector<16xf32>,
        %mul3A_1335 = arith.mulf %broadcast_in_dim3A_1330, %get3A_1334 : vector<16xf32>
        %add3A_1336 = arith.addf %add3A_1183, %mul3A_1335 : vector<16xf32>
        %get3A_1337 = arith.constant 126 : i32
        %get3A_1338 = arith.index_cast %get3A_1337 : i32 to index
        %get3A_1339 = arith.constant 0 : index
        %get3A_1340 = tpu.vector_load %arg14[%get3A_1338, %get3A_1339] {strides = array<i32>} : memref<256x16xf32, #tpu.memory_space<vmem>>, vector<16xf32>,
        %mul3A_1341 = arith.mulf %broadcast_in_dim3A_1330, %get3A_1340 : vector<16xf32>
        %add3A_1342 = arith.addf %add3A_1189, %mul3A_1341 : vector<16xf32>
        %get3A_1343 = arith.constant 127 : i32
        %get3A_1344 = arith.index_cast %get3A_1343 : i32 to index
        %get3A_1345 = arith.constant 0 : index
        %get3A_1346 = tpu.vector_load %arg14[%get3A_1344, %get3A_1345] {strides = array<i32>} : memref<256x16xf32, #tpu.memory_space<vmem>>, vector<16xf32>,
        %mul3A_1347 = arith.mulf %broadcast_in_dim3A_1330, %get3A_1346 : vector<16xf32>
        %add3A_1348 = arith.addf %add3A_1195, %mul3A_1347 : vector<16xf32>
        %get3A_1349 = arith.constant 128 : i32
        %get3A_1350 = arith.index_cast %get3A_1349 : i32 to index
        %get3A_1351 = arith.constant 0 : index
        %get3A_1352 = tpu.vector_load %arg14[%get3A_1350, %get3A_1351] {strides = array<i32>} : memref<256x16xf32, #tpu.memory_space<vmem>>, vector<16xf32>,
        %mul3A_1353 = arith.mulf %broadcast_in_dim3A_1330, %get3A_1352 : vector<16xf32>
        %add3A_1354 = arith.addf %add3A_1201, %mul3A_1353 : vector<16xf32>
        %get3A_1355 = arith.constant 129 : i32
        %get3A_1356 = arith.index_cast %get3A_1355 : i32 to index
        %get3A_1357 = arith.constant 0 : index
        %get3A_1358 = tpu.vector_load %arg14[%get3A_1356, %get3A_1357] {strides = array<i32>} : memref<256x16xf32, #tpu.memory_space<vmem>>, vector<16xf32>,
        %mul3A_1359 = arith.mulf %broadcast_in_dim3A_1330, %get3A_1358 : vector<16xf32>
        %add3A_1360 = arith.addf %add3A_1207, %mul3A_1359 : vector<16xf32>
        %get3A_1361 = arith.constant 130 : i32
        %get3A_1362 = arith.index_cast %get3A_1361 : i32 to index
        %get3A_1363 = arith.constant 0 : index
        %get3A_1364 = tpu.vector_load %arg14[%get3A_1362, %get3A_1363] {strides = array<i32>} : memref<256x16xf32, #tpu.memory_space<vmem>>, vector<16xf32>,
        %mul3A_1365 = arith.mulf %broadcast_in_dim3A_1330, %get3A_1364 : vector<16xf32>
        %add3A_1366 = arith.addf %add3A_1213, %mul3A_1365 : vector<16xf32>
        %get3A_1367 = arith.constant 131 : i32
        %get3A_1368 = arith.index_cast %get3A_1367 : i32 to index
        %get3A_1369 = arith.constant 0 : index
        %get3A_1370 = tpu.vector_load %arg14[%get3A_1368, %get3A_1369] {strides = array<i32>} : memref<256x16xf32, #tpu.memory_space<vmem>>, vector<16xf32>,
        %mul3A_1371 = arith.mulf %broadcast_in_dim3A_1330, %get3A_1370 : vector<16xf32>
        %add3A_1372 = arith.addf %add3A_1219, %mul3A_1371 : vector<16xf32>
        %get3A_1373 = arith.constant 132 : i32
        %get3A_1374 = arith.index_cast %get3A_1373 : i32 to index
        %get3A_1375 = arith.constant 0 : index
        %get3A_1376 = tpu.vector_load %arg14[%get3A_1374, %get3A_1375] {strides = array<i32>} : memref<256x16xf32, #tpu.memory_space<vmem>>, vector<16xf32>,
        %mul3A_1377 = arith.mulf %broadcast_in_dim3A_1330, %get3A_1376 : vector<16xf32>
        %add3A_1378 = arith.addf %add3A_1225, %mul3A_1377 : vector<16xf32>
        %get3A_1379 = arith.constant 133 : i32
        %get3A_1380 = arith.index_cast %get3A_1379 : i32 to index
        %get3A_1381 = arith.constant 0 : index
        %get3A_1382 = tpu.vector_load %arg14[%get3A_1380, %get3A_1381] {strides = array<i32>} : memref<256x16xf32, #tpu.memory_space<vmem>>, vector<16xf32>,
        %mul3A_1383 = arith.mulf %broadcast_in_dim3A_1330, %get3A_1382 : vector<16xf32>
        %add3A_1384 = arith.addf %add3A_1231, %mul3A_1383 : vector<16xf32>
        %get3A_1385 = arith.constant 134 : i32
        %get3A_1386 = arith.index_cast %get3A_1385 : i32 to index
        %get3A_1387 = arith.constant 0 : index
        %get3A_1388 = tpu.vector_load %arg14[%get3A_1386, %get3A_1387] {strides = array<i32>} : memref<256x16xf32, #tpu.memory_space<vmem>>, vector<16xf32>,
        %mul3A_1389 = arith.mulf %broadcast_in_dim3A_1330, %get3A_1388 : vector<16xf32>
        %add3A_1390 = arith.addf %add3A_1237, %mul3A_1389 : vector<16xf32>
        %get3A_1391 = arith.constant 135 : i32
        %get3A_1392 = arith.index_cast %get3A_1391 : i32 to index
        %get3A_1393 = arith.constant 0 : index
        %get3A_1394 = tpu.vector_load %arg14[%get3A_1392, %get3A_1393] {strides = array<i32>} : memref<256x16xf32, #tpu.memory_space<vmem>>, vector<16xf32>,
        %mul3A_1395 = arith.mulf %broadcast_in_dim3A_1330, %get3A_1394 : vector<16xf32>
        %add3A_1396 = arith.addf %add3A_1243, %mul3A_1395 : vector<16xf32>
        %get3A_1397 = arith.constant 136 : i32
        %get3A_1398 = arith.index_cast %get3A_1397 : i32 to index
        %get3A_1399 = arith.constant 0 : index
        %get3A_1400 = tpu.vector_load %arg14[%get3A_1398, %get3A_1399] {strides = array<i32>} : memref<256x16xf32, #tpu.memory_space<vmem>>, vector<16xf32>,
        %mul3A_1401 = arith.mulf %broadcast_in_dim3A_1330, %get3A_1400 : vector<16xf32>
        %add3A_1402 = arith.addf %add3A_1249, %mul3A_1401 : vector<16xf32>
        %get3A_1403 = arith.constant 137 : i32
        %get3A_1404 = arith.index_cast %get3A_1403 : i32 to index
        %get3A_1405 = arith.constant 0 : index
        %get3A_1406 = tpu.vector_load %arg14[%get3A_1404, %get3A_1405] {strides = array<i32>} : memref<256x16xf32, #tpu.memory_space<vmem>>, vector<16xf32>,
        %mul3A_1407 = arith.mulf %broadcast_in_dim3A_1330, %get3A_1406 : vector<16xf32>
        %add3A_1408 = arith.addf %add3A_1255, %mul3A_1407 : vector<16xf32>
        %get3A_1409 = arith.constant 138 : i32
        %get3A_1410 = arith.index_cast %get3A_1409 : i32 to index
        %get3A_1411 = arith.constant 0 : index
        %get3A_1412 = tpu.vector_load %arg14[%get3A_1410, %get3A_1411] {strides = array<i32>} : memref<256x16xf32, #tpu.memory_space<vmem>>, vector<16xf32>,
        %mul3A_1413 = arith.mulf %broadcast_in_dim3A_1330, %get3A_1412 : vector<16xf32>
        %add3A_1414 = arith.addf %add3A_1261, %mul3A_1413 : vector<16xf32>
        %get3A_1415 = arith.constant 139 : i32
        %get3A_1416 = arith.index_cast %get3A_1415 : i32 to index
        %get3A_1417 = arith.constant 0 : index
        %get3A_1418 = tpu.vector_load %arg14[%get3A_1416, %get3A_1417] {strides = array<i32>} : memref<256x16xf32, #tpu.memory_space<vmem>>, vector<16xf32>,
        %mul3A_1419 = arith.mulf %broadcast_in_dim3A_1330, %get3A_1418 : vector<16xf32>
        %add3A_1420 = arith.addf %add3A_1267, %mul3A_1419 : vector<16xf32>
        %get3A_1421 = arith.constant 140 : i32
        %get3A_1422 = arith.index_cast %get3A_1421 : i32 to index
        %get3A_1423 = arith.constant 0 : index
        %get3A_1424 = tpu.vector_load %arg14[%get3A_1422, %get3A_1423] {strides = array<i32>} : memref<256x16xf32, #tpu.memory_space<vmem>>, vector<16xf32>,
        %mul3A_1425 = arith.mulf %broadcast_in_dim3A_1330, %get3A_1424 : vector<16xf32>
        %add3A_1426 = arith.addf %add3A_1273, %mul3A_1425 : vector<16xf32>
        %get3A_1427 = arith.constant 141 : i32
        %get3A_1428 = arith.index_cast %get3A_1427 : i32 to index
        %get3A_1429 = arith.constant 0 : index
        %get3A_1430 = tpu.vector_load %arg14[%get3A_1428, %get3A_1429] {strides = array<i32>} : memref<256x16xf32, #tpu.memory_space<vmem>>, vector<16xf32>,
        %mul3A_1431 = arith.mulf %broadcast_in_dim3A_1330, %get3A_1430 : vector<16xf32>
        %add3A_1432 = arith.addf %add3A_1279, %mul3A_1431 : vector<16xf32>
        %get3A_1433 = arith.constant 142 : i32
        %get3A_1434 = arith.index_cast %get3A_1433 : i32 to index
        %get3A_1435 = arith.constant 0 : index
        %get3A_1436 = tpu.vector_load %arg14[%get3A_1434, %get3A_1435] {strides = array<i32>} : memref<256x16xf32, #tpu.memory_space<vmem>>, vector<16xf32>,
        %mul3A_1437 = arith.mulf %broadcast_in_dim3A_1330, %get3A_1436 : vector<16xf32>
        %add3A_1438 = arith.addf %add3A_1285, %mul3A_1437 : vector<16xf32>
        %get3A_1439 = arith.constant 143 : i32
        %get3A_1440 = arith.index_cast %get3A_1439 : i32 to index
        %get3A_1441 = arith.constant 0 : index
        %get3A_1442 = tpu.vector_load %arg14[%get3A_1440, %get3A_1441] {strides = array<i32>} : memref<256x16xf32, #tpu.memory_space<vmem>>, vector<16xf32>,
        %mul3A_1443 = arith.mulf %broadcast_in_dim3A_1330, %get3A_1442 : vector<16xf32>
        %add3A_1444 = arith.addf %add3A_1291, %mul3A_1443 : vector<16xf32>
        %get3A_1445 = arith.constant 144 : i32
        %get3A_1446 = arith.index_cast %get3A_1445 : i32 to index
        %get3A_1447 = arith.constant 0 : index
        %get3A_1448 = tpu.vector_load %arg14[%get3A_1446, %get3A_1447] {strides = array<i32>} : memref<256x16xf32, #tpu.memory_space<vmem>>, vector<16xf32>,
        %mul3A_1449 = arith.mulf %broadcast_in_dim3A_1330, %get3A_1448 : vector<16xf32>
        %add3A_1450 = arith.addf %add3A_1297, %mul3A_1449 : vector<16xf32>
        %get3A_1451 = arith.constant 145 : i32
        %get3A_1452 = arith.index_cast %get3A_1451 : i32 to index
        %get3A_1453 = arith.constant 0 : index
        %get3A_1454 = tpu.vector_load %arg14[%get3A_1452, %get3A_1453] {strides = array<i32>} : memref<256x16xf32, #tpu.memory_space<vmem>>, vector<16xf32>,
        %mul3A_1455 = arith.mulf %broadcast_in_dim3A_1330, %get3A_1454 : vector<16xf32>
        %add3A_1456 = arith.addf %add3A_1303, %mul3A_1455 : vector<16xf32>
        %get3A_1457 = arith.constant 146 : i32
        %get3A_1458 = arith.index_cast %get3A_1457 : i32 to index
        %get3A_1459 = arith.constant 0 : index
        %get3A_1460 = tpu.vector_load %arg14[%get3A_1458, %get3A_1459] {strides = array<i32>} : memref<256x16xf32, #tpu.memory_space<vmem>>, vector<16xf32>,
        %mul3A_1461 = arith.mulf %broadcast_in_dim3A_1330, %get3A_1460 : vector<16xf32>
        %add3A_1462 = arith.addf %add3A_1309, %mul3A_1461 : vector<16xf32>
        %get3A_1463 = arith.constant 147 : i32
        %get3A_1464 = arith.index_cast %get3A_1463 : i32 to index
        %get3A_1465 = arith.constant 0 : index
        %get3A_1466 = tpu.vector_load %arg14[%get3A_1464, %get3A_1465] {strides = array<i32>} : memref<256x16xf32, #tpu.memory_space<vmem>>, vector<16xf32>,
        %mul3A_1467 = arith.mulf %broadcast_in_dim3A_1330, %get3A_1466 : vector<16xf32>
        %add3A_1468 = arith.addf %add3A_1315, %mul3A_1467 : vector<16xf32>
        %get3A_1469 = arith.constant 148 : i32
        %get3A_1470 = arith.index_cast %get3A_1469 : i32 to index
        %get3A_1471 = arith.constant 0 : index
        %get3A_1472 = tpu.vector_load %arg14[%get3A_1470, %get3A_1471] {strides = array<i32>} : memref<256x16xf32, #tpu.memory_space<vmem>>, vector<16xf32>,
        %mul3A_1473 = arith.mulf %broadcast_in_dim3A_1330, %get3A_1472 : vector<16xf32>
        %add3A_1474 = arith.addf %add3A_1321, %mul3A_1473 : vector<16xf32>
        %get3A_1475 = arith.constant 149 : i32
        %get3A_1476 = arith.index_cast %get3A_1475 : i32 to index
        %get3A_1477 = arith.constant 0 : index
        %get3A_1478 = tpu.vector_load %arg14[%get3A_1476, %get3A_1477] {strides = array<i32>} : memref<256x16xf32, #tpu.memory_space<vmem>>, vector<16xf32>,
        %mul3A_1479 = arith.mulf %broadcast_in_dim3A_1330, %get3A_1478 : vector<16xf32>
        %add3A_1480 = arith.addf %add3A_1327, %mul3A_1479 : vector<16xf32>
        %slice3A_1481 = vector.extract_strided_slice %get3A_564 {offsets = [6], sizes = [1], strides = [1]} : vector<16xf32> to vector<1xf32>
        %squeeze3A_1482 = vector.extract %slice3A_1481[0] : f32 from vector<1xf32>
        %broadcast_in_dim3A_1483 = vector.broadcast %squeeze3A_1482 : f32 to vector<16xf32>
        %get3A_1484 = arith.constant 150 : i32
        %get3A_1485 = arith.index_cast %get3A_1484 : i32 to index
        %get3A_1486 = arith.constant 0 : index
        %get3A_1487 = tpu.vector_load %arg14[%get3A_1485, %get3A_1486] {strides = array<i32>} : memref<256x16xf32, #tpu.memory_space<vmem>>, vector<16xf32>,
        %mul3A_1488 = arith.mulf %broadcast_in_dim3A_1483, %get3A_1487 : vector<16xf32>
        %add3A_1489 = arith.addf %add3A_1336, %mul3A_1488 : vector<16xf32>
        %get3A_1490 = arith.constant 151 : i32
        %get3A_1491 = arith.index_cast %get3A_1490 : i32 to index
        %get3A_1492 = arith.constant 0 : index
        %get3A_1493 = tpu.vector_load %arg14[%get3A_1491, %get3A_1492] {strides = array<i32>} : memref<256x16xf32, #tpu.memory_space<vmem>>, vector<16xf32>,
        %mul3A_1494 = arith.mulf %broadcast_in_dim3A_1483, %get3A_1493 : vector<16xf32>
        %add3A_1495 = arith.addf %add3A_1342, %mul3A_1494 : vector<16xf32>
        %get3A_1496 = arith.constant 152 : i32
        %get3A_1497 = arith.index_cast %get3A_1496 : i32 to index
        %get3A_1498 = arith.constant 0 : index
        %get3A_1499 = tpu.vector_load %arg14[%get3A_1497, %get3A_1498] {strides = array<i32>} : memref<256x16xf32, #tpu.memory_space<vmem>>, vector<16xf32>,
        %mul3A_1500 = arith.mulf %broadcast_in_dim3A_1483, %get3A_1499 : vector<16xf32>
        %add3A_1501 = arith.addf %add3A_1348, %mul3A_1500 : vector<16xf32>
        %get3A_1502 = arith.constant 153 : i32
        %get3A_1503 = arith.index_cast %get3A_1502 : i32 to index
        %get3A_1504 = arith.constant 0 : index
        %get3A_1505 = tpu.vector_load %arg14[%get3A_1503, %get3A_1504] {strides = array<i32>} : memref<256x16xf32, #tpu.memory_space<vmem>>, vector<16xf32>,
        %mul3A_1506 = arith.mulf %broadcast_in_dim3A_1483, %get3A_1505 : vector<16xf32>
        %add3A_1507 = arith.addf %add3A_1354, %mul3A_1506 : vector<16xf32>
        %get3A_1508 = arith.constant 154 : i32
        %get3A_1509 = arith.index_cast %get3A_1508 : i32 to index
        %get3A_1510 = arith.constant 0 : index
        %get3A_1511 = tpu.vector_load %arg14[%get3A_1509, %get3A_1510] {strides = array<i32>} : memref<256x16xf32, #tpu.memory_space<vmem>>, vector<16xf32>,
        %mul3A_1512 = arith.mulf %broadcast_in_dim3A_1483, %get3A_1511 : vector<16xf32>
        %add3A_1513 = arith.addf %add3A_1360, %mul3A_1512 : vector<16xf32>
        %get3A_1514 = arith.constant 155 : i32
        %get3A_1515 = arith.index_cast %get3A_1514 : i32 to index
        %get3A_1516 = arith.constant 0 : index
        %get3A_1517 = tpu.vector_load %arg14[%get3A_1515, %get3A_1516] {strides = array<i32>} : memref<256x16xf32, #tpu.memory_space<vmem>>, vector<16xf32>,
        %mul3A_1518 = arith.mulf %broadcast_in_dim3A_1483, %get3A_1517 : vector<16xf32>
        %add3A_1519 = arith.addf %add3A_1366, %mul3A_1518 : vector<16xf32>
        %get3A_1520 = arith.constant 156 : i32
        %get3A_1521 = arith.index_cast %get3A_1520 : i32 to index
        %get3A_1522 = arith.constant 0 : index
        %get3A_1523 = tpu.vector_load %arg14[%get3A_1521, %get3A_1522] {strides = array<i32>} : memref<256x16xf32, #tpu.memory_space<vmem>>, vector<16xf32>,
        %mul3A_1524 = arith.mulf %broadcast_in_dim3A_1483, %get3A_1523 : vector<16xf32>
        %add3A_1525 = arith.addf %add3A_1372, %mul3A_1524 : vector<16xf32>
        %get3A_1526 = arith.constant 157 : i32
        %get3A_1527 = arith.index_cast %get3A_1526 : i32 to index
        %get3A_1528 = arith.constant 0 : index
        %get3A_1529 = tpu.vector_load %arg14[%get3A_1527, %get3A_1528] {strides = array<i32>} : memref<256x16xf32, #tpu.memory_space<vmem>>, vector<16xf32>,
        %mul3A_1530 = arith.mulf %broadcast_in_dim3A_1483, %get3A_1529 : vector<16xf32>
        %add3A_1531 = arith.addf %add3A_1378, %mul3A_1530 : vector<16xf32>
        %get3A_1532 = arith.constant 158 : i32
        %get3A_1533 = arith.index_cast %get3A_1532 : i32 to index
        %get3A_1534 = arith.constant 0 : index
        %get3A_1535 = tpu.vector_load %arg14[%get3A_1533, %get3A_1534] {strides = array<i32>} : memref<256x16xf32, #tpu.memory_space<vmem>>, vector<16xf32>,
        %mul3A_1536 = arith.mulf %broadcast_in_dim3A_1483, %get3A_1535 : vector<16xf32>
        %add3A_1537 = arith.addf %add3A_1384, %mul3A_1536 : vector<16xf32>
        %get3A_1538 = arith.constant 159 : i32
        %get3A_1539 = arith.index_cast %get3A_1538 : i32 to index
        %get3A_1540 = arith.constant 0 : index
        %get3A_1541 = tpu.vector_load %arg14[%get3A_1539, %get3A_1540] {strides = array<i32>} : memref<256x16xf32, #tpu.memory_space<vmem>>, vector<16xf32>,
        %mul3A_1542 = arith.mulf %broadcast_in_dim3A_1483, %get3A_1541 : vector<16xf32>
        %add3A_1543 = arith.addf %add3A_1390, %mul3A_1542 : vector<16xf32>
        %get3A_1544 = arith.constant 160 : i32
        %get3A_1545 = arith.index_cast %get3A_1544 : i32 to index
        %get3A_1546 = arith.constant 0 : index
        %get3A_1547 = tpu.vector_load %arg14[%get3A_1545, %get3A_1546] {strides = array<i32>} : memref<256x16xf32, #tpu.memory_space<vmem>>, vector<16xf32>,
        %mul3A_1548 = arith.mulf %broadcast_in_dim3A_1483, %get3A_1547 : vector<16xf32>
        %add3A_1549 = arith.addf %add3A_1396, %mul3A_1548 : vector<16xf32>
        %get3A_1550 = arith.constant 161 : i32
        %get3A_1551 = arith.index_cast %get3A_1550 : i32 to index
        %get3A_1552 = arith.constant 0 : index
        %get3A_1553 = tpu.vector_load %arg14[%get3A_1551, %get3A_1552] {strides = array<i32>} : memref<256x16xf32, #tpu.memory_space<vmem>>, vector<16xf32>,
        %mul3A_1554 = arith.mulf %broadcast_in_dim3A_1483, %get3A_1553 : vector<16xf32>
        %add3A_1555 = arith.addf %add3A_1402, %mul3A_1554 : vector<16xf32>
        %get3A_1556 = arith.constant 162 : i32
        %get3A_1557 = arith.index_cast %get3A_1556 : i32 to index
        %get3A_1558 = arith.constant 0 : index
        %get3A_1559 = tpu.vector_load %arg14[%get3A_1557, %get3A_1558] {strides = array<i32>} : memref<256x16xf32, #tpu.memory_space<vmem>>, vector<16xf32>,
        %mul3A_1560 = arith.mulf %broadcast_in_dim3A_1483, %get3A_1559 : vector<16xf32>
        %add3A_1561 = arith.addf %add3A_1408, %mul3A_1560 : vector<16xf32>
        %get3A_1562 = arith.constant 163 : i32
        %get3A_1563 = arith.index_cast %get3A_1562 : i32 to index
        %get3A_1564 = arith.constant 0 : index
        %get3A_1565 = tpu.vector_load %arg14[%get3A_1563, %get3A_1564] {strides = array<i32>} : memref<256x16xf32, #tpu.memory_space<vmem>>, vector<16xf32>,
        %mul3A_1566 = arith.mulf %broadcast_in_dim3A_1483, %get3A_1565 : vector<16xf32>
        %add3A_1567 = arith.addf %add3A_1414, %mul3A_1566 : vector<16xf32>
        %get3A_1568 = arith.constant 164 : i32
        %get3A_1569 = arith.index_cast %get3A_1568 : i32 to index
        %get3A_1570 = arith.constant 0 : index
        %get3A_1571 = tpu.vector_load %arg14[%get3A_1569, %get3A_1570] {strides = array<i32>} : memref<256x16xf32, #tpu.memory_space<vmem>>, vector<16xf32>,
        %mul3A_1572 = arith.mulf %broadcast_in_dim3A_1483, %get3A_1571 : vector<16xf32>
        %add3A_1573 = arith.addf %add3A_1420, %mul3A_1572 : vector<16xf32>
        %get3A_1574 = arith.constant 165 : i32
        %get3A_1575 = arith.index_cast %get3A_1574 : i32 to index
        %get3A_1576 = arith.constant 0 : index
        %get3A_1577 = tpu.vector_load %arg14[%get3A_1575, %get3A_1576] {strides = array<i32>} : memref<256x16xf32, #tpu.memory_space<vmem>>, vector<16xf32>,
        %mul3A_1578 = arith.mulf %broadcast_in_dim3A_1483, %get3A_1577 : vector<16xf32>
        %add3A_1579 = arith.addf %add3A_1426, %mul3A_1578 : vector<16xf32>
        %get3A_1580 = arith.constant 166 : i32
        %get3A_1581 = arith.index_cast %get3A_1580 : i32 to index
        %get3A_1582 = arith.constant 0 : index
        %get3A_1583 = tpu.vector_load %arg14[%get3A_1581, %get3A_1582] {strides = array<i32>} : memref<256x16xf32, #tpu.memory_space<vmem>>, vector<16xf32>,
        %mul3A_1584 = arith.mulf %broadcast_in_dim3A_1483, %get3A_1583 : vector<16xf32>
        %add3A_1585 = arith.addf %add3A_1432, %mul3A_1584 : vector<16xf32>
        %get3A_1586 = arith.constant 167 : i32
        %get3A_1587 = arith.index_cast %get3A_1586 : i32 to index
        %get3A_1588 = arith.constant 0 : index
        %get3A_1589 = tpu.vector_load %arg14[%get3A_1587, %get3A_1588] {strides = array<i32>} : memref<256x16xf32, #tpu.memory_space<vmem>>, vector<16xf32>,
        %mul3A_1590 = arith.mulf %broadcast_in_dim3A_1483, %get3A_1589 : vector<16xf32>
        %add3A_1591 = arith.addf %add3A_1438, %mul3A_1590 : vector<16xf32>
        %get3A_1592 = arith.constant 168 : i32
        %get3A_1593 = arith.index_cast %get3A_1592 : i32 to index
        %get3A_1594 = arith.constant 0 : index
        %get3A_1595 = tpu.vector_load %arg14[%get3A_1593, %get3A_1594] {strides = array<i32>} : memref<256x16xf32, #tpu.memory_space<vmem>>, vector<16xf32>,
        %mul3A_1596 = arith.mulf %broadcast_in_dim3A_1483, %get3A_1595 : vector<16xf32>
        %add3A_1597 = arith.addf %add3A_1444, %mul3A_1596 : vector<16xf32>
        %get3A_1598 = arith.constant 169 : i32
        %get3A_1599 = arith.index_cast %get3A_1598 : i32 to index
        %get3A_1600 = arith.constant 0 : index
        %get3A_1601 = tpu.vector_load %arg14[%get3A_1599, %get3A_1600] {strides = array<i32>} : memref<256x16xf32, #tpu.memory_space<vmem>>, vector<16xf32>,
        %mul3A_1602 = arith.mulf %broadcast_in_dim3A_1483, %get3A_1601 : vector<16xf32>
        %add3A_1603 = arith.addf %add3A_1450, %mul3A_1602 : vector<16xf32>
        %get3A_1604 = arith.constant 170 : i32
        %get3A_1605 = arith.index_cast %get3A_1604 : i32 to index
        %get3A_1606 = arith.constant 0 : index
        %get3A_1607 = tpu.vector_load %arg14[%get3A_1605, %get3A_1606] {strides = array<i32>} : memref<256x16xf32, #tpu.memory_space<vmem>>, vector<16xf32>,
        %mul3A_1608 = arith.mulf %broadcast_in_dim3A_1483, %get3A_1607 : vector<16xf32>
        %add3A_1609 = arith.addf %add3A_1456, %mul3A_1608 : vector<16xf32>
        %get3A_1610 = arith.constant 171 : i32
        %get3A_1611 = arith.index_cast %get3A_1610 : i32 to index
        %get3A_1612 = arith.constant 0 : index
        %get3A_1613 = tpu.vector_load %arg14[%get3A_1611, %get3A_1612] {strides = array<i32>} : memref<256x16xf32, #tpu.memory_space<vmem>>, vector<16xf32>,
        %mul3A_1614 = arith.mulf %broadcast_in_dim3A_1483, %get3A_1613 : vector<16xf32>
        %add3A_1615 = arith.addf %add3A_1462, %mul3A_1614 : vector<16xf32>
        %get3A_1616 = arith.constant 172 : i32
        %get3A_1617 = arith.index_cast %get3A_1616 : i32 to index
        %get3A_1618 = arith.constant 0 : index
        %get3A_1619 = tpu.vector_load %arg14[%get3A_1617, %get3A_1618] {strides = array<i32>} : memref<256x16xf32, #tpu.memory_space<vmem>>, vector<16xf32>,
        %mul3A_1620 = arith.mulf %broadcast_in_dim3A_1483, %get3A_1619 : vector<16xf32>
        %add3A_1621 = arith.addf %add3A_1468, %mul3A_1620 : vector<16xf32>
        %get3A_1622 = arith.constant 173 : i32
        %get3A_1623 = arith.index_cast %get3A_1622 : i32 to index
        %get3A_1624 = arith.constant 0 : index
        %get3A_1625 = tpu.vector_load %arg14[%get3A_1623, %get3A_1624] {strides = array<i32>} : memref<256x16xf32, #tpu.memory_space<vmem>>, vector<16xf32>,
        %mul3A_1626 = arith.mulf %broadcast_in_dim3A_1483, %get3A_1625 : vector<16xf32>
        %add3A_1627 = arith.addf %add3A_1474, %mul3A_1626 : vector<16xf32>
        %get3A_1628 = arith.constant 174 : i32
        %get3A_1629 = arith.index_cast %get3A_1628 : i32 to index
        %get3A_1630 = arith.constant 0 : index
        %get3A_1631 = tpu.vector_load %arg14[%get3A_1629, %get3A_1630] {strides = array<i32>} : memref<256x16xf32, #tpu.memory_space<vmem>>, vector<16xf32>,
        %mul3A_1632 = arith.mulf %broadcast_in_dim3A_1483, %get3A_1631 : vector<16xf32>
        %add3A_1633 = arith.addf %add3A_1480, %mul3A_1632 : vector<16xf32>
        %slice3A_1634 = vector.extract_strided_slice %get3A_564 {offsets = [7], sizes = [1], strides = [1]} : vector<16xf32> to vector<1xf32>
        %squeeze3A_1635 = vector.extract %slice3A_1634[0] : f32 from vector<1xf32>
        %broadcast_in_dim3A_1636 = vector.broadcast %squeeze3A_1635 : f32 to vector<16xf32>
        %get3A_1637 = arith.constant 175 : i32
        %get3A_1638 = arith.index_cast %get3A_1637 : i32 to index
        %get3A_1639 = arith.constant 0 : index
        %get3A_1640 = tpu.vector_load %arg14[%get3A_1638, %get3A_1639] {strides = array<i32>} : memref<256x16xf32, #tpu.memory_space<vmem>>, vector<16xf32>,
        %mul3A_1641 = arith.mulf %broadcast_in_dim3A_1636, %get3A_1640 : vector<16xf32>
        %add3A_1642 = arith.addf %add3A_1489, %mul3A_1641 : vector<16xf32>
        %get3A_1643 = arith.constant 176 : i32
        %get3A_1644 = arith.index_cast %get3A_1643 : i32 to index
        %get3A_1645 = arith.constant 0 : index
        %get3A_1646 = tpu.vector_load %arg14[%get3A_1644, %get3A_1645] {strides = array<i32>} : memref<256x16xf32, #tpu.memory_space<vmem>>, vector<16xf32>,
        %mul3A_1647 = arith.mulf %broadcast_in_dim3A_1636, %get3A_1646 : vector<16xf32>
        %add3A_1648 = arith.addf %add3A_1495, %mul3A_1647 : vector<16xf32>
        %get3A_1649 = arith.constant 177 : i32
        %get3A_1650 = arith.index_cast %get3A_1649 : i32 to index
        %get3A_1651 = arith.constant 0 : index
        %get3A_1652 = tpu.vector_load %arg14[%get3A_1650, %get3A_1651] {strides = array<i32>} : memref<256x16xf32, #tpu.memory_space<vmem>>, vector<16xf32>,
        %mul3A_1653 = arith.mulf %broadcast_in_dim3A_1636, %get3A_1652 : vector<16xf32>
        %add3A_1654 = arith.addf %add3A_1501, %mul3A_1653 : vector<16xf32>
        %get3A_1655 = arith.constant 178 : i32
        %get3A_1656 = arith.index_cast %get3A_1655 : i32 to index
        %get3A_1657 = arith.constant 0 : index
        %get3A_1658 = tpu.vector_load %arg14[%get3A_1656, %get3A_1657] {strides = array<i32>} : memref<256x16xf32, #tpu.memory_space<vmem>>, vector<16xf32>,
        %mul3A_1659 = arith.mulf %broadcast_in_dim3A_1636, %get3A_1658 : vector<16xf32>
        %add3A_1660 = arith.addf %add3A_1507, %mul3A_1659 : vector<16xf32>
        %get3A_1661 = arith.constant 179 : i32
        %get3A_1662 = arith.index_cast %get3A_1661 : i32 to index
        %get3A_1663 = arith.constant 0 : index
        %get3A_1664 = tpu.vector_load %arg14[%get3A_1662, %get3A_1663] {strides = array<i32>} : memref<256x16xf32, #tpu.memory_space<vmem>>, vector<16xf32>,
        %mul3A_1665 = arith.mulf %broadcast_in_dim3A_1636, %get3A_1664 : vector<16xf32>
        %add3A_1666 = arith.addf %add3A_1513, %mul3A_1665 : vector<16xf32>
        %get3A_1667 = arith.constant 180 : i32
        %get3A_1668 = arith.index_cast %get3A_1667 : i32 to index
        %get3A_1669 = arith.constant 0 : index
        %get3A_1670 = tpu.vector_load %arg14[%get3A_1668, %get3A_1669] {strides = array<i32>} : memref<256x16xf32, #tpu.memory_space<vmem>>, vector<16xf32>,
        %mul3A_1671 = arith.mulf %broadcast_in_dim3A_1636, %get3A_1670 : vector<16xf32>
        %add3A_1672 = arith.addf %add3A_1519, %mul3A_1671 : vector<16xf32>
        %get3A_1673 = arith.constant 181 : i32
        %get3A_1674 = arith.index_cast %get3A_1673 : i32 to index
        %get3A_1675 = arith.constant 0 : index
        %get3A_1676 = tpu.vector_load %arg14[%get3A_1674, %get3A_1675] {strides = array<i32>} : memref<256x16xf32, #tpu.memory_space<vmem>>, vector<16xf32>,
        %mul3A_1677 = arith.mulf %broadcast_in_dim3A_1636, %get3A_1676 : vector<16xf32>
        %add3A_1678 = arith.addf %add3A_1525, %mul3A_1677 : vector<16xf32>
        %get3A_1679 = arith.constant 182 : i32
        %get3A_1680 = arith.index_cast %get3A_1679 : i32 to index
        %get3A_1681 = arith.constant 0 : index
        %get3A_1682 = tpu.vector_load %arg14[%get3A_1680, %get3A_1681] {strides = array<i32>} : memref<256x16xf32, #tpu.memory_space<vmem>>, vector<16xf32>,
        %mul3A_1683 = arith.mulf %broadcast_in_dim3A_1636, %get3A_1682 : vector<16xf32>
        %add3A_1684 = arith.addf %add3A_1531, %mul3A_1683 : vector<16xf32>
        %get3A_1685 = arith.constant 183 : i32
        %get3A_1686 = arith.index_cast %get3A_1685 : i32 to index
        %get3A_1687 = arith.constant 0 : index
        %get3A_1688 = tpu.vector_load %arg14[%get3A_1686, %get3A_1687] {strides = array<i32>} : memref<256x16xf32, #tpu.memory_space<vmem>>, vector<16xf32>,
        %mul3A_1689 = arith.mulf %broadcast_in_dim3A_1636, %get3A_1688 : vector<16xf32>
        %add3A_1690 = arith.addf %add3A_1537, %mul3A_1689 : vector<16xf32>
        %get3A_1691 = arith.constant 184 : i32
        %get3A_1692 = arith.index_cast %get3A_1691 : i32 to index
        %get3A_1693 = arith.constant 0 : index
        %get3A_1694 = tpu.vector_load %arg14[%get3A_1692, %get3A_1693] {strides = array<i32>} : memref<256x16xf32, #tpu.memory_space<vmem>>, vector<16xf32>,
        %mul3A_1695 = arith.mulf %broadcast_in_dim3A_1636, %get3A_1694 : vector<16xf32>
        %add3A_1696 = arith.addf %add3A_1543, %mul3A_1695 : vector<16xf32>
        %get3A_1697 = arith.constant 185 : i32
        %get3A_1698 = arith.index_cast %get3A_1697 : i32 to index
        %get3A_1699 = arith.constant 0 : index
        %get3A_1700 = tpu.vector_load %arg14[%get3A_1698, %get3A_1699] {strides = array<i32>} : memref<256x16xf32, #tpu.memory_space<vmem>>, vector<16xf32>,
        %mul3A_1701 = arith.mulf %broadcast_in_dim3A_1636, %get3A_1700 : vector<16xf32>
        %add3A_1702 = arith.addf %add3A_1549, %mul3A_1701 : vector<16xf32>
        %get3A_1703 = arith.constant 186 : i32
        %get3A_1704 = arith.index_cast %get3A_1703 : i32 to index
        %get3A_1705 = arith.constant 0 : index
        %get3A_1706 = tpu.vector_load %arg14[%get3A_1704, %get3A_1705] {strides = array<i32>} : memref<256x16xf32, #tpu.memory_space<vmem>>, vector<16xf32>,
        %mul3A_1707 = arith.mulf %broadcast_in_dim3A_1636, %get3A_1706 : vector<16xf32>
        %add3A_1708 = arith.addf %add3A_1555, %mul3A_1707 : vector<16xf32>
        %get3A_1709 = arith.constant 187 : i32
        %get3A_1710 = arith.index_cast %get3A_1709 : i32 to index
        %get3A_1711 = arith.constant 0 : index
        %get3A_1712 = tpu.vector_load %arg14[%get3A_1710, %get3A_1711] {strides = array<i32>} : memref<256x16xf32, #tpu.memory_space<vmem>>, vector<16xf32>,
        %mul3A_1713 = arith.mulf %broadcast_in_dim3A_1636, %get3A_1712 : vector<16xf32>
        %add3A_1714 = arith.addf %add3A_1561, %mul3A_1713 : vector<16xf32>
        %get3A_1715 = arith.constant 188 : i32
        %get3A_1716 = arith.index_cast %get3A_1715 : i32 to index
        %get3A_1717 = arith.constant 0 : index
        %get3A_1718 = tpu.vector_load %arg14[%get3A_1716, %get3A_1717] {strides = array<i32>} : memref<256x16xf32, #tpu.memory_space<vmem>>, vector<16xf32>,
        %mul3A_1719 = arith.mulf %broadcast_in_dim3A_1636, %get3A_1718 : vector<16xf32>
        %add3A_1720 = arith.addf %add3A_1567, %mul3A_1719 : vector<16xf32>
        %get3A_1721 = arith.constant 189 : i32
        %get3A_1722 = arith.index_cast %get3A_1721 : i32 to index
        %get3A_1723 = arith.constant 0 : index
        %get3A_1724 = tpu.vector_load %arg14[%get3A_1722, %get3A_1723] {strides = array<i32>} : memref<256x16xf32, #tpu.memory_space<vmem>>, vector<16xf32>,
        %mul3A_1725 = arith.mulf %broadcast_in_dim3A_1636, %get3A_1724 : vector<16xf32>
        %add3A_1726 = arith.addf %add3A_1573, %mul3A_1725 : vector<16xf32>
        %get3A_1727 = arith.constant 190 : i32
        %get3A_1728 = arith.index_cast %get3A_1727 : i32 to index
        %get3A_1729 = arith.constant 0 : index
        %get3A_1730 = tpu.vector_load %arg14[%get3A_1728, %get3A_1729] {strides = array<i32>} : memref<256x16xf32, #tpu.memory_space<vmem>>, vector<16xf32>,
        %mul3A_1731 = arith.mulf %broadcast_in_dim3A_1636, %get3A_1730 : vector<16xf32>
        %add3A_1732 = arith.addf %add3A_1579, %mul3A_1731 : vector<16xf32>
        %get3A_1733 = arith.constant 191 : i32
        %get3A_1734 = arith.index_cast %get3A_1733 : i32 to index
        %get3A_1735 = arith.constant 0 : index
        %get3A_1736 = tpu.vector_load %arg14[%get3A_1734, %get3A_1735] {strides = array<i32>} : memref<256x16xf32, #tpu.memory_space<vmem>>, vector<16xf32>,
        %mul3A_1737 = arith.mulf %broadcast_in_dim3A_1636, %get3A_1736 : vector<16xf32>
        %add3A_1738 = arith.addf %add3A_1585, %mul3A_1737 : vector<16xf32>
        %get3A_1739 = arith.constant 192 : i32
        %get3A_1740 = arith.index_cast %get3A_1739 : i32 to index
        %get3A_1741 = arith.constant 0 : index
        %get3A_1742 = tpu.vector_load %arg14[%get3A_1740, %get3A_1741] {strides = array<i32>} : memref<256x16xf32, #tpu.memory_space<vmem>>, vector<16xf32>,
        %mul3A_1743 = arith.mulf %broadcast_in_dim3A_1636, %get3A_1742 : vector<16xf32>
        %add3A_1744 = arith.addf %add3A_1591, %mul3A_1743 : vector<16xf32>
        %get3A_1745 = arith.constant 193 : i32
        %get3A_1746 = arith.index_cast %get3A_1745 : i32 to index
        %get3A_1747 = arith.constant 0 : index
        %get3A_1748 = tpu.vector_load %arg14[%get3A_1746, %get3A_1747] {strides = array<i32>} : memref<256x16xf32, #tpu.memory_space<vmem>>, vector<16xf32>,
        %mul3A_1749 = arith.mulf %broadcast_in_dim3A_1636, %get3A_1748 : vector<16xf32>
        %add3A_1750 = arith.addf %add3A_1597, %mul3A_1749 : vector<16xf32>
        %get3A_1751 = arith.constant 194 : i32
        %get3A_1752 = arith.index_cast %get3A_1751 : i32 to index
        %get3A_1753 = arith.constant 0 : index
        %get3A_1754 = tpu.vector_load %arg14[%get3A_1752, %get3A_1753] {strides = array<i32>} : memref<256x16xf32, #tpu.memory_space<vmem>>, vector<16xf32>,
        %mul3A_1755 = arith.mulf %broadcast_in_dim3A_1636, %get3A_1754 : vector<16xf32>
        %add3A_1756 = arith.addf %add3A_1603, %mul3A_1755 : vector<16xf32>
        %get3A_1757 = arith.constant 195 : i32
        %get3A_1758 = arith.index_cast %get3A_1757 : i32 to index
        %get3A_1759 = arith.constant 0 : index
        %get3A_1760 = tpu.vector_load %arg14[%get3A_1758, %get3A_1759] {strides = array<i32>} : memref<256x16xf32, #tpu.memory_space<vmem>>, vector<16xf32>,
        %mul3A_1761 = arith.mulf %broadcast_in_dim3A_1636, %get3A_1760 : vector<16xf32>
        %add3A_1762 = arith.addf %add3A_1609, %mul3A_1761 : vector<16xf32>
        %get3A_1763 = arith.constant 196 : i32
        %get3A_1764 = arith.index_cast %get3A_1763 : i32 to index
        %get3A_1765 = arith.constant 0 : index
        %get3A_1766 = tpu.vector_load %arg14[%get3A_1764, %get3A_1765] {strides = array<i32>} : memref<256x16xf32, #tpu.memory_space<vmem>>, vector<16xf32>,
        %mul3A_1767 = arith.mulf %broadcast_in_dim3A_1636, %get3A_1766 : vector<16xf32>
        %add3A_1768 = arith.addf %add3A_1615, %mul3A_1767 : vector<16xf32>
        %get3A_1769 = arith.constant 197 : i32
        %get3A_1770 = arith.index_cast %get3A_1769 : i32 to index
        %get3A_1771 = arith.constant 0 : index
        %get3A_1772 = tpu.vector_load %arg14[%get3A_1770, %get3A_1771] {strides = array<i32>} : memref<256x16xf32, #tpu.memory_space<vmem>>, vector<16xf32>,
        %mul3A_1773 = arith.mulf %broadcast_in_dim3A_1636, %get3A_1772 : vector<16xf32>
        %add3A_1774 = arith.addf %add3A_1621, %mul3A_1773 : vector<16xf32>
        %get3A_1775 = arith.constant 198 : i32
        %get3A_1776 = arith.index_cast %get3A_1775 : i32 to index
        %get3A_1777 = arith.constant 0 : index
        %get3A_1778 = tpu.vector_load %arg14[%get3A_1776, %get3A_1777] {strides = array<i32>} : memref<256x16xf32, #tpu.memory_space<vmem>>, vector<16xf32>,
        %mul3A_1779 = arith.mulf %broadcast_in_dim3A_1636, %get3A_1778 : vector<16xf32>
        %add3A_1780 = arith.addf %add3A_1627, %mul3A_1779 : vector<16xf32>
        %get3A_1781 = arith.constant 199 : i32
        %get3A_1782 = arith.index_cast %get3A_1781 : i32 to index
        %get3A_1783 = arith.constant 0 : index
        %get3A_1784 = tpu.vector_load %arg14[%get3A_1782, %get3A_1783] {strides = array<i32>} : memref<256x16xf32, #tpu.memory_space<vmem>>, vector<16xf32>,
        %mul3A_1785 = arith.mulf %broadcast_in_dim3A_1636, %get3A_1784 : vector<16xf32>
        %add3A_1786 = arith.addf %add3A_1633, %mul3A_1785 : vector<16xf32>
        %slice3A_1787 = vector.extract_strided_slice %get3A_564 {offsets = [8], sizes = [1], strides = [1]} : vector<16xf32> to vector<1xf32>
        %squeeze3A_1788 = vector.extract %slice3A_1787[0] : f32 from vector<1xf32>
        %broadcast_in_dim3A_1789 = vector.broadcast %squeeze3A_1788 : f32 to vector<16xf32>
        %get3A_1790 = arith.constant 200 : i32
        %get3A_1791 = arith.index_cast %get3A_1790 : i32 to index
        %get3A_1792 = arith.constant 0 : index
        %get3A_1793 = tpu.vector_load %arg14[%get3A_1791, %get3A_1792] {strides = array<i32>} : memref<256x16xf32, #tpu.memory_space<vmem>>, vector<16xf32>,
        %mul3A_1794 = arith.mulf %broadcast_in_dim3A_1789, %get3A_1793 : vector<16xf32>
        %add3A_1795 = arith.addf %add3A_1642, %mul3A_1794 : vector<16xf32>
        %get3A_1796 = arith.constant 201 : i32
        %get3A_1797 = arith.index_cast %get3A_1796 : i32 to index
        %get3A_1798 = arith.constant 0 : index
        %get3A_1799 = tpu.vector_load %arg14[%get3A_1797, %get3A_1798] {strides = array<i32>} : memref<256x16xf32, #tpu.memory_space<vmem>>, vector<16xf32>,
        %mul3A_1800 = arith.mulf %broadcast_in_dim3A_1789, %get3A_1799 : vector<16xf32>
        %add3A_1801 = arith.addf %add3A_1648, %mul3A_1800 : vector<16xf32>
        %get3A_1802 = arith.constant 202 : i32
        %get3A_1803 = arith.index_cast %get3A_1802 : i32 to index
        %get3A_1804 = arith.constant 0 : index
        %get3A_1805 = tpu.vector_load %arg14[%get3A_1803, %get3A_1804] {strides = array<i32>} : memref<256x16xf32, #tpu.memory_space<vmem>>, vector<16xf32>,
        %mul3A_1806 = arith.mulf %broadcast_in_dim3A_1789, %get3A_1805 : vector<16xf32>
        %add3A_1807 = arith.addf %add3A_1654, %mul3A_1806 : vector<16xf32>
        %get3A_1808 = arith.constant 203 : i32
        %get3A_1809 = arith.index_cast %get3A_1808 : i32 to index
        %get3A_1810 = arith.constant 0 : index
        %get3A_1811 = tpu.vector_load %arg14[%get3A_1809, %get3A_1810] {strides = array<i32>} : memref<256x16xf32, #tpu.memory_space<vmem>>, vector<16xf32>,
        %mul3A_1812 = arith.mulf %broadcast_in_dim3A_1789, %get3A_1811 : vector<16xf32>
        %add3A_1813 = arith.addf %add3A_1660, %mul3A_1812 : vector<16xf32>
        %get3A_1814 = arith.constant 204 : i32
        %get3A_1815 = arith.index_cast %get3A_1814 : i32 to index
        %get3A_1816 = arith.constant 0 : index
        %get3A_1817 = tpu.vector_load %arg14[%get3A_1815, %get3A_1816] {strides = array<i32>} : memref<256x16xf32, #tpu.memory_space<vmem>>, vector<16xf32>,
        %mul3A_1818 = arith.mulf %broadcast_in_dim3A_1789, %get3A_1817 : vector<16xf32>
        %add3A_1819 = arith.addf %add3A_1666, %mul3A_1818 : vector<16xf32>
        %get3A_1820 = arith.constant 205 : i32
        %get3A_1821 = arith.index_cast %get3A_1820 : i32 to index
        %get3A_1822 = arith.constant 0 : index
        %get3A_1823 = tpu.vector_load %arg14[%get3A_1821, %get3A_1822] {strides = array<i32>} : memref<256x16xf32, #tpu.memory_space<vmem>>, vector<16xf32>,
        %mul3A_1824 = arith.mulf %broadcast_in_dim3A_1789, %get3A_1823 : vector<16xf32>
        %add3A_1825 = arith.addf %add3A_1672, %mul3A_1824 : vector<16xf32>
        %get3A_1826 = arith.constant 206 : i32
        %get3A_1827 = arith.index_cast %get3A_1826 : i32 to index
        %get3A_1828 = arith.constant 0 : index
        %get3A_1829 = tpu.vector_load %arg14[%get3A_1827, %get3A_1828] {strides = array<i32>} : memref<256x16xf32, #tpu.memory_space<vmem>>, vector<16xf32>,
        %mul3A_1830 = arith.mulf %broadcast_in_dim3A_1789, %get3A_1829 : vector<16xf32>
        %add3A_1831 = arith.addf %add3A_1678, %mul3A_1830 : vector<16xf32>
        %get3A_1832 = arith.constant 207 : i32
        %get3A_1833 = arith.index_cast %get3A_1832 : i32 to index
        %get3A_1834 = arith.constant 0 : index
        %get3A_1835 = tpu.vector_load %arg14[%get3A_1833, %get3A_1834] {strides = array<i32>} : memref<256x16xf32, #tpu.memory_space<vmem>>, vector<16xf32>,
        %mul3A_1836 = arith.mulf %broadcast_in_dim3A_1789, %get3A_1835 : vector<16xf32>
        %add3A_1837 = arith.addf %add3A_1684, %mul3A_1836 : vector<16xf32>
        %get3A_1838 = arith.constant 208 : i32
        %get3A_1839 = arith.index_cast %get3A_1838 : i32 to index
        %get3A_1840 = arith.constant 0 : index
        %get3A_1841 = tpu.vector_load %arg14[%get3A_1839, %get3A_1840] {strides = array<i32>} : memref<256x16xf32, #tpu.memory_space<vmem>>, vector<16xf32>,
        %mul3A_1842 = arith.mulf %broadcast_in_dim3A_1789, %get3A_1841 : vector<16xf32>
        %add3A_1843 = arith.addf %add3A_1690, %mul3A_1842 : vector<16xf32>
        %get3A_1844 = arith.constant 209 : i32
        %get3A_1845 = arith.index_cast %get3A_1844 : i32 to index
        %get3A_1846 = arith.constant 0 : index
        %get3A_1847 = tpu.vector_load %arg14[%get3A_1845, %get3A_1846] {strides = array<i32>} : memref<256x16xf32, #tpu.memory_space<vmem>>, vector<16xf32>,
        %mul3A_1848 = arith.mulf %broadcast_in_dim3A_1789, %get3A_1847 : vector<16xf32>
        %add3A_1849 = arith.addf %add3A_1696, %mul3A_1848 : vector<16xf32>
        %get3A_1850 = arith.constant 210 : i32
        %get3A_1851 = arith.index_cast %get3A_1850 : i32 to index
        %get3A_1852 = arith.constant 0 : index
        %get3A_1853 = tpu.vector_load %arg14[%get3A_1851, %get3A_1852] {strides = array<i32>} : memref<256x16xf32, #tpu.memory_space<vmem>>, vector<16xf32>,
        %mul3A_1854 = arith.mulf %broadcast_in_dim3A_1789, %get3A_1853 : vector<16xf32>
        %add3A_1855 = arith.addf %add3A_1702, %mul3A_1854 : vector<16xf32>
        %get3A_1856 = arith.constant 211 : i32
        %get3A_1857 = arith.index_cast %get3A_1856 : i32 to index
        %get3A_1858 = arith.constant 0 : index
        %get3A_1859 = tpu.vector_load %arg14[%get3A_1857, %get3A_1858] {strides = array<i32>} : memref<256x16xf32, #tpu.memory_space<vmem>>, vector<16xf32>,
        %mul3A_1860 = arith.mulf %broadcast_in_dim3A_1789, %get3A_1859 : vector<16xf32>
        %add3A_1861 = arith.addf %add3A_1708, %mul3A_1860 : vector<16xf32>
        %get3A_1862 = arith.constant 212 : i32
        %get3A_1863 = arith.index_cast %get3A_1862 : i32 to index
        %get3A_1864 = arith.constant 0 : index
        %get3A_1865 = tpu.vector_load %arg14[%get3A_1863, %get3A_1864] {strides = array<i32>} : memref<256x16xf32, #tpu.memory_space<vmem>>, vector<16xf32>,
        %mul3A_1866 = arith.mulf %broadcast_in_dim3A_1789, %get3A_1865 : vector<16xf32>
        %add3A_1867 = arith.addf %add3A_1714, %mul3A_1866 : vector<16xf32>
        %get3A_1868 = arith.constant 213 : i32
        %get3A_1869 = arith.index_cast %get3A_1868 : i32 to index
        %get3A_1870 = arith.constant 0 : index
        %get3A_1871 = tpu.vector_load %arg14[%get3A_1869, %get3A_1870] {strides = array<i32>} : memref<256x16xf32, #tpu.memory_space<vmem>>, vector<16xf32>,
        %mul3A_1872 = arith.mulf %broadcast_in_dim3A_1789, %get3A_1871 : vector<16xf32>
        %add3A_1873 = arith.addf %add3A_1720, %mul3A_1872 : vector<16xf32>
        %get3A_1874 = arith.constant 214 : i32
        %get3A_1875 = arith.index_cast %get3A_1874 : i32 to index
        %get3A_1876 = arith.constant 0 : index
        %get3A_1877 = tpu.vector_load %arg14[%get3A_1875, %get3A_1876] {strides = array<i32>} : memref<256x16xf32, #tpu.memory_space<vmem>>, vector<16xf32>,
        %mul3A_1878 = arith.mulf %broadcast_in_dim3A_1789, %get3A_1877 : vector<16xf32>
        %add3A_1879 = arith.addf %add3A_1726, %mul3A_1878 : vector<16xf32>
        %get3A_1880 = arith.constant 215 : i32
        %get3A_1881 = arith.index_cast %get3A_1880 : i32 to index
        %get3A_1882 = arith.constant 0 : index
        %get3A_1883 = tpu.vector_load %arg14[%get3A_1881, %get3A_1882] {strides = array<i32>} : memref<256x16xf32, #tpu.memory_space<vmem>>, vector<16xf32>,
        %mul3A_1884 = arith.mulf %broadcast_in_dim3A_1789, %get3A_1883 : vector<16xf32>
        %add3A_1885 = arith.addf %add3A_1732, %mul3A_1884 : vector<16xf32>
        %get3A_1886 = arith.constant 216 : i32
        %get3A_1887 = arith.index_cast %get3A_1886 : i32 to index
        %get3A_1888 = arith.constant 0 : index
        %get3A_1889 = tpu.vector_load %arg14[%get3A_1887, %get3A_1888] {strides = array<i32>} : memref<256x16xf32, #tpu.memory_space<vmem>>, vector<16xf32>,
        %mul3A_1890 = arith.mulf %broadcast_in_dim3A_1789, %get3A_1889 : vector<16xf32>
        %add3A_1891 = arith.addf %add3A_1738, %mul3A_1890 : vector<16xf32>
        %get3A_1892 = arith.constant 217 : i32
        %get3A_1893 = arith.index_cast %get3A_1892 : i32 to index
        %get3A_1894 = arith.constant 0 : index
        %get3A_1895 = tpu.vector_load %arg14[%get3A_1893, %get3A_1894] {strides = array<i32>} : memref<256x16xf32, #tpu.memory_space<vmem>>, vector<16xf32>,
        %mul3A_1896 = arith.mulf %broadcast_in_dim3A_1789, %get3A_1895 : vector<16xf32>
        %add3A_1897 = arith.addf %add3A_1744, %mul3A_1896 : vector<16xf32>
        %get3A_1898 = arith.constant 218 : i32
        %get3A_1899 = arith.index_cast %get3A_1898 : i32 to index
        %get3A_1900 = arith.constant 0 : index
        %get3A_1901 = tpu.vector_load %arg14[%get3A_1899, %get3A_1900] {strides = array<i32>} : memref<256x16xf32, #tpu.memory_space<vmem>>, vector<16xf32>,
        %mul3A_1902 = arith.mulf %broadcast_in_dim3A_1789, %get3A_1901 : vector<16xf32>
        %add3A_1903 = arith.addf %add3A_1750, %mul3A_1902 : vector<16xf32>
        %get3A_1904 = arith.constant 219 : i32
        %get3A_1905 = arith.index_cast %get3A_1904 : i32 to index
        %get3A_1906 = arith.constant 0 : index
        %get3A_1907 = tpu.vector_load %arg14[%get3A_1905, %get3A_1906] {strides = array<i32>} : memref<256x16xf32, #tpu.memory_space<vmem>>, vector<16xf32>,
        %mul3A_1908 = arith.mulf %broadcast_in_dim3A_1789, %get3A_1907 : vector<16xf32>
        %add3A_1909 = arith.addf %add3A_1756, %mul3A_1908 : vector<16xf32>
        %get3A_1910 = arith.constant 220 : i32
        %get3A_1911 = arith.index_cast %get3A_1910 : i32 to index
        %get3A_1912 = arith.constant 0 : index
        %get3A_1913 = tpu.vector_load %arg14[%get3A_1911, %get3A_1912] {strides = array<i32>} : memref<256x16xf32, #tpu.memory_space<vmem>>, vector<16xf32>,
        %mul3A_1914 = arith.mulf %broadcast_in_dim3A_1789, %get3A_1913 : vector<16xf32>
        %add3A_1915 = arith.addf %add3A_1762, %mul3A_1914 : vector<16xf32>
        %get3A_1916 = arith.constant 221 : i32
        %get3A_1917 = arith.index_cast %get3A_1916 : i32 to index
        %get3A_1918 = arith.constant 0 : index
        %get3A_1919 = tpu.vector_load %arg14[%get3A_1917, %get3A_1918] {strides = array<i32>} : memref<256x16xf32, #tpu.memory_space<vmem>>, vector<16xf32>,
        %mul3A_1920 = arith.mulf %broadcast_in_dim3A_1789, %get3A_1919 : vector<16xf32>
        %add3A_1921 = arith.addf %add3A_1768, %mul3A_1920 : vector<16xf32>
        %get3A_1922 = arith.constant 222 : i32
        %get3A_1923 = arith.index_cast %get3A_1922 : i32 to index
        %get3A_1924 = arith.constant 0 : index
        %get3A_1925 = tpu.vector_load %arg14[%get3A_1923, %get3A_1924] {strides = array<i32>} : memref<256x16xf32, #tpu.memory_space<vmem>>, vector<16xf32>,
        %mul3A_1926 = arith.mulf %broadcast_in_dim3A_1789, %get3A_1925 : vector<16xf32>
        %add3A_1927 = arith.addf %add3A_1774, %mul3A_1926 : vector<16xf32>
        %get3A_1928 = arith.constant 223 : i32
        %get3A_1929 = arith.index_cast %get3A_1928 : i32 to index
        %get3A_1930 = arith.constant 0 : index
        %get3A_1931 = tpu.vector_load %arg14[%get3A_1929, %get3A_1930] {strides = array<i32>} : memref<256x16xf32, #tpu.memory_space<vmem>>, vector<16xf32>,
        %mul3A_1932 = arith.mulf %broadcast_in_dim3A_1789, %get3A_1931 : vector<16xf32>
        %add3A_1933 = arith.addf %add3A_1780, %mul3A_1932 : vector<16xf32>
        %get3A_1934 = arith.constant 224 : i32
        %get3A_1935 = arith.index_cast %get3A_1934 : i32 to index
        %get3A_1936 = arith.constant 0 : index
        %get3A_1937 = tpu.vector_load %arg14[%get3A_1935, %get3A_1936] {strides = array<i32>} : memref<256x16xf32, #tpu.memory_space<vmem>>, vector<16xf32>,
        %mul3A_1938 = arith.mulf %broadcast_in_dim3A_1789, %get3A_1937 : vector<16xf32>
        %add3A_1939 = arith.addf %add3A_1786, %mul3A_1938 : vector<16xf32>
        %slice3A_1940 = vector.extract_strided_slice %get3A_564 {offsets = [9], sizes = [1], strides = [1]} : vector<16xf32> to vector<1xf32>
        %squeeze3A_1941 = vector.extract %slice3A_1940[0] : f32 from vector<1xf32>
        %broadcast_in_dim3A_1942 = vector.broadcast %squeeze3A_1941 : f32 to vector<16xf32>
        %get3A_1943 = arith.constant 225 : i32
        %get3A_1944 = arith.index_cast %get3A_1943 : i32 to index
        %get3A_1945 = arith.constant 0 : index
        %get3A_1946 = tpu.vector_load %arg14[%get3A_1944, %get3A_1945] {strides = array<i32>} : memref<256x16xf32, #tpu.memory_space<vmem>>, vector<16xf32>,
        %mul3A_1947 = arith.mulf %broadcast_in_dim3A_1942, %get3A_1946 : vector<16xf32>
        %add3A_1948 = arith.addf %add3A_1795, %mul3A_1947 : vector<16xf32>
        %get3A_1949 = arith.constant 226 : i32
        %get3A_1950 = arith.index_cast %get3A_1949 : i32 to index
        %get3A_1951 = arith.constant 0 : index
        %get3A_1952 = tpu.vector_load %arg14[%get3A_1950, %get3A_1951] {strides = array<i32>} : memref<256x16xf32, #tpu.memory_space<vmem>>, vector<16xf32>,
        %mul3A_1953 = arith.mulf %broadcast_in_dim3A_1942, %get3A_1952 : vector<16xf32>
        %add3A_1954 = arith.addf %add3A_1801, %mul3A_1953 : vector<16xf32>
        %get3A_1955 = arith.constant 227 : i32
        %get3A_1956 = arith.index_cast %get3A_1955 : i32 to index
        %get3A_1957 = arith.constant 0 : index
        %get3A_1958 = tpu.vector_load %arg14[%get3A_1956, %get3A_1957] {strides = array<i32>} : memref<256x16xf32, #tpu.memory_space<vmem>>, vector<16xf32>,
        %mul3A_1959 = arith.mulf %broadcast_in_dim3A_1942, %get3A_1958 : vector<16xf32>
        %add3A_1960 = arith.addf %add3A_1807, %mul3A_1959 : vector<16xf32>
        %get3A_1961 = arith.constant 228 : i32
        %get3A_1962 = arith.index_cast %get3A_1961 : i32 to index
        %get3A_1963 = arith.constant 0 : index
        %get3A_1964 = tpu.vector_load %arg14[%get3A_1962, %get3A_1963] {strides = array<i32>} : memref<256x16xf32, #tpu.memory_space<vmem>>, vector<16xf32>,
        %mul3A_1965 = arith.mulf %broadcast_in_dim3A_1942, %get3A_1964 : vector<16xf32>
        %add3A_1966 = arith.addf %add3A_1813, %mul3A_1965 : vector<16xf32>
        %get3A_1967 = arith.constant 229 : i32
        %get3A_1968 = arith.index_cast %get3A_1967 : i32 to index
        %get3A_1969 = arith.constant 0 : index
        %get3A_1970 = tpu.vector_load %arg14[%get3A_1968, %get3A_1969] {strides = array<i32>} : memref<256x16xf32, #tpu.memory_space<vmem>>, vector<16xf32>,
        %mul3A_1971 = arith.mulf %broadcast_in_dim3A_1942, %get3A_1970 : vector<16xf32>
        %add3A_1972 = arith.addf %add3A_1819, %mul3A_1971 : vector<16xf32>
        %get3A_1973 = arith.constant 230 : i32
        %get3A_1974 = arith.index_cast %get3A_1973 : i32 to index
        %get3A_1975 = arith.constant 0 : index
        %get3A_1976 = tpu.vector_load %arg14[%get3A_1974, %get3A_1975] {strides = array<i32>} : memref<256x16xf32, #tpu.memory_space<vmem>>, vector<16xf32>,
        %mul3A_1977 = arith.mulf %broadcast_in_dim3A_1942, %get3A_1976 : vector<16xf32>
        %add3A_1978 = arith.addf %add3A_1825, %mul3A_1977 : vector<16xf32>
        %get3A_1979 = arith.constant 231 : i32
        %get3A_1980 = arith.index_cast %get3A_1979 : i32 to index
        %get3A_1981 = arith.constant 0 : index
        %get3A_1982 = tpu.vector_load %arg14[%get3A_1980, %get3A_1981] {strides = array<i32>} : memref<256x16xf32, #tpu.memory_space<vmem>>, vector<16xf32>,
        %mul3A_1983 = arith.mulf %broadcast_in_dim3A_1942, %get3A_1982 : vector<16xf32>
        %add3A_1984 = arith.addf %add3A_1831, %mul3A_1983 : vector<16xf32>
        %get3A_1985 = arith.constant 232 : i32
        %get3A_1986 = arith.index_cast %get3A_1985 : i32 to index
        %get3A_1987 = arith.constant 0 : index
        %get3A_1988 = tpu.vector_load %arg14[%get3A_1986, %get3A_1987] {strides = array<i32>} : memref<256x16xf32, #tpu.memory_space<vmem>>, vector<16xf32>,
        %mul3A_1989 = arith.mulf %broadcast_in_dim3A_1942, %get3A_1988 : vector<16xf32>
        %add3A_1990 = arith.addf %add3A_1837, %mul3A_1989 : vector<16xf32>
        %get3A_1991 = arith.constant 233 : i32
        %get3A_1992 = arith.index_cast %get3A_1991 : i32 to index
        %get3A_1993 = arith.constant 0 : index
        %get3A_1994 = tpu.vector_load %arg14[%get3A_1992, %get3A_1993] {strides = array<i32>} : memref<256x16xf32, #tpu.memory_space<vmem>>, vector<16xf32>,
        %mul3A_1995 = arith.mulf %broadcast_in_dim3A_1942, %get3A_1994 : vector<16xf32>
        %add3A_1996 = arith.addf %add3A_1843, %mul3A_1995 : vector<16xf32>
        %get3A_1997 = arith.constant 234 : i32
        %get3A_1998 = arith.index_cast %get3A_1997 : i32 to index
        %get3A_1999 = arith.constant 0 : index
        %get3A_2000 = tpu.vector_load %arg14[%get3A_1998, %get3A_1999] {strides = array<i32>} : memref<256x16xf32, #tpu.memory_space<vmem>>, vector<16xf32>,
        %mul3A_2001 = arith.mulf %broadcast_in_dim3A_1942, %get3A_2000 : vector<16xf32>
        %add3A_2002 = arith.addf %add3A_1849, %mul3A_2001 : vector<16xf32>
        %get3A_2003 = arith.constant 235 : i32
        %get3A_2004 = arith.index_cast %get3A_2003 : i32 to index
        %get3A_2005 = arith.constant 0 : index
        %get3A_2006 = tpu.vector_load %arg14[%get3A_2004, %get3A_2005] {strides = array<i32>} : memref<256x16xf32, #tpu.memory_space<vmem>>, vector<16xf32>,
        %mul3A_2007 = arith.mulf %broadcast_in_dim3A_1942, %get3A_2006 : vector<16xf32>
        %add3A_2008 = arith.addf %add3A_1855, %mul3A_2007 : vector<16xf32>
        %get3A_2009 = arith.constant 236 : i32
        %get3A_2010 = arith.index_cast %get3A_2009 : i32 to index
        %get3A_2011 = arith.constant 0 : index
        %get3A_2012 = tpu.vector_load %arg14[%get3A_2010, %get3A_2011] {strides = array<i32>} : memref<256x16xf32, #tpu.memory_space<vmem>>, vector<16xf32>,
        %mul3A_2013 = arith.mulf %broadcast_in_dim3A_1942, %get3A_2012 : vector<16xf32>
        %add3A_2014 = arith.addf %add3A_1861, %mul3A_2013 : vector<16xf32>
        %get3A_2015 = arith.constant 237 : i32
        %get3A_2016 = arith.index_cast %get3A_2015 : i32 to index
        %get3A_2017 = arith.constant 0 : index
        %get3A_2018 = tpu.vector_load %arg14[%get3A_2016, %get3A_2017] {strides = array<i32>} : memref<256x16xf32, #tpu.memory_space<vmem>>, vector<16xf32>,
        %mul3A_2019 = arith.mulf %broadcast_in_dim3A_1942, %get3A_2018 : vector<16xf32>
        %add3A_2020 = arith.addf %add3A_1867, %mul3A_2019 : vector<16xf32>
        %get3A_2021 = arith.constant 238 : i32
        %get3A_2022 = arith.index_cast %get3A_2021 : i32 to index
        %get3A_2023 = arith.constant 0 : index
        %get3A_2024 = tpu.vector_load %arg14[%get3A_2022, %get3A_2023] {strides = array<i32>} : memref<256x16xf32, #tpu.memory_space<vmem>>, vector<16xf32>,
        %mul3A_2025 = arith.mulf %broadcast_in_dim3A_1942, %get3A_2024 : vector<16xf32>
        %add3A_2026 = arith.addf %add3A_1873, %mul3A_2025 : vector<16xf32>
        %get3A_2027 = arith.constant 239 : i32
        %get3A_2028 = arith.index_cast %get3A_2027 : i32 to index
        %get3A_2029 = arith.constant 0 : index
        %get3A_2030 = tpu.vector_load %arg14[%get3A_2028, %get3A_2029] {strides = array<i32>} : memref<256x16xf32, #tpu.memory_space<vmem>>, vector<16xf32>,
        %mul3A_2031 = arith.mulf %broadcast_in_dim3A_1942, %get3A_2030 : vector<16xf32>
        %add3A_2032 = arith.addf %add3A_1879, %mul3A_2031 : vector<16xf32>
        %get3A_2033 = arith.constant 240 : i32
        %get3A_2034 = arith.index_cast %get3A_2033 : i32 to index
        %get3A_2035 = arith.constant 0 : index
        %get3A_2036 = tpu.vector_load %arg14[%get3A_2034, %get3A_2035] {strides = array<i32>} : memref<256x16xf32, #tpu.memory_space<vmem>>, vector<16xf32>,
        %mul3A_2037 = arith.mulf %broadcast_in_dim3A_1942, %get3A_2036 : vector<16xf32>
        %add3A_2038 = arith.addf %add3A_1885, %mul3A_2037 : vector<16xf32>
        %get3A_2039 = arith.constant 241 : i32
        %get3A_2040 = arith.index_cast %get3A_2039 : i32 to index
        %get3A_2041 = arith.constant 0 : index
        %get3A_2042 = tpu.vector_load %arg14[%get3A_2040, %get3A_2041] {strides = array<i32>} : memref<256x16xf32, #tpu.memory_space<vmem>>, vector<16xf32>,
        %mul3A_2043 = arith.mulf %broadcast_in_dim3A_1942, %get3A_2042 : vector<16xf32>
        %add3A_2044 = arith.addf %add3A_1891, %mul3A_2043 : vector<16xf32>
        %get3A_2045 = arith.constant 242 : i32
        %get3A_2046 = arith.index_cast %get3A_2045 : i32 to index
        %get3A_2047 = arith.constant 0 : index
        %get3A_2048 = tpu.vector_load %arg14[%get3A_2046, %get3A_2047] {strides = array<i32>} : memref<256x16xf32, #tpu.memory_space<vmem>>, vector<16xf32>,
        %mul3A_2049 = arith.mulf %broadcast_in_dim3A_1942, %get3A_2048 : vector<16xf32>
        %add3A_2050 = arith.addf %add3A_1897, %mul3A_2049 : vector<16xf32>
        %get3A_2051 = arith.constant 243 : i32
        %get3A_2052 = arith.index_cast %get3A_2051 : i32 to index
        %get3A_2053 = arith.constant 0 : index
        %get3A_2054 = tpu.vector_load %arg14[%get3A_2052, %get3A_2053] {strides = array<i32>} : memref<256x16xf32, #tpu.memory_space<vmem>>, vector<16xf32>,
        %mul3A_2055 = arith.mulf %broadcast_in_dim3A_1942, %get3A_2054 : vector<16xf32>
        %add3A_2056 = arith.addf %add3A_1903, %mul3A_2055 : vector<16xf32>
        %get3A_2057 = arith.constant 244 : i32
        %get3A_2058 = arith.index_cast %get3A_2057 : i32 to index
        %get3A_2059 = arith.constant 0 : index
        %get3A_2060 = tpu.vector_load %arg14[%get3A_2058, %get3A_2059] {strides = array<i32>} : memref<256x16xf32, #tpu.memory_space<vmem>>, vector<16xf32>,
        %mul3A_2061 = arith.mulf %broadcast_in_dim3A_1942, %get3A_2060 : vector<16xf32>
        %add3A_2062 = arith.addf %add3A_1909, %mul3A_2061 : vector<16xf32>
        %get3A_2063 = arith.constant 245 : i32
        %get3A_2064 = arith.index_cast %get3A_2063 : i32 to index
        %get3A_2065 = arith.constant 0 : index
        %get3A_2066 = tpu.vector_load %arg14[%get3A_2064, %get3A_2065] {strides = array<i32>} : memref<256x16xf32, #tpu.memory_space<vmem>>, vector<16xf32>,
        %mul3A_2067 = arith.mulf %broadcast_in_dim3A_1942, %get3A_2066 : vector<16xf32>
        %add3A_2068 = arith.addf %add3A_1915, %mul3A_2067 : vector<16xf32>
        %get3A_2069 = arith.constant 246 : i32
        %get3A_2070 = arith.index_cast %get3A_2069 : i32 to index
        %get3A_2071 = arith.constant 0 : index
        %get3A_2072 = tpu.vector_load %arg14[%get3A_2070, %get3A_2071] {strides = array<i32>} : memref<256x16xf32, #tpu.memory_space<vmem>>, vector<16xf32>,
        %mul3A_2073 = arith.mulf %broadcast_in_dim3A_1942, %get3A_2072 : vector<16xf32>
        %add3A_2074 = arith.addf %add3A_1921, %mul3A_2073 : vector<16xf32>
        %get3A_2075 = arith.constant 247 : i32
        %get3A_2076 = arith.index_cast %get3A_2075 : i32 to index
        %get3A_2077 = arith.constant 0 : index
        %get3A_2078 = tpu.vector_load %arg14[%get3A_2076, %get3A_2077] {strides = array<i32>} : memref<256x16xf32, #tpu.memory_space<vmem>>, vector<16xf32>,
        %mul3A_2079 = arith.mulf %broadcast_in_dim3A_1942, %get3A_2078 : vector<16xf32>
        %add3A_2080 = arith.addf %add3A_1927, %mul3A_2079 : vector<16xf32>
        %get3A_2081 = arith.constant 248 : i32
        %get3A_2082 = arith.index_cast %get3A_2081 : i32 to index
        %get3A_2083 = arith.constant 0 : index
        %get3A_2084 = tpu.vector_load %arg14[%get3A_2082, %get3A_2083] {strides = array<i32>} : memref<256x16xf32, #tpu.memory_space<vmem>>, vector<16xf32>,
        %mul3A_2085 = arith.mulf %broadcast_in_dim3A_1942, %get3A_2084 : vector<16xf32>
        %add3A_2086 = arith.addf %add3A_1933, %mul3A_2085 : vector<16xf32>
        %get3A_2087 = arith.constant 249 : i32
        %get3A_2088 = arith.index_cast %get3A_2087 : i32 to index
        %get3A_2089 = arith.constant 0 : index
        %get3A_2090 = tpu.vector_load %arg14[%get3A_2088, %get3A_2089] {strides = array<i32>} : memref<256x16xf32, #tpu.memory_space<vmem>>, vector<16xf32>,
        %mul3A_2091 = arith.mulf %broadcast_in_dim3A_1942, %get3A_2090 : vector<16xf32>
        %add3A_2092 = arith.addf %add3A_1939, %mul3A_2091 : vector<16xf32>
        %mul3A_2093 = arith.constant 16 : i32
        %mul3A_2094 = arith.muli %scan3A_21, %mul3A_2093 : i32
        %swap3A_2095 = arith.constant 0 : i32
        %swap3A_2096 = arith.index_cast %swap3A_2095 : i32 to index
        %swap3A_2097 = arith.index_cast %mul3A_2094 : i32 to index
        %swap3A_2098 = tpu.vector_load %arg15[%swap3A_2096, %swap3A_2097] {strides = array<i32>} : memref<25x128xf32, #tpu.memory_space<vmem>>, vector<16xf32>,
        tpu.vector_store %arg15[%swap3A_2096, %swap3A_2097], %add3A_1948 {strides = array<i32>} : memref<25x128xf32, #tpu.memory_space<vmem>>, vector<16xf32>,
        %mul3A_2099 = arith.constant 16 : i32
        %mul3A_2100 = arith.muli %scan3A_21, %mul3A_2099 : i32
        %swap3A_2101 = arith.constant 1 : i32
        %swap3A_2102 = arith.index_cast %swap3A_2101 : i32 to index
        %swap3A_2103 = arith.index_cast %mul3A_2100 : i32 to index
        %swap3A_2104 = tpu.vector_load %arg15[%swap3A_2102, %swap3A_2103] {strides = array<i32>} : memref<25x128xf32, #tpu.memory_space<vmem>>, vector<16xf32>,
        tpu.vector_store %arg15[%swap3A_2102, %swap3A_2103], %add3A_1954 {strides = array<i32>} : memref<25x128xf32, #tpu.memory_space<vmem>>, vector<16xf32>,
        %mul3A_2105 = arith.constant 16 : i32
        %mul3A_2106 = arith.muli %scan3A_21, %mul3A_2105 : i32
        %swap3A_2107 = arith.constant 2 : i32
        %swap3A_2108 = arith.index_cast %swap3A_2107 : i32 to index
        %swap3A_2109 = arith.index_cast %mul3A_2106 : i32 to index
        %swap3A_2110 = tpu.vector_load %arg15[%swap3A_2108, %swap3A_2109] {strides = array<i32>} : memref<25x128xf32, #tpu.memory_space<vmem>>, vector<16xf32>,
        tpu.vector_store %arg15[%swap3A_2108, %swap3A_2109], %add3A_1960 {strides = array<i32>} : memref<25x128xf32, #tpu.memory_space<vmem>>, vector<16xf32>,
        %mul3A_2111 = arith.constant 16 : i32
        %mul3A_2112 = arith.muli %scan3A_21, %mul3A_2111 : i32
        %swap3A_2113 = arith.constant 3 : i32
        %swap3A_2114 = arith.index_cast %swap3A_2113 : i32 to index
        %swap3A_2115 = arith.index_cast %mul3A_2112 : i32 to index
        %swap3A_2116 = tpu.vector_load %arg15[%swap3A_2114, %swap3A_2115] {strides = array<i32>} : memref<25x128xf32, #tpu.memory_space<vmem>>, vector<16xf32>,
        tpu.vector_store %arg15[%swap3A_2114, %swap3A_2115], %add3A_1966 {strides = array<i32>} : memref<25x128xf32, #tpu.memory_space<vmem>>, vector<16xf32>,
        %mul3A_2117 = arith.constant 16 : i32
        %mul3A_2118 = arith.muli %scan3A_21, %mul3A_2117 : i32
        %swap3A_2119 = arith.constant 4 : i32
        %swap3A_2120 = arith.index_cast %swap3A_2119 : i32 to index
        %swap3A_2121 = arith.index_cast %mul3A_2118 : i32 to index
        %swap3A_2122 = tpu.vector_load %arg15[%swap3A_2120, %swap3A_2121] {strides = array<i32>} : memref<25x128xf32, #tpu.memory_space<vmem>>, vector<16xf32>,
        tpu.vector_store %arg15[%swap3A_2120, %swap3A_2121], %add3A_1972 {strides = array<i32>} : memref<25x128xf32, #tpu.memory_space<vmem>>, vector<16xf32>,
        %mul3A_2123 = arith.constant 16 : i32
        %mul3A_2124 = arith.muli %scan3A_21, %mul3A_2123 : i32
        %swap3A_2125 = arith.constant 5 : i32
        %swap3A_2126 = arith.index_cast %swap3A_2125 : i32 to index
        %swap3A_2127 = arith.index_cast %mul3A_2124 : i32 to index
        %swap3A_2128 = tpu.vector_load %arg15[%swap3A_2126, %swap3A_2127] {strides = array<i32>} : memref<25x128xf32, #tpu.memory_space<vmem>>, vector<16xf32>,
        tpu.vector_store %arg15[%swap3A_2126, %swap3A_2127], %add3A_1978 {strides = array<i32>} : memref<25x128xf32, #tpu.memory_space<vmem>>, vector<16xf32>,
        %mul3A_2129 = arith.constant 16 : i32
        %mul3A_2130 = arith.muli %scan3A_21, %mul3A_2129 : i32
        %swap3A_2131 = arith.constant 6 : i32
        %swap3A_2132 = arith.index_cast %swap3A_2131 : i32 to index
        %swap3A_2133 = arith.index_cast %mul3A_2130 : i32 to index
        %swap3A_2134 = tpu.vector_load %arg15[%swap3A_2132, %swap3A_2133] {strides = array<i32>} : memref<25x128xf32, #tpu.memory_space<vmem>>, vector<16xf32>,
        tpu.vector_store %arg15[%swap3A_2132, %swap3A_2133], %add3A_1984 {strides = array<i32>} : memref<25x128xf32, #tpu.memory_space<vmem>>, vector<16xf32>,
        %mul3A_2135 = arith.constant 16 : i32
        %mul3A_2136 = arith.muli %scan3A_21, %mul3A_2135 : i32
        %swap3A_2137 = arith.constant 7 : i32
        %swap3A_2138 = arith.index_cast %swap3A_2137 : i32 to index
        %swap3A_2139 = arith.index_cast %mul3A_2136 : i32 to index
        %swap3A_2140 = tpu.vector_load %arg15[%swap3A_2138, %swap3A_2139] {strides = array<i32>} : memref<25x128xf32, #tpu.memory_space<vmem>>, vector<16xf32>,
        tpu.vector_store %arg15[%swap3A_2138, %swap3A_2139], %add3A_1990 {strides = array<i32>} : memref<25x128xf32, #tpu.memory_space<vmem>>, vector<16xf32>,
        %mul3A_2141 = arith.constant 16 : i32
        %mul3A_2142 = arith.muli %scan3A_21, %mul3A_2141 : i32
        %swap3A_2143 = arith.constant 8 : i32
        %swap3A_2144 = arith.index_cast %swap3A_2143 : i32 to index
        %swap3A_2145 = arith.index_cast %mul3A_2142 : i32 to index
        %swap3A_2146 = tpu.vector_load %arg15[%swap3A_2144, %swap3A_2145] {strides = array<i32>} : memref<25x128xf32, #tpu.memory_space<vmem>>, vector<16xf32>,
        tpu.vector_store %arg15[%swap3A_2144, %swap3A_2145], %add3A_1996 {strides = array<i32>} : memref<25x128xf32, #tpu.memory_space<vmem>>, vector<16xf32>,
        %mul3A_2147 = arith.constant 16 : i32
        %mul3A_2148 = arith.muli %scan3A_21, %mul3A_2147 : i32
        %swap3A_2149 = arith.constant 9 : i32
        %swap3A_2150 = arith.index_cast %swap3A_2149 : i32 to index
        %swap3A_2151 = arith.index_cast %mul3A_2148 : i32 to index
        %swap3A_2152 = tpu.vector_load %arg15[%swap3A_2150, %swap3A_2151] {strides = array<i32>} : memref<25x128xf32, #tpu.memory_space<vmem>>, vector<16xf32>,
        tpu.vector_store %arg15[%swap3A_2150, %swap3A_2151], %add3A_2002 {strides = array<i32>} : memref<25x128xf32, #tpu.memory_space<vmem>>, vector<16xf32>,
        %mul3A_2153 = arith.constant 16 : i32
        %mul3A_2154 = arith.muli %scan3A_21, %mul3A_2153 : i32
        %swap3A_2155 = arith.constant 10 : i32
        %swap3A_2156 = arith.index_cast %swap3A_2155 : i32 to index
        %swap3A_2157 = arith.index_cast %mul3A_2154 : i32 to index
        %swap3A_2158 = tpu.vector_load %arg15[%swap3A_2156, %swap3A_2157] {strides = array<i32>} : memref<25x128xf32, #tpu.memory_space<vmem>>, vector<16xf32>,
        tpu.vector_store %arg15[%swap3A_2156, %swap3A_2157], %add3A_2008 {strides = array<i32>} : memref<25x128xf32, #tpu.memory_space<vmem>>, vector<16xf32>,
        %mul3A_2159 = arith.constant 16 : i32
        %mul3A_2160 = arith.muli %scan3A_21, %mul3A_2159 : i32
        %swap3A_2161 = arith.constant 11 : i32
        %swap3A_2162 = arith.index_cast %swap3A_2161 : i32 to index
        %swap3A_2163 = arith.index_cast %mul3A_2160 : i32 to index
        %swap3A_2164 = tpu.vector_load %arg15[%swap3A_2162, %swap3A_2163] {strides = array<i32>} : memref<25x128xf32, #tpu.memory_space<vmem>>, vector<16xf32>,
        tpu.vector_store %arg15[%swap3A_2162, %swap3A_2163], %add3A_2014 {strides = array<i32>} : memref<25x128xf32, #tpu.memory_space<vmem>>, vector<16xf32>,
        %mul3A_2165 = arith.constant 16 : i32
        %mul3A_2166 = arith.muli %scan3A_21, %mul3A_2165 : i32
        %swap3A_2167 = arith.constant 12 : i32
        %swap3A_2168 = arith.index_cast %swap3A_2167 : i32 to index
        %swap3A_2169 = arith.index_cast %mul3A_2166 : i32 to index
        %swap3A_2170 = tpu.vector_load %arg15[%swap3A_2168, %swap3A_2169] {strides = array<i32>} : memref<25x128xf32, #tpu.memory_space<vmem>>, vector<16xf32>,
        tpu.vector_store %arg15[%swap3A_2168, %swap3A_2169], %add3A_2020 {strides = array<i32>} : memref<25x128xf32, #tpu.memory_space<vmem>>, vector<16xf32>,
        %mul3A_2171 = arith.constant 16 : i32
        %mul3A_2172 = arith.muli %scan3A_21, %mul3A_2171 : i32
        %swap3A_2173 = arith.constant 13 : i32
        %swap3A_2174 = arith.index_cast %swap3A_2173 : i32 to index
        %swap3A_2175 = arith.index_cast %mul3A_2172 : i32 to index
        %swap3A_2176 = tpu.vector_load %arg15[%swap3A_2174, %swap3A_2175] {strides = array<i32>} : memref<25x128xf32, #tpu.memory_space<vmem>>, vector<16xf32>,
        tpu.vector_store %arg15[%swap3A_2174, %swap3A_2175], %add3A_2026 {strides = array<i32>} : memref<25x128xf32, #tpu.memory_space<vmem>>, vector<16xf32>,
        %mul3A_2177 = arith.constant 16 : i32
        %mul3A_2178 = arith.muli %scan3A_21, %mul3A_2177 : i32
        %swap3A_2179 = arith.constant 14 : i32
        %swap3A_2180 = arith.index_cast %swap3A_2179 : i32 to index
        %swap3A_2181 = arith.index_cast %mul3A_2178 : i32 to index
        %swap3A_2182 = tpu.vector_load %arg15[%swap3A_2180, %swap3A_2181] {strides = array<i32>} : memref<25x128xf32, #tpu.memory_space<vmem>>, vector<16xf32>,
        tpu.vector_store %arg15[%swap3A_2180, %swap3A_2181], %add3A_2032 {strides = array<i32>} : memref<25x128xf32, #tpu.memory_space<vmem>>, vector<16xf32>,
        %mul3A_2183 = arith.constant 16 : i32
        %mul3A_2184 = arith.muli %scan3A_21, %mul3A_2183 : i32
        %swap3A_2185 = arith.constant 15 : i32
        %swap3A_2186 = arith.index_cast %swap3A_2185 : i32 to index
        %swap3A_2187 = arith.index_cast %mul3A_2184 : i32 to index
        %swap3A_2188 = tpu.vector_load %arg15[%swap3A_2186, %swap3A_2187] {strides = array<i32>} : memref<25x128xf32, #tpu.memory_space<vmem>>, vector<16xf32>,
        tpu.vector_store %arg15[%swap3A_2186, %swap3A_2187], %add3A_2038 {strides = array<i32>} : memref<25x128xf32, #tpu.memory_space<vmem>>, vector<16xf32>,
        %mul3A_2189 = arith.constant 16 : i32
        %mul3A_2190 = arith.muli %scan3A_21, %mul3A_2189 : i32
        %swap3A_2191 = arith.constant 16 : i32
        %swap3A_2192 = arith.index_cast %swap3A_2191 : i32 to index
        %swap3A_2193 = arith.index_cast %mul3A_2190 : i32 to index
        %swap3A_2194 = tpu.vector_load %arg15[%swap3A_2192, %swap3A_2193] {strides = array<i32>} : memref<25x128xf32, #tpu.memory_space<vmem>>, vector<16xf32>,
        tpu.vector_store %arg15[%swap3A_2192, %swap3A_2193], %add3A_2044 {strides = array<i32>} : memref<25x128xf32, #tpu.memory_space<vmem>>, vector<16xf32>,
        %mul3A_2195 = arith.constant 16 : i32
        %mul3A_2196 = arith.muli %scan3A_21, %mul3A_2195 : i32
        %swap3A_2197 = arith.constant 17 : i32
        %swap3A_2198 = arith.index_cast %swap3A_2197 : i32 to index
        %swap3A_2199 = arith.index_cast %mul3A_2196 : i32 to index
        %swap3A_2200 = tpu.vector_load %arg15[%swap3A_2198, %swap3A_2199] {strides = array<i32>} : memref<25x128xf32, #tpu.memory_space<vmem>>, vector<16xf32>,
        tpu.vector_store %arg15[%swap3A_2198, %swap3A_2199], %add3A_2050 {strides = array<i32>} : memref<25x128xf32, #tpu.memory_space<vmem>>, vector<16xf32>,
        %mul3A_2201 = arith.constant 16 : i32
        %mul3A_2202 = arith.muli %scan3A_21, %mul3A_2201 : i32
        %swap3A_2203 = arith.constant 18 : i32
        %swap3A_2204 = arith.index_cast %swap3A_2203 : i32 to index
        %swap3A_2205 = arith.index_cast %mul3A_2202 : i32 to index
        %swap3A_2206 = tpu.vector_load %arg15[%swap3A_2204, %swap3A_2205] {strides = array<i32>} : memref<25x128xf32, #tpu.memory_space<vmem>>, vector<16xf32>,
        tpu.vector_store %arg15[%swap3A_2204, %swap3A_2205], %add3A_2056 {strides = array<i32>} : memref<25x128xf32, #tpu.memory_space<vmem>>, vector<16xf32>,
        %mul3A_2207 = arith.constant 16 : i32
        %mul3A_2208 = arith.muli %scan3A_21, %mul3A_2207 : i32
        %swap3A_2209 = arith.constant 19 : i32
        %swap3A_2210 = arith.index_cast %swap3A_2209 : i32 to index
        %swap3A_2211 = arith.index_cast %mul3A_2208 : i32 to index
        %swap3A_2212 = tpu.vector_load %arg15[%swap3A_2210, %swap3A_2211] {strides = array<i32>} : memref<25x128xf32, #tpu.memory_space<vmem>>, vector<16xf32>,
        tpu.vector_store %arg15[%swap3A_2210, %swap3A_2211], %add3A_2062 {strides = array<i32>} : memref<25x128xf32, #tpu.memory_space<vmem>>, vector<16xf32>,
        %mul3A_2213 = arith.constant 16 : i32
        %mul3A_2214 = arith.muli %scan3A_21, %mul3A_2213 : i32
        %swap3A_2215 = arith.constant 20 : i32
        %swap3A_2216 = arith.index_cast %swap3A_2215 : i32 to index
        %swap3A_2217 = arith.index_cast %mul3A_2214 : i32 to index
        %swap3A_2218 = tpu.vector_load %arg15[%swap3A_2216, %swap3A_2217] {strides = array<i32>} : memref<25x128xf32, #tpu.memory_space<vmem>>, vector<16xf32>,
        tpu.vector_store %arg15[%swap3A_2216, %swap3A_2217], %add3A_2068 {strides = array<i32>} : memref<25x128xf32, #tpu.memory_space<vmem>>, vector<16xf32>,
        %mul3A_2219 = arith.constant 16 : i32
        %mul3A_2220 = arith.muli %scan3A_21, %mul3A_2219 : i32
        %swap3A_2221 = arith.constant 21 : i32
        %swap3A_2222 = arith.index_cast %swap3A_2221 : i32 to index
        %swap3A_2223 = arith.index_cast %mul3A_2220 : i32 to index
        %swap3A_2224 = tpu.vector_load %arg15[%swap3A_2222, %swap3A_2223] {strides = array<i32>} : memref<25x128xf32, #tpu.memory_space<vmem>>, vector<16xf32>,
        tpu.vector_store %arg15[%swap3A_2222, %swap3A_2223], %add3A_2074 {strides = array<i32>} : memref<25x128xf32, #tpu.memory_space<vmem>>, vector<16xf32>,
        %mul3A_2225 = arith.constant 16 : i32
        %mul3A_2226 = arith.muli %scan3A_21, %mul3A_2225 : i32
        %swap3A_2227 = arith.constant 22 : i32
        %swap3A_2228 = arith.index_cast %swap3A_2227 : i32 to index
        %swap3A_2229 = arith.index_cast %mul3A_2226 : i32 to index
        %swap3A_2230 = tpu.vector_load %arg15[%swap3A_2228, %swap3A_2229] {strides = array<i32>} : memref<25x128xf32, #tpu.memory_space<vmem>>, vector<16xf32>,
        tpu.vector_store %arg15[%swap3A_2228, %swap3A_2229], %add3A_2080 {strides = array<i32>} : memref<25x128xf32, #tpu.memory_space<vmem>>, vector<16xf32>,
        %mul3A_2231 = arith.constant 16 : i32
        %mul3A_2232 = arith.muli %scan3A_21, %mul3A_2231 : i32
        %swap3A_2233 = arith.constant 23 : i32
        %swap3A_2234 = arith.index_cast %swap3A_2233 : i32 to index
        %swap3A_2235 = arith.index_cast %mul3A_2232 : i32 to index
        %swap3A_2236 = tpu.vector_load %arg15[%swap3A_2234, %swap3A_2235] {strides = array<i32>} : memref<25x128xf32, #tpu.memory_space<vmem>>, vector<16xf32>,
        tpu.vector_store %arg15[%swap3A_2234, %swap3A_2235], %add3A_2086 {strides = array<i32>} : memref<25x128xf32, #tpu.memory_space<vmem>>, vector<16xf32>,
        %mul3A_2237 = arith.constant 16 : i32
        %mul3A_2238 = arith.muli %scan3A_21, %mul3A_2237 : i32
        %swap3A_2239 = arith.constant 24 : i32
        %swap3A_2240 = arith.index_cast %swap3A_2239 : i32 to index
        %swap3A_2241 = arith.index_cast %mul3A_2238 : i32 to index
        %swap3A_2242 = tpu.vector_load %arg15[%swap3A_2240, %swap3A_2241] {strides = array<i32>} : memref<25x128xf32, #tpu.memory_space<vmem>>, vector<16xf32>,
        tpu.vector_store %arg15[%swap3A_2240, %swap3A_2241], %add3A_2092 {strides = array<i32>} : memref<25x128xf32, #tpu.memory_space<vmem>>, vector<16xf32>,
      }
      %scan3A_15 = arith.constant 8 : i32
      %mul3A_16 = arith.constant 32 : i32
      %mul3A_17 = arith.muli %add3A, %mul3A_16 : i32
      %add3A_18 = arith.addi %mul3A_17, %scan3A_10 : i32
      %mul3A_19 = arith.constant 25 : i32
      %mul3A_20 = arith.muli %add3A_18, %mul3A_19 : i32
      "tpu.region"() ({
        %run_scoped3A = tpu.sem_alloc : memref<!tpu.dma_semaphore, #tpu.memory_space<semaphore_mem>>
        %dma_start3A = arith.constant 0 : i32
        %dma_start3A_21 = tpu.memref_slice %arg7[%mul3A_20, %dma_start3A] : memref<25600x128xf32, #tpu.memory_space<hbm>> -> memref<25x128xf32, #tpu.memory_space<hbm>>
        %dma_start3A_22 = arith.constant 0 : i32
        %dma_start3A_23 = tpu.memref_slice %arg7[%mul3A_20, %dma_start3A_22] : memref<25600x128xf32, #tpu.memory_space<hbm>> -> memref<25x128xf32, #tpu.memory_space<hbm>>
        tpu.enqueue_dma source(%arg15 : memref<25x128xf32, #tpu.memory_space<vmem>>) target(%dma_start3A_23 : memref<25x128xf32, #tpu.memory_space<hbm>>) target_semaphore(%run_scoped3A : memref<!tpu.dma_semaphore, #tpu.memory_space<semaphore_mem>>)
        %dma_wait3A = arith.constant 0 : i32
        %dma_wait3A_24 = tpu.memref_slice %arg7[%mul3A_20, %dma_wait3A] : memref<25600x128xf32, #tpu.memory_space<hbm>> -> memref<25x128xf32, #tpu.memory_space<hbm>>
        %dma_wait3A_25 = arith.constant 0 : i32
        %dma_wait3A_26 = tpu.memref_slice %arg7[%mul3A_20, %dma_wait3A_25] : memref<25600x128xf32, #tpu.memory_space<hbm>> -> memref<25x128xf32, #tpu.memory_space<hbm>>
        tpu.wait_dma2 semaphore(%run_scoped3A : memref<!tpu.dma_semaphore, #tpu.memory_space<semaphore_mem>>) src(%arg15 : memref<25x128xf32, #tpu.memory_space<vmem>>) dst(%dma_wait3A_26 : memref<25x128xf32, #tpu.memory_space<hbm>>)
        tpu.yield
      }) : () -> ()
    }
    %scan3A_9 = arith.constant 32 : i32
    return
  }
}

</mosaic_0001>

<sc_bundles>
// kernel: kernel.3.cloned.1.call-start
scs
__scs_entry_jumppad:
0x0: {  	(pc) =	sbr.rel $0x88, $3  }
0x1: {  	(tag) =	ssettag $0x0;
	lr =	simm.s32 $0x1  }
0x2: {  	[smem:$0x3F9E] =	sst lr;
	_ =	strace $0xD0000000  }
0x3: {  	_ = 	snop  }
0x4: {  	_ = 	snop  }
0x5: {  	_ = 	snop  }
0x6: {  	_ = 	snop  }
0x7: {  	_ = 	snop  }
__scs_overlays_trampoline_lowered:
0x8: {  	[smem:$0x3FAD] =	sst s0  }
0x9: {  	[smem:$0x3FAE] =	sst s1  }
0xa: {  	[smem:$0x3FAF] =	sst s2  }
0xb: {  	[smem:$0x3FB0] =	sst s3  }
0xc: {  	[smem:$0x3FB1] =	sst s4  }
0xd: {  	[smem:$0x3FB2] =	sst s5  }
0xe: {  	[smem:$0x3FB3] =	sst s6  }
0xf: {  	[smem:$0x3FB4] =	sst s7  }
0x10: {  	[smem:$0x3FB5] =	sst s8  }
0x11: {  	[smem:$0x3FB6] =	sst s9;
	s0 =	simm.s32 @!p0 $0x0  }
0x12: {  	s1 =	sld [smem:$0x3F9C];
	s0 =	simm.s32 @p0 $0x1  }
0x13: {  	[smem:$0x3FB7] =	sst s0;
	s0 =	simm.s32 @!p1 $0x0  }
0x14: {  	s2 =	sld [smem:$0x3F9B];
	s0 =	simm.s32 @p1 $0x1  }
0x15: {  	[smem:$0x3FB8] =	sst s0;
	s0 =	simm.s32 @!p2 $0x0  }
0x16: {  	s3 =	sld [smem:$0x3FDB];
	s0 =	simm.s32 @p2 $0x1  }
0x17: {  	s4 =	simm.s32 $0x1BF5;
	[smem:$0x3FBA] =	sst s0  }
0x18: {  	s0 =	sld [smem:$0x3F9D];
	_ =	swait.ge [sflag:s4], $0x0  }
0x19: {  	s7 =	sld [smem:$0x3F9E]  }
0x1a: {  	s8 =	sadd.s32 $0xFFFFE003, lr  }
0x1b: {  	s9 =	sadd.s32 $0xFFFFFEF7, lr;
	s5 =	simm.s32 $0xFFFFFFFF;
	p2 =	slt.u32 s8, $0xFFFFF086  }
0x1c: {  	p1 =	slt.u32 s9, $0xF7A;
	s5 =	simm.s32 @!p2 $0x0  }
0x1d: {  	s5 =	simm.s32 @p1 $0x1;
	p0 =	seq.s32 s7, s2  }
0x1e: {  	s7 =	smul.u32 @!p0 $0xF7A, s2;
	p2 =	seq.s32 @!p0 s5, $0x0  }
0x1f: {  	s9 =	smul.u32 $0xF7A, s1;
	s8 =	simm.s32 @!p0 $0x1BF5;
	p2 =	por !p2, p0  }
0x20: {  	[sflag:s8] =	ssyncset.s32 @!p0 $0xFFFFF086;
	s6 =	sadd.s32 @!p0 s3, s7;
	s7 =	simm.s32 @!p0 $0x108  }
0x21: {  	s3 =	sadd.s32 s3, s9;
	s6 =	sadd.s32 @!p0 $0x88, s6;
	s7 =	simm.s32 @p2 $0x1082  }
0x22: {  	[simem:s7], [sflag:s8] =	dma.local @!p0 [hbm:s6], $0xF7A  }
0x23: {  	s9 =	sor.u32 $0xD0000000, s2;
	s6 =	simm.s32 $0x108;
	_ =	swait.ge @!p0 [sflag:s8], $0x0  }
0x24: {  	s3 =	sadd.s32 $0x88, s3;
	s6 =	simm.s32 @!p1 $0x1082;
	[sflag:s4] =	ssyncset.s32 $0xFFFFF086  }
0x25: {  	[simem:s6], [sflag:s4] =	dma.local [hbm:s3], $0xF7A  }
0x26: {  	[smem:$0x3F9E] =	sst s1;
	(tag) =	ssettag s2;
	_ =	strace s9  }
0x27: {  	s1 =	sld [smem:$0x3FAE]  }
0x28: {  	s2 =	sld [smem:$0x3FAF]  }
0x29: {  	s4 =	sld [smem:$0x3FB1]  }
0x2a: {  	p0 =	seq.s32 s5, $0x0;
	s5 =	sld [smem:$0x3FB2]  }
0x2b: {  	s6 =	sld [smem:$0x3FB3]  }
0x2c: {  	s7 =	sld [smem:$0x3FB4]  }
0x2d: {  	s3 =	simm.s32 $0x108;
	s8 =	sld [smem:$0x3FB5]  }
0x2e: {  	s3 =	simm.s32 @!p0 $0x1082;
	s9 =	sld [smem:$0x3FB6]  }
0x2f: {  	lr =	sadd.s32 s0, s3;
	s0 =	sld [smem:$0x3FAD]  }
0x30: {  	s3 =	sld [smem:$0x3FB0]  }
0x31: {  	[smem:$0x3FB9] =	sst s10  }
0x32: {  	s10 =	sld [smem:$0x3FB7];
	_ =	sdelay $0x3  }
0x33: {  	p0 =	seq.s32 s10, $0x1;
	s10 =	sld [smem:$0x3FB9];
	_ =	sdelay $0x3  }
0x34: {  	[smem:$0x3FB9] =	sst s10  }
0x35: {  	s10 =	sld [smem:$0x3FB8];
	_ =	sdelay $0x3  }
0x36: {  	p1 =	seq.s32 s10, $0x1;
	s10 =	sld [smem:$0x3FB9];
	_ =	sdelay $0x3  }
0x37: {  	[smem:$0x3FB9] =	sst s10  }
0x38: {  	s10 =	sld [smem:$0x3FBA]  }
0x39: {  	_ = 	snop;
	(pc) =	sbr.ind lr, $3  }
0x3a: {  	_ = 	snop  }
0x3b: {  	_ = 	snop  }
0x3c: {  	p2 =	seq.s32 s10, $0x1;
	s10 =	sld [smem:$0x3FB9]  }
0x3d: {  	_ =	shalt  }
0x3e: {  	_ =	shalt  }
0x3f: {  	_ =	shalt  }
0x40: {  	_ =	shalt  }
0x41: {  	_ =	shalt  }
0x42: {  	_ =	shalt  }
0x43: {  	_ =	shalt  }
0x44: {  	_ =	shalt  }
0x45: {  	_ =	shalt  }
0x46: {  	_ =	shalt  }
0x47: {  	_ =	shalt  }
0x48: {  	_ =	shalt  }
0x49: {  	_ =	shalt  }
0x4a: {  	_ =	shalt  }
0x4b: {  	_ =	shalt  }
0x4c: {  	_ =	shalt  }
0x4d: {  	_ =	shalt  }
0x4e: {  	_ =	shalt  }
0x4f: {  	_ =	shalt  }
0x50: {  	_ =	shalt  }
0x51: {  	_ =	shalt  }
0x52: {  	_ =	shalt  }
0x53: {  	_ =	shalt  }
0x54: {  	_ =	shalt  }
0x55: {  	_ =	shalt  }
0x56: {  	_ =	shalt  }
0x57: {  	_ =	shalt  }
0x58: {  	_ =	shalt  }
0x59: {  	_ =	shalt  }
0x5a: {  	_ =	shalt  }
0x5b: {  	_ =	shalt  }
0x5c: {  	_ =	shalt  }
0x5d: {  	_ =	shalt  }
0x5e: {  	_ =	shalt  }
0x5f: {  	_ =	shalt  }
0x60: {  	_ =	shalt  }
0x61: {  	_ =	shalt  }
0x62: {  	_ =	shalt  }
0x63: {  	_ =	shalt  }
0x64: {  	_ =	shalt  }
0x65: {  	_ =	shalt  }
0x66: {  	_ =	shalt  }
0x67: {  	_ =	shalt  }
0x68: {  	_ =	shalt  }
0x69: {  	_ =	shalt  }
0x6a: {  	_ =	shalt  }
0x6b: {  	_ =	shalt  }
0x6c: {  	_ =	shalt  }
0x6d: {  	_ =	shalt  }
0x6e: {  	_ =	shalt  }
0x6f: {  	_ =	shalt  }
0x70: {  	_ =	shalt  }
0x71: {  	_ =	shalt  }
0x72: {  	_ =	shalt  }
0x73: {  	_ =	shalt  }
0x74: {  	_ =	shalt  }
0x75: {  	_ =	shalt  }
0x76: {  	_ =	shalt  }
0x77: {  	_ =	shalt  }
0x78: {  	_ =	shalt  }
0x79: {  	_ =	shalt  }
0x7a: {  	_ =	shalt  }
0x7b: {  	_ =	shalt  }
0x7c: {  	_ =	shalt  }
0x7d: {  	_ =	shalt  }
0x7e: {  	_ =	shalt  }
0x7f: {  	_ =	shalt  }
0x80: {  	_ =	shalt  }
0x81: {  	_ =	shalt  }
0x82: {  	_ =	shalt  }
0x83: {  	_ =	shalt  }
0x84: {  	_ =	shalt  }
0x85: {  	_ =	shalt  }
0x86: {  	_ =	shalt  }
0x87: {  	_ =	shalt  }
.Lfunc_end0:
.L_simem_size_0:
called_computation_lowered:
.L_overlay_start_0:
0x88: {  	s2 =	sld [smem:$0x3FD9]  }
0x89: {  	s3 =	sld [smem:$0x3FFE];
	_ =	sdelay $0x1  }
0x8a: {  	s1 =	srdreg.scid  }
0x8b: {  	s0 =	sand.u32 $0x1, s1  }
0x8c: {  	s17 =	sshll.u32 s0, $0xA;
	s2 =	sadd.s32 s3, s2  }
0x8d: {  	s2 =	sadd.s32 s2, s17  }
0x8e: {  	[smem:$0x3FC5] =	sst s2  }
0x8f: {  	_ = 	snop  }
0x90: {  	s2 =	sld [smem:$0x3FD0];
	(tm) =	ssettm $0x1  }
0x91: {  	s18 =	sld [smem:$0x3FFB];
	_ =	sdelay $0x3  }
0x92: {  	_ =	strace s18  }
0x93: {  	s3 =	sld [smem:$0x3FFC];
	_ =	sdelay $0x3  }
0x94: {  	_ =	strace s3  }
0x95: {  	s3 =	sld [smem:$0x3FFD];
	_ =	sdelay $0x3  }
0x96: {  	_ =	strace s3  }
0x97: {  	_ =	strace $0x8FFFFFFF  }
0x98: {  	s19 =	sld [smem:$0x3FDB];
	_ =	sdelay $0x1  }
0x99: {  	s4 =	simm.s32 $_scs_section_size  }
0x9a: {  	s5 =	simm.s32 $_size__tile_overlayer_lowered;
	s6 =	simm.s32 $_tile_overlayer_lowered  }
0x9b: {  	s22 =	simm.s32 $0x1BFF;
	s21 =	sshll.u32 s6, $0x1;
	s3 =	sadd.s32 s4, s19  }
0x9c: {  	s7 =	simm.s32 $0x0;
	s20 =	sshll.u32 s5, $0x1;
	s5 =	sadd.s32 s21, s3  }
0x9d: {  	[timem:s7], [sflag:s22] =	dma.local [hbm:s5], s20  }
0x9e: {  	_ =	swait.ge [sflag:s22], s20  }
0x9f: {  	s4 =	ssub.s32 $0x0, s20;
	[sflag:s22] =	ssyncset.done $0x0  }
0xa0: {  	[sflag:s22] =	ssyncadd.s32 s4;
	_ =	sdelay $0x1  }
0xa1: {  	s23 =	simm.s32 $0x1B8B  }
0xa2: {  	_ =	swait.ge [sflag:s23], $0x1  }
0xa3: {  	[sflag:s23] =	ssyncset.done $0x0  }
0xa4: {  	s25 =	simm.s32 $0x1B8E;
	s24 =	sld [smem:$0x3FFE];
	[sflag:s23] =	ssyncadd.s32 $0xFFFFFFFF  }
0xa5: {  	s26 =	simm.s32 $execute0_lowered;
	[smem:$0x3FD2] =	sst s25  }
0xa6: {  	s5 =	sshll.u32 s26, $0x1;
	_ =	strace $0x80000046;
	[dreg:$0x1] =	wrdreg $0xFFFFFFFF  }
0xa7: {  	s28 =	simm.s32 $_size_execute0_lowered;
	s3 =	sadd.s32 s3, s5;
	[dreg:$0x0] =	wrdreg $0x0  }
0xa8: {  	s5 =	sshll.u32 s28, $0x1;
	[dreg:$0x2] =	wrdreg s3  }
0xa9: {  	[dreg:$0x3] =	wrdreg s5  }
0xaa: {  	[dreg:$0x4] =	wrdreg $0xC0  }
0xab: {  	_ =	task [dreg:s7], $0x5FFFF  }
0xac: {  	[dreg:$0x1] =	wrdreg $0xFFFFFFFF  }
0xad: {  	[dreg:$0x0] =	wrdreg $0x60  }
0xae: {  	[dreg:$0x2] =	wrdreg s24  }
0xaf: {  	[dreg:$0x3] =	wrdreg s2  }
0xb0: {  	[dreg:$0x4] =	wrdreg $0x9  }
0xb1: {  	_ =	task.clear_ibuf [dreg:s7], $0x5FFFF;
	_ =	strace $0x90000046  }
0xb2: {  	s29 =	simm.s32 $0x9;
	_ =	strace $0x80000048  }
0xb3: {  	_ =	swait.ge [sflag:s29], $0x1  }
0xb4: {  	[sflag:s29] =	ssyncadd.s32 $0xFFFFFFFF  }
0xb5: {  	_ =	strace $0x90000048  }
0xb6: {  	_ =	sfence  }
0xb7: {  	s30 =	sld [smem:$0x0];
	_ =	sdelay $0x2  }
0xb8: {  	s31 =	sshll.u32 s1, $0xD;
	s1 =	sshrl.u32 s1, $0x2  }
0xb9: {  	s3 =	sand.u32 $0x4000, s31;
	s1 =	sadd.s32 s1, s30  }
0xba: {  	s0 =	sor.u32 s3, s0;
	s1 =	sshll.u32 s1, $0x11  }
0xbb: {  	s0 =	sor.u32 s1, s0  }
0xbc: {  	s0 =	sadd.s32 $0x8F2B, s0  }
0xbd: {  	[sflag:s0] =	ssyncadd.remote.s32 $0x1  }
0xbe: {  	_ =	sfence.sel $0xFFFF  }
0xbf: {  	[dreg:$0x0] =	wrdreg $0xFFFFFFFF;
	(pc) =	sbr.abs _section_cstart, $3  }
0xc0: {  	[dreg:$0x1] =	wrdreg $0xFFFFFFFF  }
0xc1: {  	_ =	task.clear_ibuf [dreg:s7], $0x2FFFF;
	_ =	strace $0x9FFFFFFF  }
0xc2: {  	(tm) =	ssettm $0x7FFFFFFF  }
0xc3: {  	_ =	shalt  }
tec
execute0_lowered:
.L_overlay_start_1:
0x0: {  	(tag) =	ssettag $0x1  }
0x1: {  	s6 =	rddreg [dreg:$0x0]  }
0x2: {  	s2 =	rddreg [dreg:$0x1]  }
0x3: {  	s0 =	rddreg [dreg:$0x2]  }
0x4: {  	s4 =	srdreg.scid;
	s1 =	stileid.u32;
	s3 =	simm.s32 $0x0  }
0x5: {  	s12 =	simm.s32 $0x4000;
	s13 =	simm.s32 $0x4100;
	s14 =	simm.s32 $0x80  }
0x6: {  	s15 =	simm.s32 $0x4200;
	s16 =	simm.s32 $0x4300;
	s17 =	simm.s32 $0x4280  }
0x7: {  	s18 =	simm.s32 $0x4B00;
	s19 =	simm.s32 $0x1;
	s20 =	simm.s32 $0x5300  }
0x8: {  	s21 =	simm.s32 $0x0;
	s5 =	sand.u32 $0x1, s4;
	s31 =	sshll.u32 s1, $0x1  }
0x9: {  	[smem:$0x7FF] =	sst s3;
	s4 =	sadd.s32 $0x200C00, s6;
	s9 =	sor.u32 s5, s31  }
0xa: {  	_ =	strace $0x80000047;
	s10 =	ssub.s32 $0x2, s5;
	s5 =	sadd.s32 $0x10E00, s6  }
0xb: {  	s7 =	smul.u32 $0x600, s9;
	s8 =	sshll.u32 s9, $0x9;
	s11 =	sshrl.u32 s10, $0x1  }
0xc: {  	s9 =	sshll.u32 s9, $0x5;
	s8 =	sadd.s32 s8, s6;
	s10 =	ssub.s32 s10, s11  }
0xd: {  	s11 =	simm.s32 $0x2;
	s7 =	sadd.s32 s7, s6;
	s6 =	sadd.s32 $0x10C00, s6  }
0xe: {  	s8 =	sadd.s32 $0xCC00, s8;
	s10 =	smax.u32 s10, $0x1;
	s7 =	sadd.s32 $0xC00, s7  }
.LBB2_1:
0xf: {  	[tilespmem:s3], [sflag:$0x2] =	stream.linear.gather [hbm4b:s7+s3], $0x3000, $0x38;
	[tilespmem:$0x5F80] =	vst v63  }
0x10: {  	_ =	swait.ge [sflag:s11], $0x3000  }
0x11: {  	[sflag:s11] =	ssyncset.done $0x0  }
0x12: {  	s22 =	simm.s32 $0x3000;
	[sflag:s11] =	ssyncadd.s32 $0xFFFFD000  }
0x13: {  	[tilespmem:s22], [sflag:$0x2] =	stream.linear.gather [hbm4b:s8+s3], $0x1000, $0x38;
	[tilespmem:$0x5F80] =	vst v63  }
0x14: {  	_ =	swait.ge [sflag:s11], $0x1000  }
0x15: {  	[sflag:s11] =	ssyncset.done $0x0  }
0x16: {  	[sflag:s11] =	ssyncadd.s32 $0xFFFFF000  }
0x17: {  	[tilespmem:s12], [sflag:$0x2] =	stream.linear.gather [hbm4b:s5+s3], $0x100, $0x38;
	[tilespmem:$0x5F80] =	vst v63  }
0x18: {  	_ =	swait.ge [sflag:s11], $0x100  }
0x19: {  	[sflag:s11] =	ssyncset.done $0x0  }
0x1a: {  	[sflag:s11] =	ssyncadd.s32 $0xFFFFFF00  }
0x1b: {  	[tilespmem:s13], [sflag:$0x2] =	stream.linear.gather [hbm4b:s6+s3], $0x100, $0x38;
	[tilespmem:$0x5F80] =	vst v63  }
0x1c: {  	_ =	swait.ge [sflag:s11], $0x100  }
0x1d: {  	[sflag:s11] =	ssyncset.done $0x0  }
0x1e: {  	s23 =	simm.s32 $0x0;
	s24 =	simm.s32 $0x0;
	[sflag:s11] =	ssyncadd.s32 $0xFFFFFF00  }
.LBB2_2:
0x1f: {  	s25 =	simm.s32 $0x0  }
0x20: {  	s26 =	simm.s32 $0x5900;
	s28 =	smov.u32 s22;
	s29 =	smov.u32 s23  }
.LBB2_3:
0x21: {  	v0 =	vld [tilespmem:$0x4000];
	_ =	sdelay $0x4  }
0x22: {  	v1 =	vadd.s32 s29, v0  }
0x23: {  	v0 =	vand.u32 $0x7, v0;
	v2 =	vand.u32 $0xFFFFFFF8, v1  }
0x24: {  	v0 =	vor.u32 v0, v2  }
0x25: {  	v2 =	vadd.s32 $0x10, v0;
	_ =	sdelay $0x1  }
0x26: {  	v3 =	vld [tilespmem:$0x4010];
	v0 =	vadd.s32 $0x20, v0  }
0x27: {  	v4 =	vld [tilespmem:$0x4100]  }
0x28: {  	v1 =	vld.idx.msk [tilespmem:v1+s3+$0x0], $0xffff  }
0x29: {  	v2 =	vld.idx.msk [tilespmem:v2+s3+$0x0], $0xffff;
	_ =	sdelay $0x1  }
0x2a: {  	v5 =	vadd.s32 s29, v3;
	v0 =	vld.idx.msk [tilespmem:v0+s3+$0x0], $0xffff  }
0x2b: {  	v3 =	vand.u32 $0x7, v3;
	v6 =	vand.u32 $0xFFFFFFF8, v5  }
0x2c: {  	v4 =	vadd.s32 s25, v4;
	v3 =	vor.u32 v3, v6;
	v1 =	vshll.u32 v1, $0xC  }
0x2d: {  	v14 =	vadd.s32 $0x10, v3;
	v1 =	vadd.s32 v1, v4;
	v2 =	vshll.u32 v2, $0x6  }
0x2e: {  	v1 =	vadd.s32 v2, v1  }
0x2f: {  	v16 =	vld [tilespmem:$0x4020];
	v15 =	vadd.s32 $0x20, v3;
	v0 =	vadd.s32 v0, v1  }
0x30: {  	v17 =	vld [tilespmem:$0x4110];
	[tilespmem:$0x4200] =	vst v0  }
0x31: {  	v18 =	vld.idx.msk [tilespmem:v5+s3+$0x0], $0xffff  }
0x32: {  	v4 =	vld.idx.msk [tilespmem:v14+s3+$0x0], $0xffff;
	_ =	sdelay $0x1  }
0x33: {  	v19 =	vadd.s32 s29, v16;
	v1 =	vld.idx.msk [tilespmem:v15+s3+$0x0], $0xffff  }
0x34: {  	v20 =	vand.u32 $0xFFFFFFF8, v19;
	v2 =	vand.u32 $0x7, v16  }
0x35: {  	v2 =	vor.u32 v2, v20;
	v0 =	vadd.s32 s25, v17;
	v3 =	vshll.u32 v18, $0xC  }
0x36: {  	v21 =	vadd.s32 $0x10, v2;
	v4 =	vshll.u32 v4, $0x6;
	v0 =	vadd.s32 v3, v0  }
0x37: {  	v0 =	vadd.s32 v4, v0  }
0x38: {  	v23 =	vld [tilespmem:$0x4030];
	v22 =	vadd.s32 $0x20, v2;
	v0 =	vadd.s32 v1, v0  }
0x39: {  	v24 =	vld [tilespmem:$0x4120];
	[tilespmem:$0x4210] =	vst v0  }
0x3a: {  	v25 =	vld.idx.msk [tilespmem:v19+s3+$0x0], $0xffff  }
0x3b: {  	v3 =	vld.idx.msk [tilespmem:v21+s3+$0x0], $0xffff;
	_ =	sdelay $0x1  }
0x3c: {  	v26 =	vadd.s32 s29, v23;
	v1 =	vld.idx.msk [tilespmem:v22+s3+$0x0], $0xffff  }
0x3d: {  	v27 =	vand.u32 $0xFFFFFFF8, v26;
	v2 =	vand.u32 $0x7, v23  }
0x3e: {  	v2 =	vor.u32 v2, v27;
	v0 =	vadd.s32 s25, v24;
	v4 =	vshll.u32 v25, $0xC  }
0x3f: {  	v28 =	vadd.s32 $0x10, v2;
	v3 =	vshll.u32 v3, $0x6;
	v0 =	vadd.s32 v4, v0  }
0x40: {  	v0 =	vadd.s32 v3, v0  }
0x41: {  	v30 =	vld [tilespmem:$0x4040];
	v29 =	vadd.s32 $0x20, v2;
	v0 =	vadd.s32 v1, v0  }
0x42: {  	v31 =	vld [tilespmem:$0x4130];
	[tilespmem:$0x4220] =	vst v0  }
0x43: {  	v32 =	vld.idx.msk [tilespmem:v26+s3+$0x0], $0xffff  }
0x44: {  	v4 =	vld.idx.msk [tilespmem:v28+s3+$0x0], $0xffff;
	_ =	sdelay $0x1  }
0x45: {  	v33 =	vadd.s32 s29, v30;
	v1 =	vld.idx.msk [tilespmem:v29+s3+$0x0], $0xffff  }
0x46: {  	v34 =	vand.u32 $0xFFFFFFF8, v33;
	v2 =	vand.u32 $0x7, v30  }
0x47: {  	v2 =	vor.u32 v2, v34;
	v0 =	vadd.s32 s25, v31;
	v3 =	vshll.u32 v32, $0xC  }
0x48: {  	v35 =	vadd.s32 $0x10, v2;
	v4 =	vshll.u32 v4, $0x6;
	v0 =	vadd.s32 v3, v0  }
0x49: {  	v0 =	vadd.s32 v4, v0  }
0x4a: {  	v37 =	vld [tilespmem:$0x4050];
	v36 =	vadd.s32 $0x20, v2;
	v0 =	vadd.s32 v1, v0  }
0x4b: {  	v38 =	vld [tilespmem:$0x4140];
	[tilespmem:$0x4230] =	vst v0  }
0x4c: {  	v39 =	vld.idx.msk [tilespmem:v33+s3+$0x0], $0xffff  }
0x4d: {  	v3 =	vld.idx.msk [tilespmem:v35+s3+$0x0], $0xffff;
	_ =	sdelay $0x1  }
0x4e: {  	v40 =	vadd.s32 s29, v37;
	v1 =	vld.idx.msk [tilespmem:v36+s3+$0x0], $0xffff  }
0x4f: {  	v41 =	vand.u32 $0xFFFFFFF8, v40;
	v2 =	vand.u32 $0x7, v37  }
0x50: {  	v2 =	vor.u32 v2, v41;
	v0 =	vadd.s32 s25, v38;
	v4 =	vshll.u32 v39, $0xC  }
0x51: {  	v42 =	vadd.s32 $0x10, v2;
	v3 =	vshll.u32 v3, $0x6;
	v0 =	vadd.s32 v4, v0  }
0x52: {  	v0 =	vadd.s32 v3, v0  }
0x53: {  	v44 =	vld [tilespmem:$0x4060];
	v43 =	vadd.s32 $0x20, v2;
	v0 =	vadd.s32 v1, v0  }
0x54: {  	v45 =	vld [tilespmem:$0x4150];
	[tilespmem:$0x4240] =	vst v0  }
0x55: {  	v46 =	vld.idx.msk [tilespmem:v40+s3+$0x0], $0xffff  }
0x56: {  	v4 =	vld.idx.msk [tilespmem:v42+s3+$0x0], $0xffff;
	_ =	sdelay $0x1  }
0x57: {  	v47 =	vadd.s32 s29, v44;
	v1 =	vld.idx.msk [tilespmem:v43+s3+$0x0], $0xffff  }
0x58: {  	v48 =	vand.u32 $0xFFFFFFF8, v47;
	v2 =	vand.u32 $0x7, v44  }
0x59: {  	v2 =	vor.u32 v2, v48;
	v0 =	vadd.s32 s25, v45;
	v3 =	vshll.u32 v46, $0xC  }
0x5a: {  	v49 =	vadd.s32 $0x10, v2;
	v4 =	vshll.u32 v4, $0x6;
	v0 =	vadd.s32 v3, v0  }
0x5b: {  	v0 =	vadd.s32 v4, v0  }
0x5c: {  	v51 =	vld [tilespmem:$0x4070];
	v50 =	vadd.s32 $0x20, v2;
	v0 =	vadd.s32 v1, v0  }
0x5d: {  	v52 =	vld [tilespmem:$0x4160];
	[tilespmem:$0x4250] =	vst v0  }
0x5e: {  	v53 =	vld.idx.msk [tilespmem:v47+s3+$0x0], $0xffff  }
0x5f: {  	v3 =	vld.idx.msk [tilespmem:v49+s3+$0x0], $0xffff;
	_ =	sdelay $0x1  }
0x60: {  	v54 =	vadd.s32 s29, v51;
	v1 =	vld.idx.msk [tilespmem:v50+s3+$0x0], $0xffff  }
0x61: {  	v55 =	vand.u32 $0xFFFFFFF8, v54;
	v2 =	vand.u32 $0x7, v51  }
0x62: {  	v2 =	vor.u32 v2, v55;
	v0 =	vadd.s32 s25, v52;
	v4 =	vshll.u32 v53, $0xC  }
0x63: {  	v56 =	vadd.s32 $0x10, v2;
	v3 =	vshll.u32 v3, $0x6;
	v0 =	vadd.s32 v4, v0  }
0x64: {  	v0 =	vadd.s32 v3, v0  }
0x65: {  	v58 =	vld [tilespmem:$0x4080];
	v57 =	vadd.s32 $0x20, v2;
	v0 =	vadd.s32 v1, v0  }
0x66: {  	v59 =	vld [tilespmem:$0x4170];
	[tilespmem:$0x4260] =	vst v0  }
0x67: {  	v60 =	vld.idx.msk [tilespmem:v54+s3+$0x0], $0xffff  }
0x68: {  	v4 =	vld.idx.msk [tilespmem:v56+s3+$0x0], $0xffff;
	_ =	sdelay $0x1  }
0x69: {  	v61 =	vadd.s32 s29, v58;
	v1 =	vld.idx.msk [tilespmem:v57+s3+$0x0], $0xffff  }
0x6a: {  	v62 =	vand.u32 $0xFFFFFFF8, v61;
	v2 =	vand.u32 $0x7, v58  }
0x6b: {  	v2 =	vor.u32 v2, v62;
	v0 =	vadd.s32 s25, v59;
	v3 =	vshll.u32 v60, $0xC  }
0x6c: {  	v63 =	vadd.s32 $0x10, v2;
	v4 =	vshll.u32 v4, $0x6;
	v0 =	vadd.s32 v3, v0  }
0x6d: {  	v0 =	vadd.s32 v4, v0  }
0x6e: {  	v9 =	vld [tilespmem:$0x4090];
	v8 =	vadd.s32 $0x20, v2;
	v0 =	vadd.s32 v1, v0  }
0x6f: {  	v10 =	vld [tilespmem:$0x4180];
	[tilespmem:$0x4270] =	vst v0  }
0x70: {  	v11 =	vld.idx.msk [tilespmem:v61+s3+$0x0], $0xffff  }
0x71: {  	v3 =	vld.idx.msk [tilespmem:v63+s3+$0x0], $0xffff;
	_ =	sdelay $0x1  }
0x72: {  	v12 =	vadd.s32 s29, v9;
	v1 =	vld.idx.msk [tilespmem:v8+s3+$0x0], $0xffff  }
0x73: {  	v13 =	vand.u32 $0xFFFFFFF8, v12;
	v2 =	vand.u32 $0x7, v9  }
0x74: {  	v2 =	vor.u32 v2, v13;
	v0 =	vadd.s32 s25, v10;
	v4 =	vshll.u32 v11, $0xC  }
0x75: {  	v14 =	vadd.s32 $0x10, v2;
	v3 =	vshll.u32 v3, $0x6;
	v0 =	vadd.s32 v4, v0  }
0x76: {  	v0 =	vadd.s32 v3, v0  }
0x77: {  	v16 =	vld [tilespmem:$0x40A0];
	v15 =	vadd.s32 $0x20, v2;
	v0 =	vadd.s32 v1, v0  }
0x78: {  	v17 =	vld [tilespmem:$0x4190];
	[tilespmem:$0x4280] =	vst v0  }
0x79: {  	v18 =	vld.idx.msk [tilespmem:v12+s3+$0x0], $0xffff  }
0x7a: {  	v4 =	vld.idx.msk [tilespmem:v14+s3+$0x0], $0xffff;
	_ =	sdelay $0x1  }
0x7b: {  	v19 =	vadd.s32 s29, v16;
	v1 =	vld.idx.msk [tilespmem:v15+s3+$0x0], $0xffff  }
0x7c: {  	v20 =	vand.u32 $0xFFFFFFF8, v19;
	v2 =	vand.u32 $0x7, v16  }
0x7d: {  	v2 =	vor.u32 v2, v20;
	v0 =	vadd.s32 s25, v17;
	v3 =	vshll.u32 v18, $0xC  }
0x7e: {  	v21 =	vadd.s32 $0x10, v2;
	v4 =	vshll.u32 v4, $0x6;
	v0 =	vadd.s32 v3, v0  }
0x7f: {  	v0 =	vadd.s32 v4, v0  }
0x80: {  	v23 =	vld [tilespmem:$0x40B0];
	v22 =	vadd.s32 $0x20, v2;
	v0 =	vadd.s32 v1, v0  }
0x81: {  	v24 =	vld [tilespmem:$0x41A0];
	[tilespmem:$0x4290] =	vst v0  }
0x82: {  	v25 =	vld.idx.msk [tilespmem:v19+s3+$0x0], $0xffff  }
0x83: {  	v3 =	vld.idx.msk [tilespmem:v21+s3+$0x0], $0xffff;
	_ =	sdelay $0x1  }
0x84: {  	v26 =	vadd.s32 s29, v23;
	v1 =	vld.idx.msk [tilespmem:v22+s3+$0x0], $0xffff  }
0x85: {  	v2 =	vand.u32 $0x7, v23;
	v27 =	vand.u32 $0xFFFFFFF8, v26  }
0x86: {  	v2 =	vor.u32 v2, v27;
	v0 =	vadd.s32 s25, v24;
	v4 =	vshll.u32 v25, $0xC  }
0x87: {  	v28 =	vadd.s32 $0x10, v2;
	v3 =	vshll.u32 v3, $0x6;
	v0 =	vadd.s32 v4, v0  }
0x88: {  	v0 =	vadd.s32 v3, v0  }
0x89: {  	v30 =	vld [tilespmem:$0x40C0];
	v29 =	vadd.s32 $0x20, v2;
	v0 =	vadd.s32 v1, v0  }
0x8a: {  	v31 =	vld [tilespmem:$0x41B0];
	[tilespmem:$0x42A0] =	vst v0  }
0x8b: {  	v32 =	vld.idx.msk [tilespmem:v26+s3+$0x0], $0xffff  }
0x8c: {  	v4 =	vld.idx.msk [tilespmem:v28+s3+$0x0], $0xffff;
	_ =	sdelay $0x1  }
0x8d: {  	v33 =	vadd.s32 s29, v30;
	v1 =	vld.idx.msk [tilespmem:v29+s3+$0x0], $0xffff  }
0x8e: {  	v2 =	vand.u32 $0x7, v30;
	v34 =	vand.u32 $0xFFFFFFF8, v33  }
0x8f: {  	v2 =	vor.u32 v2, v34;
	v0 =	vadd.s32 s25, v31;
	v3 =	vshll.u32 v32, $0xC  }
0x90: {  	v35 =	vadd.s32 $0x10, v2;
	v4 =	vshll.u32 v4, $0x6;
	v0 =	vadd.s32 v3, v0  }
0x91: {  	v0 =	vadd.s32 v4, v0  }
0x92: {  	v37 =	vld [tilespmem:$0x40D0];
	v36 =	vadd.s32 $0x20, v2;
	v0 =	vadd.s32 v1, v0  }
0x93: {  	v38 =	vld [tilespmem:$0x41C0];
	[tilespmem:$0x42B0] =	vst v0  }
0x94: {  	v39 =	vld.idx.msk [tilespmem:v33+s3+$0x0], $0xffff  }
0x95: {  	v3 =	vld.idx.msk [tilespmem:v35+s3+$0x0], $0xffff;
	_ =	sdelay $0x1  }
0x96: {  	v40 =	vadd.s32 s29, v37;
	v1 =	vld.idx.msk [tilespmem:v36+s3+$0x0], $0xffff  }
0x97: {  	v2 =	vand.u32 $0x7, v37;
	v41 =	vand.u32 $0xFFFFFFF8, v40  }
0x98: {  	v2 =	vor.u32 v2, v41;
	v0 =	vadd.s32 s25, v38;
	v4 =	vshll.u32 v39, $0xC  }
0x99: {  	v42 =	vadd.s32 $0x10, v2;
	v3 =	vshll.u32 v3, $0x6;
	v0 =	vadd.s32 v4, v0  }
0x9a: {  	v0 =	vadd.s32 v3, v0  }
0x9b: {  	v44 =	vld [tilespmem:$0x40E0];
	v43 =	vadd.s32 $0x20, v2;
	v0 =	vadd.s32 v1, v0  }
0x9c: {  	v45 =	vld [tilespmem:$0x41D0];
	[tilespmem:$0x42C0] =	vst v0  }
0x9d: {  	v46 =	vld.idx.msk [tilespmem:v40+s3+$0x0], $0xffff  }
0x9e: {  	v4 =	vld.idx.msk [tilespmem:v42+s3+$0x0], $0xffff;
	_ =	sdelay $0x1  }
0x9f: {  	v47 =	vadd.s32 s29, v44;
	v1 =	vld.idx.msk [tilespmem:v43+s3+$0x0], $0xffff  }
0xa0: {  	v2 =	vand.u32 $0x7, v44;
	v48 =	vand.u32 $0xFFFFFFF8, v47  }
0xa1: {  	v2 =	vor.u32 v2, v48;
	v0 =	vadd.s32 s25, v45;
	v3 =	vshll.u32 v46, $0xC  }
0xa2: {  	v49 =	vadd.s32 $0x10, v2;
	v4 =	vshll.u32 v4, $0x6;
	v0 =	vadd.s32 v3, v0  }
0xa3: {  	v0 =	vadd.s32 v4, v0  }
0xa4: {  	v51 =	vld [tilespmem:$0x40F0];
	v50 =	vadd.s32 $0x20, v2;
	v0 =	vadd.s32 v1, v0  }
0xa5: {  	v52 =	vld [tilespmem:$0x41E0];
	[tilespmem:$0x42D0] =	vst v0  }
0xa6: {  	v53 =	vld.idx.msk [tilespmem:v47+s3+$0x0], $0xffff  }
0xa7: {  	v3 =	vld.idx.msk [tilespmem:v49+s3+$0x0], $0xffff;
	_ =	sdelay $0x1  }
0xa8: {  	v54 =	vadd.s32 s29, v51;
	v1 =	vld.idx.msk [tilespmem:v50+s3+$0x0], $0xffff  }
0xa9: {  	v2 =	vand.u32 $0x7, v51;
	v55 =	vand.u32 $0xFFFFFFF8, v54  }
0xaa: {  	v2 =	vor.u32 v2, v55;
	v0 =	vadd.s32 s25, v52;
	v4 =	vshll.u32 v53, $0xC  }
0xab: {  	v56 =	vadd.s32 $0x10, v2;
	v3 =	vshll.u32 v3, $0x6;
	v0 =	vadd.s32 v4, v0  }
0xac: {  	v0 =	vadd.s32 v3, v0  }
0xad: {  	v57 =	vadd.s32 $0x20, v2;
	v0 =	vadd.s32 v1, v0  }
0xae: {  	v58 =	vld [tilespmem:$0x41F0];
	[tilespmem:$0x42E0] =	vst v0  }
0xaf: {  	v59 =	vld.idx.msk [tilespmem:v54+s3+$0x0], $0xffff  }
0xb0: {  	v60 =	vld.idx.msk [tilespmem:v56+s3+$0x0], $0xffff;
	_ =	sdelay $0x1  }
0xb1: {  	v1 =	vld.idx.msk [tilespmem:v57+s3+$0x0], $0xffff;
	_ =	sdelay $0x1  }
0xb2: {  	v0 =	vadd.s32 s25, v58;
	v2 =	vshll.u32 v59, $0xC  }
0xb3: {  	v3 =	vshll.u32 v60, $0x6;
	v0 =	vadd.s32 v2, v0  }
0xb4: {  	v0 =	vadd.s32 v3, v0  }
0xb5: {  	v0 =	vadd.s32 v1, v0  }
0xb6: {  	[tilespmem:$0x42F0] =	vst v0  }
0xb7: {  	[tilespmem:s16], [sflag:$0x1] =	stream.indirect.gather [hbm4b:s4+s14], $0x10, s15, s14, $0xb8;
	[tilespmem:$0x5F80] =	vst v63  }
0xb8: {  	_ = 	snop  }
0xb9: {  	[tilespmem:s18], [sflag:$0x1] =	stream.indirect.gather [hbm4b:s4+s14], $0x10, s17, s14, $0xb8;
	[tilespmem:$0x5F80] =	vst v63  }
0xba: {  	_ =	swait.ge [sflag:s19], $0x800  }
0xbb: {  	[sflag:s19] =	ssyncset.done $0x0  }
0xbc: {  	[sflag:s19] =	ssyncadd.s32 $0xFFFFF800  }
0xbd: {  	_ =	swait.ge [sflag:s19], $0x800  }
0xbe: {  	[sflag:s19] =	ssyncset.done $0x0  }
0xbf: {  	[sflag:s19] =	ssyncadd.s32 $0xFFFFF800  }
0xc0: {  	v31 =	vld [tilespmem:s28+$0x0]  }
0xc1: {  	v1 =	vld [tilespmem:$0x4300]  }
0xc2: {  	v10 =	vld [tilespmem:$0x4310]  }
0xc3: {  	v12 =	vld [tilespmem:$0x4320]  }
0xc4: {  	v13 =	vld [tilespmem:$0x4330]  }
0xc5: {  	v15 =	vld [tilespmem:$0x4340]  }
0xc6: {  	v18 =	vld [tilespmem:$0x4350]  }
0xc7: {  	v59 =	vld [tilespmem:$0x46D0];
	_ =	sdelay $0x4  }
0xc8: {  	[tilespmem:$0x1F8E0] =	vst v59;
	v59 =	vld [tilespmem:$0x46E0];
	_ =	sdelay $0x4  }
0xc9: {  	[tilespmem:$0x1F8F0] =	vst v59;
	v59 =	vld [tilespmem:$0x46F0];
	_ =	sdelay $0x4  }
0xca: {  	[tilespmem:$0x1F900] =	vst v59;
	v59 =	vld [tilespmem:$0x4700];
	_ =	sdelay $0x4  }
0xcb: {  	[tilespmem:$0x1F910] =	vst v59;
	v59 =	vld [tilespmem:$0x4710];
	_ =	sdelay $0x4  }
0xcc: {  	[tilespmem:$0x1F920] =	vst v59;
	v59 =	vld [tilespmem:$0x4720];
	_ =	sdelay $0x4  }
0xcd: {  	[tilespmem:$0x1F930] =	vst v59;
	v59 =	vld [tilespmem:$0x4730];
	_ =	sdelay $0x4  }
0xce: {  	[tilespmem:$0x1F940] =	vst v59;
	v59 =	vld [tilespmem:$0x4740];
	_ =	sdelay $0x4  }
0xcf: {  	[tilespmem:$0x1F950] =	vst v59;
	v59 =	vld [tilespmem:$0x4750];
	_ =	sdelay $0x4  }
0xd0: {  	[tilespmem:$0x1F960] =	vst v59;
	v59 =	vld [tilespmem:$0x4760];
	_ =	sdelay $0x4  }
0xd1: {  	[tilespmem:$0x1F970] =	vst v59;
	v59 =	vld [tilespmem:$0x4770];
	_ =	sdelay $0x4  }
0xd2: {  	[tilespmem:$0x1F980] =	vst v59;
	v59 =	vld [tilespmem:$0x4780];
	_ =	sdelay $0x4  }
0xd3: {  	[tilespmem:$0x1F990] =	vst v59;
	v59 =	vld [tilespmem:$0x4790];
	_ =	sdelay $0x4  }
0xd4: {  	[tilespmem:$0x1F9A0] =	vst v59;
	v59 =	vld [tilespmem:$0x47A0];
	_ =	sdelay $0x4  }
0xd5: {  	[tilespmem:$0x1F9B0] =	vst v59;
	v59 =	vld [tilespmem:$0x47B0];
	_ =	sdelay $0x4  }
0xd6: {  	[tilespmem:$0x1F9C0] =	vst v59;
	v59 =	vld [tilespmem:$0x47C0];
	_ =	sdelay $0x4  }
0xd7: {  	[tilespmem:$0x1F9D0] =	vst v59;
	v59 =	vld [tilespmem:$0x47D0];
	_ =	sdelay $0x4  }
0xd8: {  	[tilespmem:$0x1F9E0] =	vst v59;
	v59 =	vld [tilespmem:$0x47E0];
	_ =	sdelay $0x4  }
0xd9: {  	[tilespmem:$0x1F9F0] =	vst v59;
	v59 =	vld [tilespmem:$0x47F0];
	_ =	sdelay $0x4  }
0xda: {  	[tilespmem:$0x1FA00] =	vst v59;
	v59 =	vld [tilespmem:$0x4800];
	_ =	sdelay $0x4  }
0xdb: {  	[tilespmem:$0x1FA10] =	vst v59;
	v59 =	vld [tilespmem:$0x4810];
	_ =	sdelay $0x4  }
0xdc: {  	[tilespmem:$0x1FA20] =	vst v59;
	v59 =	vld [tilespmem:$0x4820];
	_ =	sdelay $0x4  }
0xdd: {  	[tilespmem:$0x1FA30] =	vst v59;
	v59 =	vld [tilespmem:$0x4830];
	_ =	sdelay $0x4  }
0xde: {  	[tilespmem:$0x1FA40] =	vst v59;
	v59 =	vld [tilespmem:$0x4840];
	_ =	sdelay $0x4  }
0xdf: {  	[tilespmem:$0x1FA50] =	vst v59;
	v59 =	vld [tilespmem:$0x4850];
	_ =	sdelay $0x4  }
0xe0: {  	[tilespmem:$0x1FA60] =	vst v59;
	v59 =	vld [tilespmem:$0x4860];
	_ =	sdelay $0x4  }
0xe1: {  	[tilespmem:$0x1FA70] =	vst v59;
	v59 =	vld [tilespmem:$0x4870];
	_ =	sdelay $0x4  }
0xe2: {  	[tilespmem:$0x1FA80] =	vst v59;
	v59 =	vld [tilespmem:$0x4880];
	_ =	sdelay $0x4  }
0xe3: {  	[tilespmem:$0x1FA90] =	vst v59;
	v59 =	vld [tilespmem:$0x4890];
	_ =	sdelay $0x4  }
0xe4: {  	[tilespmem:$0x1FAA0] =	vst v59;
	v59 =	vld [tilespmem:$0x48A0];
	_ =	sdelay $0x4  }
0xe5: {  	[tilespmem:$0x1FAB0] =	vst v59;
	v59 =	vld [tilespmem:$0x48B0];
	_ =	sdelay $0x4  }
0xe6: {  	[tilespmem:$0x1FAC0] =	vst v59;
	v59 =	vld [tilespmem:$0x48C0];
	_ =	sdelay $0x3  }
0xe7: {  	v19 =	vld [tilespmem:$0x4360]  }
0xe8: {  	[tilespmem:$0x1FAD0] =	vst v59;
	v59 =	vld [tilespmem:$0x48D0]  }
0xe9: {  	v21 =	vld [tilespmem:$0x4370]  }
0xea: {  	v24 =	vld [tilespmem:$0x4380]  }
0xeb: {  	v25 =	vld [tilespmem:$0x4390]  }
0xec: {  	v36 =	vld [tilespmem:$0x43A0]  }
0xed: {  	[tilespmem:$0x1FAE0] =	vst v59;
	v59 =	vld [tilespmem:$0x48E0]  }
0xee: {  	v30 =	vld [tilespmem:$0x43B0]  }
0xef: {  	v7 =	vld [tilespmem:$0x43C0]  }
0xf0: {  	v29 =	vld [tilespmem:$0x43D0]  }
0xf1: {  	v34 =	vld [tilespmem:$0x43E0]  }
0xf2: {  	[tilespmem:$0x1FAF0] =	vst v59;
	v59 =	vld [tilespmem:$0x48F0]  }
0xf3: {  	v35 =	vld [tilespmem:$0x43F0]  }
0xf4: {  	v39 =	vld [tilespmem:$0x4400]  }
0xf5: {  	v44 =	vld [tilespmem:$0x4410]  }
0xf6: {  	v40 =	vld [tilespmem:$0x4420]  }
0xf7: {  	[tilespmem:$0x1FB00] =	vst v59;
	v59 =	vld [tilespmem:$0x4900]  }
0xf8: {  	v45 =	vld [tilespmem:$0x4430]  }
0xf9: {  	v47 =	vld [tilespmem:$0x4440]  }
0xfa: {  	v50 =	vld [tilespmem:$0x4450]  }
0xfb: {  	v55 =	vld [tilespmem:$0x4460]  }
0xfc: {  	[tilespmem:$0x1FB10] =	vst v59;
	v59 =	vld [tilespmem:$0x4910]  }
0xfd: {  	v51 =	vld [tilespmem:$0x4470]  }
0xfe: {  	v53 =	vld [tilespmem:$0x4480]  }
0xff: {  	v3 =	vld [tilespmem:$0x4490]  }
0x100: {  	v4 =	vld [tilespmem:$0x44A0]  }
0x101: {  	[tilespmem:$0x1FB20] =	vst v59;
	v59 =	vld [tilespmem:$0x4920]  }
0x102: {  	v5 =	vld [tilespmem:$0x44B0]  }
0x103: {  	v6 =	vld [tilespmem:$0x44C0]  }
0x104: {  	v9 =	vld [tilespmem:$0x44D0]  }
0x105: {  	v8 =	vld [tilespmem:$0x44E0]  }
0x106: {  	[tilespmem:$0x1FB30] =	vst v59;
	v59 =	vld [tilespmem:$0x4930]  }
0x107: {  	v11 =	vld [tilespmem:$0x44F0]  }
0x108: {  	v16 =	vld [tilespmem:$0x4500]  }
0x109: {  	v14 =	vld [tilespmem:$0x4510]  }
0x10a: {  	v17 =	vld [tilespmem:$0x4520]  }
0x10b: {  	[tilespmem:$0x1FB40] =	vst v59;
	v59 =	vld [tilespmem:$0x4940]  }
0x10c: {  	v22 =	vld [tilespmem:$0x4530]  }
0x10d: {  	v20 =	vld [tilespmem:$0x4540]  }
0x10e: {  	v23 =	vld [tilespmem:$0x4550]  }
0x10f: {  	v27 =	vld [tilespmem:$0x4560]  }
0x110: {  	[tilespmem:$0x1FB50] =	vst v59;
	v59 =	vld [tilespmem:$0x4950]  }
0x111: {  	v26 =	vld [tilespmem:$0x4570]  }
0x112: {  	v28 =	vld [tilespmem:$0x4580]  }
0x113: {  	v41 =	vld [tilespmem:$0x4590]  }
0x114: {  	v32 =	vld [tilespmem:$0x45A0]  }
0x115: {  	[tilespmem:$0x1FB60] =	vst v59;
	v59 =	vld [tilespmem:$0x4960]  }
0x116: {  	v33 =	vld [tilespmem:$0x45B0]  }
0x117: {  	v48 =	vld [tilespmem:$0x45C0]  }
0x118: {  	v37 =	vld [tilespmem:$0x45D0];
	v0 =	vbroadcast v31, $0x0  }
0x119: {  	v38 =	vld [tilespmem:$0x45E0]  }
0x11a: {  	v2 =	vmul.f32 v1, v0;
	v1 =	vbroadcast v31, $0x1;
	[tilespmem:$0x1FB70] =	vst v59;
	v59 =	vld [tilespmem:$0x4970]  }
0x11b: {  	v42 =	vld [tilespmem:$0x45F0];
	v12 =	vmul.f32 v12, v0  }
0x11c: {  	v58 =	vld [tilespmem:$0x4600];
	v10 =	vmul.f32 v10, v0;
	v2 =	vadd.f32 $0.0e+00, v2;
	v3 =	vmul.f32 v3, v1  }
0x11d: {  	v60 =	vld [tilespmem:$0x4610];
	v12 =	vadd.f32 $0.0e+00, v12;
	v4 =	vmul.f32 v4, v1  }
0x11e: {  	v62 =	vld [tilespmem:$0x4620];
	v5 =	vmul.f32 v5, v1;
	v2 =	vadd.f32 v3, v2;
	v3 =	vadd.f32 $0.0e+00, v10  }
0x11f: {  	[tilespmem:$0x1FB80] =	vst v59;
	v59 =	vld [tilespmem:$0x4980]  }
0x120: {  	v3 =	vadd.f32 v4, v3;
	v4 =	vadd.f32 v5, v12;
	v5 =	vmul.f32 v18, v0;
	v18 =	vld [tilespmem:$0x49B0]  }
0x121: {  	v63 =	vld [tilespmem:$0x4630]  }
0x122: {  	v43 =	vld [tilespmem:$0x4640]  }
0x123: {  	v46 =	vld [tilespmem:$0x4650]  }
0x124: {  	[tilespmem:$0x1FB90] =	vst v59;
	v59 =	vld [tilespmem:$0x4990]  }
0x125: {  	[tilespmem:$0x1FBC0] =	vst v18;
	v18 =	vld [tilespmem:$0x49C0]  }
0x126: {  	v49 =	vld [tilespmem:$0x4660]  }
0x127: {  	v52 =	vld [tilespmem:$0x4670]  }
0x128: {  	v54 =	vld [tilespmem:$0x4680]  }
0x129: {  	[tilespmem:$0x1FBA0] =	vst v59;
	v59 =	vld [tilespmem:$0x49A0]  }
0x12a: {  	[tilespmem:$0x1FBD0] =	vst v18;
	v18 =	vmul.f32 v24, v0;
	v24 =	vld [tilespmem:$0x4A00]  }
0x12b: {  	v57 =	vld [tilespmem:$0x4690];
	v10 =	vmul.f32 v13, v0  }
0x12c: {  	v61 =	vld [tilespmem:$0x46B0];
	v21 =	vmul.f32 v21, v0  }
0x12d: {  	v56 =	vld [tilespmem:$0x46A0];
	v6 =	vmul.f32 v6, v1;
	v13 =	vmul.f32 v15, v0;
	v10 =	vadd.f32 $0.0e+00, v10  }
0x12e: {  	v34 =	vmul.f32 v34, v0;
	[tilespmem:$0x1FBB0] =	vst v59;
	v59 =	vmul.f32 v19, v0;
	v19 =	vld [tilespmem:$0x49D0]  }
0x12f: {  	v9 =	vmul.f32 v9, v1;
	v6 =	vadd.f32 v6, v10;
	v10 =	vadd.f32 $0.0e+00, v13;
	[tilespmem:$0x1FC10] =	vst v24;
	v24 =	vld [tilespmem:$0x4A20]  }
0x130: {  	v8 =	vmul.f32 v8, v1;
	v11 =	vmul.f32 v11, v1;
	v12 =	vadd.f32 $0.0e+00, v59;
	v59 =	vld [tilespmem:$0x49E0]  }
0x131: {  	[tilespmem:$0x1F8D0] =	vst v61;
	v61 =	vld [tilespmem:$0x46C0];
	v14 =	vmul.f32 v14, v1;
	v5 =	vadd.f32 $0.0e+00, v5;
	v9 =	vadd.f32 v9, v10  }
0x132: {  	v10 =	vadd.f32 v11, v12;
	v11 =	vadd.f32 $0.0e+00, v21;
	v21 =	vmul.f32 v25, v0;
	v25 =	vld [tilespmem:$0x4A10]  }
0x133: {  	v13 =	vmul.f32 v16, v1;
	v16 =	vadd.f32 $0.0e+00, v34;
	v34 =	vmul.f32 v40, v0;
	[tilespmem:$0x1FBE0] =	vst v19;
	v19 =	vld [tilespmem:$0x49F0]  }
0x134: {  	v40 =	vld [tilespmem:$0x4AC0];
	[tilespmem:$0x1FC30] =	vst v24;
	v24 =	vmul.f32 v29, v0;
	v12 =	vadd.f32 $0.0e+00, v21;
	v21 =	vmul.f32 v17, v1  }
0x135: {  	v5 =	vadd.f32 v8, v5;
	v8 =	vadd.f32 $0.0e+00, v18;
	v29 =	vld [tilespmem:$0x4A60];
	[tilespmem:$0x1FBF0] =	vst v59;
	v59 =	vmul.f32 v36, v0  }
0x136: {  	v17 =	vadd.f32 $0.0e+00, v24;
	v24 =	vld [tilespmem:$0x4A80];
	v12 =	vadd.f32 v21, v12;
	v21 =	vmul.f32 v22, v1  }
0x137: {  	[tilespmem:$0x1FC20] =	vst v25;
	v25 =	vmul.f32 v30, v0;
	v30 =	vld [tilespmem:$0x4A30];
	v36 =	vadd.f32 $0.0e+00, v59;
	v59 =	vmul.f32 v7, v0  }
0x138: {  	v8 =	vadd.f32 v14, v8;
	[tilespmem:$0x1FC00] =	vst v19;
	v19 =	vld [tilespmem:$0x4A40]  }
0x139: {  	v15 =	vadd.f32 $0.0e+00, v59;
	v14 =	vadd.f32 v21, v36;
	v36 =	vld [tilespmem:$0x4A70];
	v59 =	vmul.f32 v35, v0  }
0x13a: {  	v11 =	vadd.f32 v13, v11;
	v13 =	vadd.f32 $0.0e+00, v25;
	v25 =	vmul.f32 v23, v1;
	v35 =	vld [tilespmem:$0x4A90]  }
0x13b: {  	v18 =	vadd.f32 $0.0e+00, v59;
	v59 =	vmul.f32 v39, v0;
	v39 =	vld [tilespmem:$0x4AA0]  }
0x13c: {  	v7 =	vmul.f32 v28, v1;
	v15 =	vadd.f32 v25, v15;
	v25 =	vmul.f32 v27, v1;
	[tilespmem:$0x1FC40] =	vst v30;
	v30 =	vld [tilespmem:$0x4A50]  }
0x13d: {  	v27 =	vmul.f32 v26, v1;
	v28 =	vadd.f32 $0.0e+00, v59;
	v59 =	vmul.f32 v32, v1;
	v32 =	vld [tilespmem:$0x4AD0]  }
0x13e: {  	[tilespmem:$0x1FC50] =	vst v19;
	v19 =	vadd.f32 $0.0e+00, v34;
	v34 =	vmul.f32 v45, v0;
	v45 =	vld [tilespmem:$0x4AE0]  }
0x13f: {  	[tilespmem:$0x1FC70] =	vst v24;
	v24 =	vadd.f32 v27, v16;
	v27 =	vmul.f32 v44, v0;
	v44 =	vmul.f32 v33, v1;
	v33 =	vld [tilespmem:$0x4B00]  }
0x140: {  	v41 =	vmul.f32 v41, v1;
	v18 =	vadd.f32 v7, v18;
	v7 =	vld [tilespmem:$0x4BA0]  }
0x141: {  	[tilespmem:$0x1FC60] =	vst v36;
	v36 =	vld [tilespmem:$0x4AB0]  }
0x142: {  	v51 =	vmul.f32 v51, v0;
	v16 =	vadd.f32 $0.0e+00, v27;
	v27 =	vadd.f32 v41, v28;
	v41 =	vld [tilespmem:$0x4AF0]  }
0x143: {  	v23 =	vadd.f32 v25, v17;
	v25 =	vadd.f32 v44, v19;
	v44 =	vld [tilespmem:$0x4B10]  }
0x144: {  	v28 =	vadd.f32 $0.0e+00, v34;
	v34 =	vmul.f32 v50, v0;
	v19 =	vadd.f32 $0.0e+00, v51;
	v51 =	vld [tilespmem:$0x4B80]  }
0x145: {  	v50 =	vmul.f32 v55, v0;
	v21 =	vadd.f32 v59, v16;
	v59 =	vmul.f32 v47, v0;
	v47 =	vld [tilespmem:$0x4B30]  }
0x146: {  	v0 =	vmul.f32 v53, v0;
	v53 =	vld [tilespmem:$0x4B60]  }
0x147: {  	v22 =	vmul.f32 v20, v1;
	v17 =	vadd.f32 $0.0e+00, v50;
	v50 =	vld [tilespmem:$0x4B70];
	[tilespmem:$0x1FC80] =	vst v32  }
0x148: {  	[tilespmem:$0x1FC90] =	vst v45;
	v32 =	vmul.f32 v48, v1;
	v48 =	vmul.f32 v37, v1;
	v45 =	vld [tilespmem:$0x4B20]  }
0x149: {  	v55 =	vadd.f32 $0.0e+00, v34;
	v37 =	vmul.f32 v42, v1;
	v42 =	vmul.f32 v58, v1;
	[tilespmem:$0x1FCD0] =	vst v7;
	v7 =	vld [tilespmem:$0x4BF0]  }
0x14a: {  	[tilespmem:$0x1FCA0] =	vst v33;
	v33 =	vbroadcast v31, $0x2;
	v16 =	vadd.f32 $0.0e+00, v59;
	v59 =	vmul.f32 v38, v1;
	v38 =	vld [tilespmem:$0x4B40]  }
0x14b: {  	v28 =	vadd.f32 v32, v28;
	v32 =	vadd.f32 v42, v19;
	v19 =	vld [tilespmem:$0x4BB0]  }
0x14c: {  	v13 =	vadd.f32 v22, v13;
	v58 =	vmul.f32 v63, v33;
	v22 =	vadd.f32 v48, v16;
	v48 =	vld [tilespmem:$0x4B50]  }
0x14d: {  	v34 =	vadd.f32 v59, v55;
	v55 =	vmul.f32 v62, v33;
	v62 =	vmul.f32 v49, v33;
	v49 =	vld [tilespmem:$0x4B90]  }
0x14e: {  	v1 =	vmul.f32 v60, v1;
	v60 =	vmul.f32 v46, v33;
	v16 =	vld [tilespmem:$0x4C20]  }
0x14f: {  	v63 =	vmul.f32 v52, v33;
	v42 =	vadd.f32 v58, v3;
	v58 =	vld [tilespmem:$0x4BC0]  }
0x150: {  	v46 =	vadd.f32 v60, v6;
	v60 =	vmul.f32 v61, v33;
	v61 =	vld [tilespmem:$0x4BD0]  }
0x151: {  	v26 =	vmul.f32 v56, v33;
	[tilespmem:$0x1FCC0] =	vst v53;
	v53 =	vadd.f32 v63, v5;
	v63 =	vld [tilespmem:$0x4BE0]  }
0x152: {  	v37 =	vadd.f32 v37, v17;
	v17 =	vmul.f32 v54, v33;
	v6 =	vld [tilespmem:$0x1F8F0]  }
0x153: {  	v20 =	vmul.f32 v57, v33;
	v57 =	vadd.f32 v26, v8;
	v8 =	vld [tilespmem:$0x1F900]  }
0x154: {  	v54 =	vadd.f32 v17, v10;
	v10 =	vld [tilespmem:$0x4C00]  }
0x155: {  	v56 =	vadd.f32 v20, v11;
	v11 =	vld [tilespmem:$0x1F920]  }
0x156: {  	v17 =	vld [tilespmem:$0x1F950]  }
0x157: {  	v59 =	vmul.f32 v43, v33;
	v20 =	vld [tilespmem:$0x1F960]  }
0x158: {  	v26 =	vld [tilespmem:$0x4C70]  }
0x159: {  	v43 =	vadd.f32 v59, v4;
	v59 =	vld [tilespmem:$0x1F8D0]  }
0x15a: {  	v52 =	vadd.f32 v62, v9;
	v62 =	vld [tilespmem:$0x1F8E0]  }
0x15b: {  	v9 =	vld [tilespmem:$0x1F910]  }
0x15c: {  	[tilespmem:$0x1FCB0] =	vst v38;
	v38 =	vadd.f32 v55, v2;
	v55 =	vld [tilespmem:$0x4C40]  }
0x15d: {  	[tilespmem:$0x1FCE0] =	vst v19;
	v19 =	vld [tilespmem:$0x4C30]  }
0x15e: {  	[tilespmem:$0x1FD50] =	vst v16;
	v16 =	vld [tilespmem:$0x4C50]  }
0x15f: {  	[tilespmem:$0x1FD00] =	vst v61;
	v61 =	vadd.f32 v60, v14;
	v14 =	vld [tilespmem:$0x1F940]  }
0x160: {  	v0 =	vadd.f32 $0.0e+00, v0;
	[tilespmem:$0x1FCF0] =	vst v58;
	v58 =	vld [tilespmem:$0x1F970]  }
0x161: {  	[tilespmem:$0x1FD80] =	vst v26;
	v26 =	vld [tilespmem:$0x1FA10]  }
0x162: {  	v0 =	vadd.f32 v1, v0;
	v2 =	vmul.f32 v59, v33;
	v1 =	vmul.f32 v62, v33;
	v62 =	vld [tilespmem:$0x1F980]  }
0x163: {  	v3 =	vmul.f32 v8, v33;
	v4 =	vmul.f32 v9, v33;
	v9 =	vld [tilespmem:$0x1F990]  }
0x164: {  	v5 =	vmul.f32 v11, v33;
	v59 =	vadd.f32 v2, v12;
	v12 =	vld [tilespmem:$0x1F930]  }
0x165: {  	v23 =	vadd.f32 v3, v23;
	v1 =	vadd.f32 v1, v13;
	v13 =	vld [tilespmem:$0x4C10]  }
0x166: {  	v3 =	vadd.f32 v4, v24;
	v4 =	vadd.f32 v5, v18;
	v18 =	vmul.f32 v17, v33;
	v17 =	vld [tilespmem:$0x1F9A0]  }
0x167: {  	[tilespmem:$0x1FD60] =	vst v19;
	v19 =	vld [tilespmem:$0x1F9B0]  }
0x168: {  	v60 =	vmul.f32 v58, v33;
	v58 =	vld [tilespmem:$0x4C60]  }
0x169: {  	[tilespmem:$0x1FD10] =	vst v63;
	v63 =	vmul.f32 v62, v33;
	v62 =	vld [tilespmem:$0x1F9E0]  }
0x16a: {  	[tilespmem:$0x1FD30] =	vst v10;
	v10 =	vmul.f32 v9, v33;
	v9 =	vld [tilespmem:$0x4C90]  }
0x16b: {  	v2 =	vmul.f32 v6, v33;
	v22 =	vadd.f32 v60, v22;
	v60 =	vld [tilespmem:$0x4C80]  }
0x16c: {  	[tilespmem:$0x1FD40] =	vst v13;
	v13 =	vld [tilespmem:$0x1FA00]  }
0x16d: {  	v2 =	vadd.f32 v2, v15;
	v15 =	vmul.f32 v14, v33;
	v6 =	vmul.f32 v12, v33;
	v12 =	vld [tilespmem:$0x1FA30]  }
0x16e: {  	v24 =	vadd.f32 v18, v25;
	v18 =	vmul.f32 v17, v33;
	v17 =	vld [tilespmem:$0x4CD0]  }
0x16f: {  	v5 =	vadd.f32 v6, v27;
	v6 =	vadd.f32 v15, v21;
	v27 =	vld [tilespmem:$0x1F9C0]  }
0x170: {  	v21 =	vmul.f32 v20, v33;
	v20 =	vmul.f32 v19, v33;
	v33 =	vadd.f32 v10, v37;
	v37 =	vld [tilespmem:$0x1F9D0]  }
0x171: {  	v10 =	vld [tilespmem:$0x1F9F0]  }
0x172: {  	v25 =	vbroadcast v31, $0x3;
	v19 =	vld [tilespmem:$0x1FA50]  }
0x173: {  	v21 =	vadd.f32 v21, v28;
	v0 =	vadd.f32 v20, v0;
	v20 =	vld [tilespmem:$0x4CA0]  }
0x174: {  	v28 =	vadd.f32 v63, v34;
	v63 =	vmul.f32 v62, v25;
	v62 =	vld [tilespmem:$0x1FA20];
	v15 =	vmul.f32 v13, v25  }
0x175: {  	v34 =	vadd.f32 v18, v32;
	[tilespmem:$0x1FDC0] =	vst v17;
	v17 =	vld [tilespmem:$0x4CF0]  }
0x176: {  	v13 =	vmul.f32 v12, v25;
	v32 =	vmul.f32 v27, v25;
	v52 =	vadd.f32 v15, v52;
	v15 =	vld [tilespmem:$0x1FA40]  }
0x177: {  	v18 =	vmul.f32 v37, v25;
	v27 =	vmul.f32 v26, v25;
	v26 =	vld [tilespmem:$0x1FA60]  }
0x178: {  	v11 =	vmul.f32 v10, v25;
	v10 =	vadd.f32 v13, v56;
	v56 =	vld [tilespmem:$0x4D40]  }
0x179: {  	v37 =	vadd.f32 v32, v38;
	v38 =	vadd.f32 v18, v42;
	v42 =	vld [tilespmem:$0x4CB0]  }
0x17a: {  	[tilespmem:$0x1FD20] =	vst v7;
	v7 =	vadd.f32 v11, v46;
	v46 =	vld [tilespmem:$0x4CC0]  }
0x17b: {  	v43 =	vadd.f32 v63, v43;
	v63 =	vmul.f32 v62, v25;
	v62 =	vld [tilespmem:$0x4CE0]  }
0x17c: {  	v18 =	vld [tilespmem:$0x1FA80]  }
0x17d: {  	v32 =	vld [tilespmem:$0x4D00]  }
0x17e: {  	[tilespmem:$0x1FDA0] =	vst v20;
	v8 =	vadd.f32 v27, v53;
	v27 =	vld [tilespmem:$0x1FAA0]  }
0x17f: {  	v20 =	vmul.f32 v19, v25;
	[tilespmem:$0x1FDE0] =	vst v17;
	v17 =	vld [tilespmem:$0x4D20]  }
0x180: {  	[tilespmem:$0x1FD90] =	vst v9;
	v9 =	vadd.f32 v63, v54;
	v63 =	vld [tilespmem:$0x1FA70]  }
0x181: {  	v12 =	vadd.f32 v20, v59;
	v20 =	vld [tilespmem:$0x1FA90]  }
0x182: {  	[tilespmem:$0x1FD70] =	vst v16;
	v59 =	vld [tilespmem:$0x1FAB0];
	v16 =	vmul.f32 v15, v25  }
0x183: {  	[tilespmem:$0x1FE20] =	vst v56;
	v56 =	vld [tilespmem:$0x4D90]  }
0x184: {  	v11 =	vadd.f32 v16, v57;
	v57 =	vld [tilespmem:$0x4D10]  }
0x185: {  	v19 =	vmul.f32 v18, v25;
	v18 =	vld [tilespmem:$0x1FAD0]  }
0x186: {  	[tilespmem:$0x1FDB0] =	vst v42;
	v42 =	vmul.f32 v26, v25;
	v16 =	vmul.f32 v63, v25;
	v63 =	vld [tilespmem:$0x1FAC0]  }
0x187: {  	v26 =	vmul.f32 v20, v25;
	v20 =	vld [tilespmem:$0x4D30]  }
0x188: {  	[tilespmem:$0x1FDD0] =	vst v62;
	v61 =	vadd.f32 v42, v61;
	v42 =	vmul.f32 v27, v25;
	v62 =	vmul.f32 v59, v25;
	v59 =	vld [tilespmem:$0x1FB00]  }
0x189: {  	v13 =	vadd.f32 v26, v23;
	v26 =	vld [tilespmem:$0x1FAE0]  }
0x18a: {  	v3 =	vadd.f32 v42, v3;
	v42 =	vld [tilespmem:$0x4D60]  }
0x18b: {  	[tilespmem:$0x1FDF0] =	vst v57;
	v57 =	vld [tilespmem:$0x1FAF0]  }
0x18c: {  	v2 =	vadd.f32 v19, v2;
	v19 =	vmul.f32 v18, v25;
	v18 =	vld [tilespmem:$0x1FB20]  }
0x18d: {  	v1 =	vadd.f32 v16, v1;
	v16 =	vmul.f32 v63, v25;
	v63 =	vld [tilespmem:$0x4D50]  }
0x18e: {  	v4 =	vadd.f32 v62, v4;
	v62 =	vmul.f32 v59, v25;
	v59 =	vld [tilespmem:$0x4D70]  }
0x18f: {  	[tilespmem:$0x1FE10] =	vst v20;
	v20 =	vld [tilespmem:$0x4D80]  }
0x190: {  	v5 =	vadd.f32 v16, v5;
	v16 =	vld [tilespmem:$0x1FB10]  }
0x191: {  	v27 =	vmul.f32 v26, v25;
	v26 =	vld [tilespmem:$0x1FB30];
	v23 =	vmul.f32 v57, v25  }
0x192: {  	v22 =	vadd.f32 v62, v22;
	v62 =	vld [tilespmem:$0x1FB40]  }
0x193: {  	v21 =	vadd.f32 v23, v21;
	v23 =	vld [tilespmem:$0x1FB50]  }
0x194: {  	v6 =	vadd.f32 v19, v6;
	v19 =	vmul.f32 v18, v25;
	v57 =	vbroadcast v31, $0x4;
	[tilespmem:$0x1FE40] =	vst v59;
	v59 =	vld [tilespmem:$0x1FB90]  }
0x195: {  	[tilespmem:$0x1FE50] =	vst v20;
	v20 =	vld [tilespmem:$0x1FBA0]  }
0x196: {  	v15 =	vadd.f32 v19, v33;
	v33 =	vld [tilespmem:$0x4E40];
	v39 =	vmul.f32 v39, v57  }
0x197: {  	v24 =	vadd.f32 v27, v24;
	v27 =	vmul.f32 v26, v25;
	v26 =	vld [tilespmem:$0x1FB60]  }
0x198: {  	[tilespmem:$0x1FE00] =	vst v17;
	v15 =	vadd.f32 v39, v15;
	v39 =	vld [tilespmem:$0x4EA0]  }
0x199: {  	[tilespmem:$0x1FE30] =	vst v63;
	v17 =	vmul.f32 v16, v25;
	v63 =	vmul.f32 v62, v25;
	v16 =	vadd.f32 v27, v34;
	v27 =	vld [tilespmem:$0x1FB70]  }
0x19a: {  	v34 =	vld [tilespmem:$0x4DA0]  }
0x19b: {  	v54 =	vadd.f32 v63, v0;
	v63 =	vld [tilespmem:$0x4DB0]  }
0x19c: {  	v62 =	vmul.f32 v59, v57;
	v59 =	vld [tilespmem:$0x1FC10]  }
0x19d: {  	v25 =	vmul.f32 v23, v57;
	v23 =	vld [tilespmem:$0x1FC30]  }
0x19e: {  	[tilespmem:$0x1FF00] =	vst v33;
	v33 =	vld [tilespmem:$0x4E90]  }
0x19f: {  	v14 =	vadd.f32 v17, v28;
	v17 =	vadd.f32 v25, v37;
	v37 =	vld [tilespmem:$0x1FB80]  }
0x1a0: {  	v0 =	vmul.f32 v26, v57;
	v26 =	vld [tilespmem:$0x4DC0]  }
0x1a1: {  	v25 =	vmul.f32 v20, v57;
	v52 =	vadd.f32 v62, v52;
	v62 =	vld [tilespmem:$0x1FBD0]  }
0x1a2: {  	v28 =	vmul.f32 v27, v57;
	v27 =	vld [tilespmem:$0x1FBB0]  }
0x1a3: {  	v8 =	vadd.f32 v25, v8;
	v25 =	vld [tilespmem:$0x4DE0]  }
0x1a4: {  	[tilespmem:$0x1FE60] =	vst v34;
	v34 =	vld [tilespmem:$0x4DF0]  }
0x1a5: {  	[tilespmem:$0x1FF50] =	vst v33;
	v33 =	vld [tilespmem:$0x1FCB0]  }
0x1a6: {  	v18 =	vadd.f32 v28, v43;
	v43 =	vld [tilespmem:$0x1FBC0]  }
0x1a7: {  	v53 =	vmul.f32 v37, v57;
	v37 =	vld [tilespmem:$0x4DD0]  }
0x1a8: {  	[tilespmem:$0x1FE80] =	vst v26;
	v26 =	vld [tilespmem:$0x1FBE0]  }
0x1a9: {  	[tilespmem:$0x1FE70] =	vst v63;
	v63 =	vmul.f32 v62, v57;
	v62 =	vld [tilespmem:$0x1FC20]  }
0x1aa: {  	v28 =	vmul.f32 v27, v57;
	[tilespmem:$0x1FEA0] =	vst v25;
	v25 =	vld [tilespmem:$0x4E20]  }
0x1ab: {  	[tilespmem:$0x1FEB0] =	vst v34;
	v34 =	vmul.f32 v29, v57;
	v29 =	vmul.f32 v40, v57;
	v40 =	vld [tilespmem:$0x1FC90]  }
0x1ac: {  	v9 =	vadd.f32 v28, v9;
	v28 =	vld [tilespmem:$0x1FBF0]  }
0x1ad: {  	[tilespmem:$0x1FE90] =	vst v37;
	v37 =	vld [tilespmem:$0x1FC00]  }
0x1ae: {  	v7 =	vadd.f32 v53, v7;
	v53 =	vmul.f32 v43, v57;
	v27 =	vmul.f32 v26, v57;
	v26 =	vld [tilespmem:$0x1FC40]  }
0x1af: {  	v11 =	vadd.f32 v63, v11;
	v63 =	vmul.f32 v62, v57;
	v62 =	vld [tilespmem:$0x4E60]  }
0x1b0: {  	v10 =	vadd.f32 v53, v10;
	v53 =	vld [tilespmem:$0x4E00]  }
0x1b1: {  	v12 =	vadd.f32 v27, v12;
	v27 =	vld [tilespmem:$0x1FC50]  }
0x1b2: {  	v38 =	vadd.f32 v0, v38;
	v0 =	vmul.f32 v28, v57;
	v28 =	vld [tilespmem:$0x4E30]  }
0x1b3: {  	v43 =	vmul.f32 v37, v57;
	v37 =	vld [tilespmem:$0x4E50]  }
0x1b4: {  	v19 =	vadd.f32 v0, v61;
	v61 =	vld [tilespmem:$0x4E10]  }
0x1b5: {  	v0 =	vmul.f32 v59, v57;
	v59 =	vld [tilespmem:$0x1FC70]  }
0x1b6: {  	v30 =	vmul.f32 v30, v57;
	v20 =	vadd.f32 v43, v1;
	v1 =	vmul.f32 v23, v57;
	v43 =	vld [tilespmem:$0x1FC60]  }
0x1b7: {  	v23 =	vadd.f32 v0, v2;
	v2 =	vmul.f32 v27, v57;
	v27 =	vmul.f32 v36, v57;
	v36 =	vld [tilespmem:$0x1FD20]  }
0x1b8: {  	v0 =	vmul.f32 v26, v57;
	[tilespmem:$0x1FEF0] =	vst v28;
	v26 =	vadd.f32 v1, v3;
	v28 =	vld [tilespmem:$0x4E80]  }
0x1b9: {  	[tilespmem:$0x1FEE0] =	vst v25;
	v3 =	vadd.f32 v30, v6;
	v30 =	vadd.f32 v34, v24;
	v34 =	vld [tilespmem:$0x1FC80]  }
0x1ba: {  	[tilespmem:$0x1FEC0] =	vst v53;
	v25 =	vadd.f32 v0, v4;
	v4 =	vld [tilespmem:$0x4E70]  }
0x1bb: {  	v13 =	vadd.f32 v63, v13;
	v63 =	vmul.f32 v35, v57;
	[tilespmem:$0x1FF10] =	vst v37;
	v0 =	vbroadcast v31, $0x5;
	v37 =	vld [tilespmem:$0x1FCC0]  }
0x1bc: {  	[tilespmem:$0x1FED0] =	vst v61;
	v61 =	vmul.f32 v59, v57;
	v59 =	vld [tilespmem:$0x4EB0];
	v53 =	vmul.f32 v43, v57  }
0x1bd: {  	v57 =	vmul.f32 v41, v0;
	v41 =	vmul.f32 v50, v0;
	v50 =	vld [tilespmem:$0x4F50]  }
0x1be: {  	v14 =	vadd.f32 v63, v14;
	v63 =	vmul.f32 v44, v0;
	v44 =	vmul.f32 v49, v0;
	v49 =	vld [tilespmem:$0x1FD50]  }
0x1bf: {  	v6 =	vadd.f32 v61, v22;
	v61 =	vld [tilespmem:$0x1FCA0]  }
0x1c0: {  	[tilespmem:$0x1FF40] =	vst v28;
	v28 =	vld [tilespmem:$0x4ED0]  }
0x1c1: {  	[tilespmem:$0x1FF60] =	vst v39;
	v39 =	vadd.f32 v63, v52;
	v63 =	vld [tilespmem:$0x4EE0]  }
0x1c2: {  	v2 =	vadd.f32 v2, v5;
	v43 =	vmul.f32 v40, v0;
	v18 =	vadd.f32 v57, v18;
	v57 =	vld [tilespmem:$0x4F20]  }
0x1c3: {  	v5 =	vadd.f32 v53, v21;
	v21 =	vadd.f32 v27, v16;
	v27 =	vmul.f32 v45, v0;
	v45 =	vld [tilespmem:$0x1FCD0]  }
0x1c4: {  	v24 =	vadd.f32 v43, v38;
	v38 =	vadd.f32 v41, v19;
	v19 =	vld [tilespmem:$0x1FCE0]  }
0x1c5: {  	v53 =	vld [tilespmem:$0x4F30]  }
0x1c6: {  	v43 =	vmul.f32 v51, v0;
	v51 =	vld [tilespmem:$0x4F40]  }
0x1c7: {  	v41 =	vld [tilespmem:$0x1FD40]  }
0x1c8: {  	v22 =	vadd.f32 v29, v54;
	v29 =	vmul.f32 v47, v0;
	v52 =	vld [tilespmem:$0x4F90]  }
0x1c9: {  	[tilespmem:$0x1FF30] =	vst v4;
	v4 =	vld [tilespmem:$0x4EC0]  }
0x1ca: {  	v35 =	vmul.f32 v34, v0;
	v16 =	vadd.f32 v29, v9;
	v29 =	vld [tilespmem:$0x1FD00]  }
0x1cb: {  	v34 =	vmul.f32 v33, v0;
	v40 =	vmul.f32 v37, v0;
	v37 =	vld [tilespmem:$0x1FD30]  }
0x1cc: {  	[tilespmem:$0x1FF70] =	vst v59;
	v59 =	vld [tilespmem:$0x4EF0]  }
0x1cd: {  	v10 =	vadd.f32 v34, v10;
	v34 =	vld [tilespmem:$0x1FD10]  }
0x1ce: {  	v54 =	vadd.f32 v35, v17;
	v35 =	vmul.f32 v48, v0;
	v48 =	vld [tilespmem:$0x4F70]  }
0x1cf: {  	[tilespmem:$0x1FF90] =	vst v28;
	v28 =	vld [tilespmem:$0x1FCF0]  }
0x1d0: {  	[tilespmem:$0x1FF20] =	vst v62;
	v9 =	vadd.f32 v44, v23;
	v62 =	vmul.f32 v61, v0;
	v61 =	vld [tilespmem:$0x4F00];
	v33 =	vmul.f32 v29, v0  }
0x1d1: {  	v8 =	vadd.f32 v27, v8;
	v17 =	vadd.f32 v43, v20;
	v47 =	vmul.f32 v45, v0;
	v45 =	vld [tilespmem:$0x4F60]  }
0x1d2: {  	v12 =	vadd.f32 v40, v12;
	v27 =	vmul.f32 v19, v0;
	v19 =	vadd.f32 v33, v2;
	v33 =	vld [tilespmem:$0x1FD60]  }
0x1d3: {  	v11 =	vadd.f32 v35, v11;
	v43 =	vmul.f32 v41, v0;
	v7 =	vadd.f32 v62, v7;
	v62 =	vld [tilespmem:$0x4F10]  }
0x1d4: {  	[tilespmem:$0x1FF80] =	vst v4;
	v40 =	vmul.f32 v37, v0;
	v4 =	vld [tilespmem:$0x1FD90];
	v20 =	vadd.f32 v47, v13;
	v1 =	vmul.f32 v28, v0  }
0x1d5: {  	v13 =	vadd.f32 v27, v26;
	v35 =	vmul.f32 v34, v0;
	v27 =	vmul.f32 v49, v0;
	v47 =	vld [tilespmem:$0x4F80]  }
0x1d6: {  	v49 =	vadd.f32 v40, v5;
	v40 =	vld [tilespmem:$0x1FD80];
	v23 =	vadd.f32 v1, v25;
	v1 =	vmul.f32 v36, v0  }
0x1d7: {  	v25 =	vadd.f32 v35, v3;
	v35 =	vld [tilespmem:$0x1FD70];
	v34 =	vmul.f32 v33, v0  }
0x1d8: {  	v26 =	vadd.f32 v1, v30;
	v1 =	vbroadcast v31, $0x6;
	v30 =	vadd.f32 v43, v6;
	v43 =	vld [tilespmem:$0x4FA0]  }
0x1d9: {  	v29 =	vadd.f32 v34, v15;
	v34 =	vld [tilespmem:$0x1FDB0]  }
0x1da: {  	v37 =	vmul.f32 v58, v1;
	v58 =	vld [tilespmem:$0x4FB0]  }
0x1db: {  	v44 =	vmul.f32 v60, v1;
	v60 =	vld [tilespmem:$0x4FC0]  }
0x1dc: {  	v41 =	vmul.f32 v40, v1;
	v40 =	vld [tilespmem:$0x1FDC0]  }
0x1dd: {  	v5 =	vmul.f32 v4, v1;
	v18 =	vadd.f32 v44, v18;
	v44 =	vld [tilespmem:$0x1FDD0]  }
0x1de: {  	v28 =	vadd.f32 v27, v14;
	v36 =	vmul.f32 v35, v0;
	v27 =	vadd.f32 v37, v54;
	v54 =	vld [tilespmem:$0x4FD0]  }
0x1df: {  	v55 =	vmul.f32 v55, v0;
	v7 =	vadd.f32 v5, v7;
	v5 =	vld [tilespmem:$0x1FDE0]  }
0x1e0: {  	v6 =	vadd.f32 v36, v22;
	v22 =	vld [tilespmem:$0x1FDA0]  }
0x1e1: {  	v55 =	vadd.f32 v55, v21;
	v15 =	vadd.f32 v41, v24;
	v41 =	vld [tilespmem:$0x4FE0];
	v21 =	vmul.f32 v40, v1  }
0x1e2: {  	v37 =	vmul.f32 v46, v1;
	v46 =	vld [tilespmem:$0x4FF0];
	v4 =	vmul.f32 v44, v1  }
0x1e3: {  	v10 =	vadd.f32 v21, v10;
	v21 =	vld [tilespmem:$0x1FE20]  }
0x1e4: {  	v32 =	vmul.f32 v32, v1;
	v11 =	vadd.f32 v4, v11;
	v4 =	vld [tilespmem:$0x1FE00]  }
0x1e5: {  	v14 =	vadd.f32 v37, v16;
	v16 =	vmul.f32 v5, v1;
	v33 =	vmul.f32 v22, v1;
	v22 =	vld [tilespmem:$0x1FE30]  }
0x1e6: {  	v38 =	vadd.f32 v32, v38;
	v32 =	vld [tilespmem:$0x5030]  }
0x1e7: {  	v12 =	vadd.f32 v16, v12;
	v16 =	vld [tilespmem:$0x1FE10]  }
0x1e8: {  	v2 =	vmul.f32 v21, v1;
	v21 =	vld [tilespmem:$0x1FE50]  }
0x1e9: {  	v5 =	vmul.f32 v4, v1;
	v4 =	vld [tilespmem:$0x1FE40]  }
0x1ea: {  	v36 =	vld [tilespmem:$0x5010];
	v24 =	vmul.f32 v22, v1  }
0x1eb: {  	v22 =	vld [tilespmem:$0x1FE60]  }
0x1ec: {  	v0 =	vmul.f32 v16, v1;
	v23 =	vadd.f32 v24, v23;
	v24 =	vld [tilespmem:$0x1FE70]  }
0x1ed: {  	v37 =	vld [tilespmem:$0x1FDF0];
	v9 =	vadd.f32 v5, v9  }
0x1ee: {  	v20 =	vadd.f32 v0, v20;
	v0 =	vmul.f32 v21, v1;
	v21 =	vld [tilespmem:$0x1FE80];
	v5 =	vmul.f32 v4, v1  }
0x1ef: {  	v35 =	vmul.f32 v34, v1;
	v34 =	vld [tilespmem:$0x5040]  }
0x1f0: {  	v16 =	vadd.f32 v2, v13;
	v13 =	vadd.f32 v5, v25;
	v5 =	vmul.f32 v22, v1;
	v22 =	vld [tilespmem:$0x1FE90]  }
0x1f1: {  	v40 =	vld [tilespmem:$0x5000];
	v25 =	vmul.f32 v24, v1  }
0x1f2: {  	v5 =	vadd.f32 v5, v30;
	v30 =	vld [tilespmem:$0x50B0]  }
0x1f3: {  	v4 =	vmul.f32 v21, v1;
	v28 =	vadd.f32 v25, v28;
	v25 =	vld [tilespmem:$0x1FEA0]  }
0x1f4: {  	v8 =	vadd.f32 v35, v8;
	v35 =	vld [tilespmem:$0x5060]  }
0x1f5: {  	v44 =	vmul.f32 v37, v1;
	v29 =	vadd.f32 v4, v29;
	v4 =	vld [tilespmem:$0x1FEB0];
	v24 =	vmul.f32 v22, v1  }
0x1f6: {  	v22 =	vld [tilespmem:$0x50C0]  }
0x1f7: {  	v17 =	vadd.f32 v44, v17;
	v44 =	vmul.f32 v42, v1;
	[tilespmem:$0x1FFA0] =	vst v30;
	v30 =	vadd.f32 v24, v55;
	v24 =	vld [tilespmem:$0x1FEC0]  }
0x1f8: {  	v2 =	vmul.f32 v56, v1;
	v1 =	vmul.f32 v25, v1;
	v25 =	vld [tilespmem:$0x1FED0]  }
0x1f9: {  	v37 =	vld [tilespmem:$0x5050]  }
0x1fa: {  	v39 =	vadd.f32 v33, v39;
	v33 =	vld [tilespmem:$0x5020];
	v26 =	vadd.f32 v0, v26;
	v0 =	vbroadcast v31, $0x7  }
0x1fb: {  	[tilespmem:$0x1FFB0] =	vst v22;
	v22 =	vld [tilespmem:$0x50D0]  }
0x1fc: {  	v42 =	vld [tilespmem:$0x5070];
	v55 =	vmul.f32 v4, v0  }
0x1fd: {  	v4 =	vadd.f32 v1, v6;
	v6 =	vmul.f32 v24, v0;
	v1 =	vmul.f32 v25, v0;
	v24 =	vld [tilespmem:$0x1FEE0]  }
0x1fe: {  	v55 =	vadd.f32 v55, v27;
	v27 =	vld [tilespmem:$0x50E0]  }
0x1ff: {  	v6 =	vadd.f32 v6, v15;
	v15 =	vadd.f32 v1, v18;
	v18 =	vld [tilespmem:$0x1FF00]  }
0x200: {  	[tilespmem:$0x1FFC0] =	vst v22;
	v22 =	vld [tilespmem:$0x50F0]  }
0x201: {  	v25 =	vld [tilespmem:$0x1FEF0]  }
0x202: {  	v21 =	vadd.f32 v2, v49;
	v2 =	vmul.f32 v24, v0;
	v24 =	vld [tilespmem:$0x1FF10]  }
0x203: {  	[tilespmem:$0x1FFD0] =	vst v27;
	v27 =	vld [tilespmem:$0x5100]  }
0x204: {  	v19 =	vadd.f32 v44, v19;
	v44 =	vld [tilespmem:$0x5080];
	v18 =	vmul.f32 v18, v0  }
0x205: {  	[tilespmem:$0x1FFE0] =	vst v22;
	v22 =	vld [tilespmem:$0x1FF30]  }
0x206: {  	v8 =	vadd.f32 v18, v8;
	v18 =	vld [tilespmem:$0x1FF20]  }
0x207: {  	v3 =	vmul.f32 v25, v0;
	v25 =	vmul.f32 v24, v0;
	v24 =	vld [tilespmem:$0x1FF40]  }
0x208: {  	[tilespmem:$0x1FFF0] =	vst v27;
	v27 =	vld [tilespmem:$0x1FF60]  }
0x209: {  	v56 =	vld [tilespmem:$0x5090];
	v59 =	vmul.f32 v59, v0  }
0x20a: {  	v51 =	vmul.f32 v51, v0;
	v49 =	vld [tilespmem:$0x50A0]  }
0x20b: {  	v19 =	vadd.f32 v59, v19;
	v59 =	vld [tilespmem:$0x5180];
	v1 =	vmul.f32 v22, v0;
	v18 =	vmul.f32 v18, v0  }
0x20c: {  	v3 =	vadd.f32 v3, v39;
	v14 =	vadd.f32 v25, v14;
	v25 =	vld [tilespmem:$0x1FF50];
	v39 =	vmul.f32 v24, v0  }
0x20d: {  	v10 =	vadd.f32 v18, v10;
	v18 =	vadd.f32 v1, v11;
	v11 =	vmul.f32 v27, v0;
	v27 =	vld [tilespmem:$0x1FF90]  }
0x20e: {  	v12 =	vadd.f32 v39, v12;
	v39 =	vld [tilespmem:$0x1FF70]  }
0x20f: {  	v50 =	vmul.f32 v50, v0;
	v28 =	vadd.f32 v51, v28;
	v51 =	vld [tilespmem:$0x5210]  }
0x210: {  	v11 =	vadd.f32 v11, v17;
	v17 =	vld [tilespmem:$0x1FF80]  }
0x211: {  	v29 =	vadd.f32 v50, v29;
	v50 =	vld [tilespmem:$0x51E0];
	v7 =	vadd.f32 v2, v7;
	v2 =	vmul.f32 v25, v0  }
0x212: {  	v53 =	vmul.f32 v53, v0;
	v22 =	vld [tilespmem:$0x5110];
	v1 =	vmul.f32 v27, v0  }
0x213: {  	v24 =	vld [tilespmem:$0x5120];
	v2 =	vadd.f32 v2, v38;
	v38 =	vmul.f32 v39, v0  }
0x214: {  	v5 =	vadd.f32 v53, v5;
	v25 =	vld [tilespmem:$0x5130];
	v1 =	vadd.f32 v1, v16;
	v16 =	vmul.f32 v61, v0  }
0x215: {  	v27 =	vld [tilespmem:$0x5150];
	v17 =	vmul.f32 v17, v0;
	v38 =	vadd.f32 v38, v9;
	v9 =	vmul.f32 v63, v0  }
0x216: {  	v39 =	vld [tilespmem:$0x5140];
	v61 =	vmul.f32 v62, v0;
	v62 =	vmul.f32 v45, v0;
	v13 =	vadd.f32 v16, v13  }
0x217: {  	v45 =	vld [tilespmem:$0x51B0];
	v16 =	vmul.f32 v57, v0;
	v23 =	vadd.f32 v9, v23;
	v9 =	vbroadcast v31, $0x8  }
0x218: {  	v63 =	vld [tilespmem:$0x5160];
	v17 =	vadd.f32 v17, v20;
	v26 =	vadd.f32 v61, v26;
	v0 =	vmul.f32 v48, v0  }
0x219: {  	v20 =	vld [tilespmem:$0x5170];
	v31 =	vbroadcast v31, $0x9;
	v16 =	vadd.f32 v16, v21;
	v53 =	vmul.f32 v47, v9  }
0x21a: {  	v57 =	vld [tilespmem:$0x5190];
	v0 =	vadd.f32 v0, v4;
	v4 =	vmul.f32 v52, v9;
	v43 =	vmul.f32 v43, v9  }
0x21b: {  	v61 =	vld [tilespmem:$0x51A0];
	v21 =	vadd.f32 v62, v30;
	v58 =	vmul.f32 v58, v9;
	v62 =	vmul.f32 v60, v9  }
0x21c: {  	v48 =	vld [tilespmem:$0x51C0];
	v41 =	vmul.f32 v41, v9;
	v40 =	vmul.f32 v40, v9  }
0x21d: {  	v47 =	vld [tilespmem:$0x51D0];
	v36 =	vmul.f32 v36, v9;
	v33 =	vmul.f32 v33, v9  }
0x21e: {  	v60 =	vmul.f32 v32, v9;
	v32 =	vld [tilespmem:$0x5240];
	v34 =	vmul.f32 v34, v9  }
0x21f: {  	v24 =	vmul.f32 v24, v31;
	v35 =	vmul.f32 v35, v9;
	v30 =	vadd.f32 v53, v55;
	v53 =	vld [tilespmem:$0x51F0]  }
0x220: {  	v25 =	vmul.f32 v25, v31;
	v4 =	vadd.f32 v4, v6;
	v6 =	vadd.f32 v43, v15;
	v43 =	vld [tilespmem:$0x5200]  }
0x221: {  	v7 =	vadd.f32 v58, v7;
	v3 =	vadd.f32 v62, v3;
	v58 =	vmul.f32 v46, v9;
	v46 =	vld [tilespmem:$0x5220]  }
0x222: {  	v52 =	vmul.f32 v39, v31;
	v14 =	vadd.f32 v41, v14;
	v41 =	vld [tilespmem:$0x5230];
	v18 =	vadd.f32 v40, v18  }
0x223: {  	v12 =	vadd.f32 v36, v12;
	v36 =	vld [tilespmem:$0x5250];
	v2 =	vadd.f32 v33, v2;
	v62 =	vmul.f32 v22, v31  }
0x224: {  	v55 =	vmul.f32 v54, v9;
	v11 =	vadd.f32 v60, v11;
	v22 =	vld [tilespmem:$0x5260];
	v33 =	vadd.f32 v34, v38  }
0x225: {  	v40 =	vmul.f32 v37, v9;
	v37 =	vld [tilespmem:$0x5270];
	v1 =	vadd.f32 v35, v1;
	v15 =	vadd.f32 v62, v30  }
0x226: {  	v34 =	vld [tilespmem:$0x5290];
	v54 =	vmul.f32 v27, v31;
	v60 =	vmul.f32 v44, v9;
	v4 =	vadd.f32 v24, v4  }
0x227: {  	v27 =	vmul.f32 v48, v31;
	v8 =	vadd.f32 v55, v8;
	v30 =	vld [tilespmem:$0x5280];
	v6 =	vadd.f32 v25, v6;
	[tilespmem:s26+$0xFFFFFA00] =	vst v15  }
0x228: {  	v10 =	vadd.f32 v58, v10;
	v7 =	vadd.f32 v52, v7;
	v58 =	vmul.f32 v63, v31;
	[tilespmem:s26+$0xFFFFFA80] =	vst v4  }
0x229: {  	v17 =	vadd.f32 v40, v17;
	v3 =	vadd.f32 v54, v3;
	v62 =	vmul.f32 v20, v31;
	[tilespmem:s26+$0xFFFFFB00] =	vst v6  }
0x22a: {  	v55 =	vmul.f32 v42, v9;
	v63 =	vmul.f32 v59, v31;
	v8 =	vadd.f32 v58, v8;
	[tilespmem:s26+$0xFFFFFB80] =	vst v7  }
0x22b: {  	v20 =	vmul.f32 v56, v9;
	v25 =	vmul.f32 v45, v31;
	v14 =	vadd.f32 v62, v14;
	[tilespmem:s26+$0xFFFFFC00] =	vst v3  }
0x22c: {  	v6 =	vadd.f32 v60, v19;
	v19 =	vmul.f32 v57, v31;
	v7 =	vadd.f32 v63, v10;
	[tilespmem:s26+$0xFFFFFC80] =	vst v8  }
0x22d: {  	v4 =	vadd.f32 v55, v23;
	v23 =	vmul.f32 v61, v31;
	v2 =	vadd.f32 v25, v2;
	[tilespmem:s26+$0xFFFFFD00] =	vst v14  }
0x22e: {  	v24 =	vmul.f32 v49, v9;
	v40 =	vmul.f32 v50, v31;
	v42 =	vld [tilespmem:$0x1FFB0];
	v3 =	vadd.f32 v19, v18;
	[tilespmem:s26+$0xFFFFFD80] =	vst v7  }
0x22f: {  	v39 =	vld [tilespmem:$0x1FFA0];
	v38 =	vmul.f32 v47, v31;
	v47 =	vmul.f32 v51, v31;
	v10 =	vadd.f32 v23, v12;
	[tilespmem:s26+$0xFFFFFF00] =	vst v2  }
0x230: {  	v50 =	vld [tilespmem:$0x1FFD0];
	v54 =	vmul.f32 v32, v31;
	v44 =	vmul.f32 v53, v31;
	v7 =	vadd.f32 v27, v11;
	[tilespmem:s26+$0xFFFFFE00] =	vst v3  }
0x231: {  	v48 =	vld [tilespmem:$0x1FFC0];
	v35 =	vadd.f32 v24, v26;
	v45 =	vmul.f32 v43, v31;
	v11 =	vadd.f32 v40, v17;
	[tilespmem:s26+$0xFFFFFE80] =	vst v10  }
0x232: {  	v49 =	vmul.f32 v46, v31;
	v51 =	vmul.f32 v41, v31;
	v1 =	vadd.f32 v44, v1;
	[tilespmem:s26+$0xFFFFFF80] =	vst v7  }
0x233: {  	v59 =	vld [tilespmem:$0x1FFF0];
	v8 =	vadd.f32 v20, v13;
	v2 =	vmul.f32 v42, v9;
	v4 =	vadd.f32 v45, v4;
	[tilespmem:s26+$0x80] =	vst v11  }
0x234: {  	v57 =	vld [tilespmem:$0x1FFE0];
	v56 =	vmul.f32 v36, v31;
	v10 =	vmul.f32 v39, v9;
	v3 =	vadd.f32 v38, v33;
	[tilespmem:s26+$0x100] =	vst v1  }
0x235: {  	v11 =	vmul.f32 v50, v9;
	v53 =	vadd.f32 v49, v8;
	v2 =	vadd.f32 v2, v5;
	[tilespmem:s26+$0x180] =	vst v4  }
0x236: {  	v5 =	vmul.f32 v48, v9;
	v10 =	vadd.f32 v10, v16;
	[tilespmem:s26+$0x0] =	vst v3;
	v3 =	vadd.f32 v47, v6  }
0x237: {  	v60 =	vmul.f32 v37, v31;
	v55 =	vadd.f32 v11, v29;
	v6 =	vadd.f32 v51, v35;
	[tilespmem:s26+$0x280] =	vst v53  }
0x238: {  	v52 =	vadd.f32 v5, v28;
	v5 =	vmul.f32 v59, v9;
	v2 =	vadd.f32 v56, v2;
	[tilespmem:s26+$0x200] =	vst v3  }
0x239: {  	v58 =	vmul.f32 v22, v31;
	v3 =	vmul.f32 v57, v9;
	v7 =	vadd.f32 v54, v10;
	[tilespmem:s26+$0x300] =	vst v6  }
0x23a: {  	p0 =	sne.s32 s25, $0x1C000;
	v62 =	vmul.f32 v34, v31;
	v4 =	vadd.f32 v60, v55;
	v0 =	vadd.f32 v5, v0;
	[tilespmem:s26+$0x400] =	vst v2  }
.Ltmp0:
0x23b: {  	v61 =	vmul.f32 v30, v31;
	v1 =	vadd.f32 v58, v52;
	v3 =	vadd.f32 v3, v21;
	[tilespmem:s26+$0x380] =	vst v7;
	(pc) =	sbr.rel @p0 .LBB2_3-.Ltmp0, $4  }
0x23c: {  	[tilespmem:s26+$0x500] =	vst v4;
	v0 =	vadd.f32 v62, v0  }
0x23d: {  	[tilespmem:s26+$0x480] =	vst v1;
	v63 =	vadd.f32 v61, v3  }
0x23e: {  	s29 =	sadd.s32 $0x30, s29;
	[tilespmem:s26+$0x600] =	vst v0  }
0x23f: {  	s25 =	sadd.s32 $0x4000, s25;
	s28 =	sadd.s32 $0x10, s28;
	[tilespmem:s26+$0x580] =	vst v63;
	s26 =	sadd.s32 $0x10, s26  }
0x240: {  	s25 =	sadd.s32 s9, s24  }
0x241: {  	s24 =	sadd.s32 $0x1, s24;
	s25 =	smul.u32 $0x190, s25  }
0x242: {  	p0 =	sne.s32 s24, $0x20  }
.Ltmp1:
0x243: {  	s25 =	sadd.s32 s2, s25;
	(pc) =	sbr.rel @p0 .LBB2_2-.Ltmp1, $4  }
0x244: {  	[hbm4b:s25+s3] =	stream.linear.scatter [tilespmem:s20], [sflag:$0x2], $0xC80, $0x38;
	[tilespmem:$0x5F80] =	vst v63  }
0x245: {  	_ =	swait.ge [sflag:s11], $0xC80  }
0x246: {  	[sflag:s11] =	ssyncset.done $0x0  }
0x247: {  	s23 =	sadd.s32 $0x180, s23;
	s22 =	sadd.s32 $0x80, s22;
	[sflag:s11] =	ssyncadd.s32 $0xFFFFF380  }
0x248: {  	s21 =	sadd.s32 $0x1, s21  }
0x249: {  	p0 =	sne.s32 s21, s10  }
.Ltmp2:
0x24a: {  	_ = 	snop;
	(pc) =	sbr.rel @p0 .LBB2_1-.Ltmp2, $1  }
0x24b: {  	_ =	sdelay $0x3  }
0x24c: {  	_ =	sfence.sel $0x180000  }
0x24d: {  	[bflag:$0x0] =	sbarrier.arrive $0xFFFF  }
0x24e: {  	p0 =	sne.s32 s1, $0x0;
	_ =	strace $0x90000047  }
0x24f: {  	s0 =	sadd.s32 @!p0 $0x100000, s0;
	[bflag:$0x2] =	sbarrier.arrive $0xFFFF  }
0x250: {  	[sflag:s0] =	ssyncadd.tile.s32 @!p0 $0x1;
	_ =	shalt  }
.Lfunc_end2:
_tile_overlayer_lowered:
.L_overlay_start_2:
0x251: {  	(tag) =	ssettag $0x2  }
0x252: {  	s0 =	rddreg [dreg:$0x0];
	s2 =	stileid.u32  }
0x253: {  	s1 =	rddreg [dreg:$0x1];
	p0 =	sne.s32 s2, $0x0  }
0x254: {  	s3 =	rddreg [dreg:$0x2];
	[bflag:$0x3] =	sbarrier.arrive $0xFFFF;
	s2 =	simm.s32 @!p0 $0x1C02  }
0x255: {  	[timem:s3], [sflag:s2] =	dma.local @!p0 [hbm:s0], s1  }
0x256: {  	s0 =	simm.s32 @!p0 $0x2  }
0x257: {  	_ =	swait.ge @!p0 [sflag:s0], s1  }
0x258: {  	s1 =	ssub.s32 @!p0 $0x0, s1;
	[sflag:s0] =	ssyncset.done @!p0 $0x0  }
0x259: {  	[sflag:s0] =	ssyncadd.s32 @!p0 s1  }
0x25a: {  	[bflag:$0x3] =	sbarrier.arrive $0xFFFF  }
0x25b: {  	_ =	shalt  }

</sc_bundles>
